<compile_context>
chip_gen: v7x
topology: tpu7x:2x2x1
jax: 0.10.2.dev20260603
libtpu: 0.0.44.dev20260713+nightly
codegen_flags: <defaults>
</compile_context>

<pallas_src>
import functools

import jax
import jax.numpy as jnp
from jax import lax
from jax.experimental import pallas as pl
from jax.experimental.pallas import tpu as pltpu
from jax.experimental.pallas import tpu_sc as plsc

N = 10000
D = 128
E = 320000
EPS = 1e-5
NP = 10240
NC = 2
NS = 16
NW = NC * NS
CH = 128
GR = 16
RT = 80
E_PAD = NW * RT * CH
PAD = E_PAD - E
NH = 10112
RPT = NH // NS
DPT = NP // NS

_mesh = plsc.VectorSubcoreMesh(core_axis_name="c", subcore_axis_name="s")


@functools.partial(
    pl.kernel,
    out_type=jax.ShapeDtypeStruct((NC * NP,), jnp.float32),
    mesh=_mesh,
    scratch_types=[
        pltpu.VMEM((RT, CH), jnp.int32),
        pltpu.VMEM((CH,), jnp.float32),
        pltpu.VMEM((DPT,), jnp.float32),
        pltpu.VMEM_SHARED((NP,), jnp.float32),
    ],
)
def _deg_kernel(dst_hbm, out_hbm, dst_v, ones, zbuf, dacc):
    c = lax.axis_index("c")
    s = lax.axis_index("s")
    wid = s * NC + c

    def fill_ones(i, carry):
        ones[pl.ds(i * 16, 16)] = jnp.full((16,), 1.0, jnp.float32)
        return carry

    lax.fori_loop(0, CH // 16, fill_ones, 0)

    def fill_z(i, carry):
        zbuf[pl.ds(i * 16, 16)] = jnp.zeros((16,), jnp.float32)
        return carry

    lax.fori_loop(0, DPT // 16, fill_z, 0)

    pltpu.sync_copy(zbuf, dacc.at[pl.ds(s * DPT, DPT)])
    pltpu.sync_copy(dst_hbm.at[wid], dst_v)
    plsc.subcore_barrier()

    def body(j, carry):
        pltpu.sync_copy(ones, dacc.at[dst_v.at[j]], add=True)
        return carry

    lax.fori_loop(0, RT, body, 0)
    plsc.subcore_barrier()
    pltpu.sync_copy(dacc.at[pl.ds(s * DPT, DPT)],
                    out_hbm.at[pl.ds(c * NP + s * DPT, DPT)])


@functools.partial(
    pl.kernel,
    out_type=jax.ShapeDtypeStruct((NC * NH, D), jnp.float32),
    mesh=_mesh,
    scratch_types=[
        pltpu.VMEM((RT, CH), jnp.int32),
        pltpu.VMEM((RT, CH), jnp.int32),
        pltpu.VMEM((GR, D), jnp.float32),
        pltpu.VMEM((GR, D), jnp.float32),
        pltpu.VMEM((GR, D), jnp.float32),
        pltpu.VMEM((GR, D), jnp.float32),
        pltpu.VMEM((GR, D), jnp.float32),
        pltpu.VMEM((GR, D), jnp.float32),
        pltpu.VMEM((GR, D), jnp.float32),
        pltpu.VMEM((GR, D), jnp.float32),
        pltpu.VMEM_SHARED((NH, D), jnp.float32),
        pltpu.SemaphoreType.DMA,
    ],
)
def _scatter_kernel(hs_hbm, src_hbm, dst_hbm, zeros_hbm, out_hbm,
                    src_v, dst_v, g0, g1, g2, g3, g4, g5, g6, g7, acc, sem0):
    c = lax.axis_index("c")
    s = lax.axis_index("s")
    wid = s * NC + c

    pltpu.sync_copy(src_hbm.at[wid], src_v)
    pltpu.sync_copy(dst_hbm.at[wid], dst_v)

    rows = pl.ds(s * RPT, RPT)

    @pl.when(c == 0)
    def _():
        pltpu.sync_copy(hs_hbm.at[rows], acc.at[rows])

    @pl.when(c == 1)
    def _():
        pltpu.sync_copy(zeros_hbm.at[rows], acc.at[rows])

    plsc.subcore_barrier()

    gs = (g0, g1, g2, g3, g4, g5, g6, g7)

    def fire(j, b, gbuf):
        return pltpu.async_copy(
            hs_hbm.at[src_v.at[j, pl.ds(b * GR, GR)]], gbuf, sem0)

    for b, gbuf in enumerate(gs):
        fire(0, b, gbuf)

    def body(j, carry):
        jn = jnp.minimum(j + 1, RT - 1)
        for b, gbuf in enumerate(gs):
            pltpu.make_async_copy(hs_hbm.at[pl.ds(0, GR)], gbuf, sem0).wait()
            pltpu.sync_copy(gbuf, acc.at[dst_v.at[j, pl.ds(b * GR, GR)]],
                            add=True)
            fire(jn, b, gbuf)
        return carry

    lax.fori_loop(0, RT, body, 0)
    for gbuf in gs:
        pltpu.make_async_copy(hs_hbm.at[pl.ds(0, GR)], gbuf, sem0).wait()

    plsc.subcore_barrier()
    pltpu.sync_copy(acc.at[rows], out_hbm.at[pl.ds(c * NH + s * RPT, RPT)])


def _dinv_col(deg_ref):
    dsum = deg_ref[0:1, :] + deg_ref[1:2, :] + 1.0
    return jnp.transpose(lax.rsqrt(dsum))[:N, :]


def _mm1_body(x_ref, w_ref, o_ref):
    o_ref[0:N, :] = jnp.dot(x_ref[...], w_ref[...],
                            preferred_element_type=jnp.float32)
    o_ref[N:NH, :] = jnp.zeros((NH - N, D), jnp.float32)


def _scale_body(h_ref, deg_ref, o_ref):
    dcol = _dinv_col(deg_ref)
    o_ref[0:N, :] = h_ref[0:N, :] * dcol
    o_ref[N:NH, :] = jnp.zeros((NH - N, D), jnp.float32)


def _bn(agg, g_ref, be_ref):
    mu = jnp.mean(agg, axis=0, keepdims=True)
    var = jnp.mean(agg * agg, axis=0, keepdims=True) - mu * mu
    return (agg - mu) * lax.rsqrt(var + EPS) * g_ref[...] + be_ref[...]


def _post1_body(acc_ref, deg_ref, b_ref, g_ref, be_ref, w2_ref, o_ref):
    dcol = _dinv_col(deg_ref)
    agg = (acc_ref[0:N, :] + acc_ref[NH:NH + N, :]) * dcol + b_ref[...]
    y = jnp.maximum(_bn(agg, g_ref, be_ref), 0.0)
    h2 = jnp.dot(y, w2_ref[...], preferred_element_type=jnp.float32)
    o_ref[0:N, :] = h2 * dcol
    o_ref[N:NH, :] = jnp.zeros((NH - N, D), jnp.float32)


def _post2_body(acc_ref, deg_ref, b_ref, g_ref, be_ref, o_ref):
    dcol = _dinv_col(deg_ref)
    agg = (acc_ref[0:N, :] + acc_ref[NH:NH + N, :]) * dcol + b_ref[...]
    o_ref[...] = _bn(agg, g_ref, be_ref)


def kernel(x, edge_index, W1, b1, gamma1, beta1, W2, b2, gamma2, beta2):
    pad_iota = jnp.arange(PAD, dtype=jnp.int32)
    src2d = jnp.concatenate(
        [edge_index[0], pad_iota % N]).reshape(NW, RT, CH)
    dst2d = jnp.concatenate(
        [edge_index[1], N + (pad_iota % 8)]).reshape(NW, RT, CH)
    zeros = jnp.zeros((NH, D), jnp.float32)

    deg2 = _deg_kernel(dst2d).reshape(NC, NP)

    h1 = pl.pallas_call(
        _mm1_body,
        out_shape=jax.ShapeDtypeStruct((NH, D), jnp.float32),
    )(x, W1)

    hs1 = pl.pallas_call(
        _scale_body,
        out_shape=jax.ShapeDtypeStruct((NH, D), jnp.float32),
    )(h1, deg2)

    acc1 = _scatter_kernel(hs1, src2d, dst2d, zeros)

    hs2 = pl.pallas_call(
        _post1_body,
        out_shape=jax.ShapeDtypeStruct((NH, D), jnp.float32),
    )(acc1, deg2, b1.reshape(1, D), gamma1.reshape(1, D),
      beta1.reshape(1, D), W2)

    acc2 = _scatter_kernel(hs2, src2d, dst2d, zeros)

    out = pl.pallas_call(
        _post2_body,
        out_shape=jax.ShapeDtypeStruct((N, D), jnp.float32),
    )(acc2, deg2, b2.reshape(1, D), gamma2.reshape(1, D),
      beta2.reshape(1, D))
    return out

# --- scband reference (transcript-rebuilt; emitter-appended) ---
"""Pipeline reference for scband-single-view-gcn-89378269429931 (READ-ONLY COPY).

The authoritative reference and input builder live on the scoring server;
editing this copy changes nothing except your own understanding.
"""

import jax, jax.numpy as jnp
import numpy as np

N = 10000
E = 320000
D_IN = 128
D_HID = 128
D_OUT = 128
EPS = 1e-5


def setup_inputs(seed: int = 0):
    key = jax.random.key(seed)
    ks = jax.random.split(key, 10)
    x = jax.random.normal(ks[0], (N, D_IN), dtype=jnp.float32)
    edge_index = jax.random.randint(ks[1], (2, E), 0, N, dtype=jnp.int32)
    s1 = 1.0 / np.sqrt(D_IN)
    s2 = 1.0 / np.sqrt(D_HID)
    W1 = jax.random.normal(ks[2], (D_IN, D_HID), dtype=jnp.float32) * s1
    b1 = jnp.zeros((D_HID,), jnp.float32)
    gamma1 = jnp.ones((D_HID,), jnp.float32)
    beta1 = jnp.zeros((D_HID,), jnp.float32)
    W2 = jax.random.normal(ks[3], (D_HID, D_OUT), dtype=jnp.float32) * s2
    b2 = jnp.zeros((D_OUT,), jnp.float32)
    gamma2 = jnp.ones((D_OUT,), jnp.float32)
    beta2 = jnp.zeros((D_OUT,), jnp.float32)
    return {"x": x, "edge_index": edge_index, "W1": W1, "b1": b1,
            "gamma1": gamma1, "beta1": beta1, "W2": W2, "b2": b2,
            "gamma2": gamma2, "beta2": beta2}


def _gcn_conv(x, edge_index, W, b):
    # PyG-style GCNConv: linear transform, add self-loops, symmetric deg^-1/2 norm, scatter-add
    src = edge_index[0]
    dst = edge_index[1]
    loop = jnp.arange(N, dtype=src.dtype)
    s = jnp.concatenate([src, loop])
    d = jnp.concatenate([dst, loop])
    h = x @ W
    deg = jnp.zeros((N,), jnp.float32).at[d].add(1.0)
    dinv = jnp.where(deg > 0, jax.lax.rsqrt(deg), 0.0)
    norm = dinv[s] * dinv[d]
    msg = h[s] * norm[:, None]
    agg = jnp.zeros((N, h.shape[1]), jnp.float32).at[d].add(msg)
    return agg + b


def _batch_norm(h, gamma, beta):
    mu = jnp.mean(h, axis=0)
    var = jnp.var(h, axis=0)
    return (h - mu) / jnp.sqrt(var + EPS) * gamma + beta


def reference(x, edge_index, W1, b1, gamma1, beta1, W2, b2, gamma2, beta2):
    h = _gcn_conv(x, edge_index, W1, b1)
    h = _batch_norm(h, gamma1, beta1)
    h = jax.nn.relu(h)
    # dropout is identity at inference
    h = _gcn_conv(h, edge_index, W2, b2)
    h = _batch_norm(h, gamma2, beta2)
    return h

if __name__ == "__main__":
    import jax
    _d = setup_inputs()
    print(jax.jit(kernel)(*tuple(_d.values())))

</pallas_src>

<mosaic_0001>
#map = affine_map<(d0, d1) -> (0, 0, 0)>
#map1 = affine_map<(d0, d1) -> (0)>
module attributes {stable_mosaic.version = 14 : i64} {
  func.func @_deg_kernel(%arg0: i32, %arg1: i32, %arg2: memref<32x80x128xi32, #tpu.memory_space<hbm>>, %arg3: memref<20480xf32, #tpu.memory_space<hbm>>, %arg4: memref<80x128xi32, #tpu.memory_space<vmem>>, %arg5: memref<128xf32, #tpu.memory_space<vmem>>, %arg6: memref<640xf32, #tpu.memory_space<vmem>>, %arg7: memref<10240xf32, #tpu.memory_space<vmem_shared>>) attributes {dimension_semantics = [#tpu.dimension_semantics<core_parallel>, #tpu.dimension_semantics<subcore_parallel>], iteration_bounds = array<i64: 2, 16>, scalar_prefetch = 0 : i64, scratch_operands = 4 : i64, tpu.core_type = #tpu.core_type<sc_vector_subcore>, window_params = [{transform_indices = #map}, {transform_indices = #map1}]} {
    %mul3A = arith.constant 2 : i32
    %mul3A_0 = arith.muli %arg1, %mul3A : i32
    %add3A = arith.addi %mul3A_0, %arg0 : i32
    %scan3A = arith.constant 0 : i32
    %scan3A_1 = arith.constant 0 : i32
    %scan3A_2 = arith.constant 8 : i32
    %scan3A_3 = arith.addi %scan3A_1, %scan3A_2 : i32
    %scan3A_4 = arith.constant 1 : i32
    scf.for %scan3A_28 = %scan3A_1 to %scan3A_3 step %scan3A_4  : i32 {
      %broadcast_in_dim3A = arith.constant 1.000000e+00 : f32
      %broadcast_in_dim3A_29 = vector.broadcast %broadcast_in_dim3A : f32 to vector<16xf32>
      %mul3A_30 = arith.constant 16 : i32
      %mul3A_31 = arith.muli %scan3A_28, %mul3A_30 : i32
      %swap3A = arith.index_cast %mul3A_31 : i32 to index
      %swap3A_32 = tpu.vector_load %arg5[%swap3A] {strides = array<i32>} : memref<128xf32, #tpu.memory_space<vmem>>, vector<16xf32>,
      %swap3A_33 = vector.shape_cast %swap3A_32 : vector<16xf32> to vector<16xf32>
      %swap3A_34 = vector.shape_cast %broadcast_in_dim3A_29 : vector<16xf32> to vector<16xf32>
      tpu.vector_store %arg5[%swap3A], %swap3A_34 {strides = array<i32>} : memref<128xf32, #tpu.memory_space<vmem>>, vector<16xf32>,
    }
    %scan3A_5 = arith.constant 8 : i32
    %scan3A_6 = arith.constant 0 : i32
    %scan3A_7 = arith.constant 0 : i32
    %scan3A_8 = arith.constant 40 : i32
    %scan3A_9 = arith.addi %scan3A_7, %scan3A_8 : i32
    %scan3A_10 = arith.constant 1 : i32
    scf.for %scan3A_28 = %scan3A_7 to %scan3A_9 step %scan3A_10  : i32 {
      %broadcast_in_dim3A = arith.constant 0.000000e+00 : f32
      %broadcast_in_dim3A_29 = vector.broadcast %broadcast_in_dim3A : f32 to vector<16xf32>
      %mul3A_30 = arith.constant 16 : i32
      %mul3A_31 = arith.muli %scan3A_28, %mul3A_30 : i32
      %swap3A = arith.index_cast %mul3A_31 : i32 to index
      %swap3A_32 = tpu.vector_load %arg6[%swap3A] {strides = array<i32>} : memref<640xf32, #tpu.memory_space<vmem>>, vector<16xf32>,
      %swap3A_33 = vector.shape_cast %swap3A_32 : vector<16xf32> to vector<16xf32>
      %swap3A_34 = vector.shape_cast %broadcast_in_dim3A_29 : vector<16xf32> to vector<16xf32>
      tpu.vector_store %arg6[%swap3A], %swap3A_34 {strides = array<i32>} : memref<640xf32, #tpu.memory_space<vmem>>, vector<16xf32>,
    }
    %scan3A_11 = arith.constant 40 : i32
    %mul3A_12 = arith.constant 640 : i32
    %mul3A_13 = arith.muli %arg1, %mul3A_12 : i32
    "tpu.region"() ({
      %run_scoped3A = tpu.sem_alloc : memref<!tpu.dma_semaphore, #tpu.memory_space<semaphore_mem>>
      %dma_start3A = tpu.memref_slice %arg7[%mul3A_13] : memref<10240xf32, #tpu.memory_space<vmem_shared>> -> memref<640xf32, #tpu.memory_space<vmem_shared>>
      %dma_start3A_28 = tpu.memref_slice %arg7[%mul3A_13] : memref<10240xf32, #tpu.memory_space<vmem_shared>> -> memref<640xf32, #tpu.memory_space<vmem_shared>>
      tpu.enqueue_dma source(%arg6 : memref<640xf32, #tpu.memory_space<vmem>>) target(%dma_start3A_28 : memref<640xf32, #tpu.memory_space<vmem_shared>>) target_semaphore(%run_scoped3A : memref<!tpu.dma_semaphore, #tpu.memory_space<semaphore_mem>>)
      %dma_wait3A = tpu.memref_slice %arg7[%mul3A_13] : memref<10240xf32, #tpu.memory_space<vmem_shared>> -> memref<640xf32, #tpu.memory_space<vmem_shared>>
      %dma_wait3A_29 = tpu.memref_slice %arg7[%mul3A_13] : memref<10240xf32, #tpu.memory_space<vmem_shared>> -> memref<640xf32, #tpu.memory_space<vmem_shared>>
      tpu.wait_dma2 semaphore(%run_scoped3A : memref<!tpu.dma_semaphore, #tpu.memory_space<semaphore_mem>>) src(%arg6 : memref<640xf32, #tpu.memory_space<vmem>>) dst(%dma_wait3A_29 : memref<640xf32, #tpu.memory_space<vmem_shared>>)
      tpu.yield
    }) : () -> ()
    "tpu.region"() ({
      %run_scoped3A = tpu.sem_alloc : memref<!tpu.dma_semaphore, #tpu.memory_space<semaphore_mem>>
      %dma_start3A = arith.constant 0 : i32
      %dma_start3A_28 = arith.constant 0 : i32
      %dma_start3A_29 = tpu.memref_slice %arg2[%add3A, %dma_start3A, %dma_start3A_28] : memref<32x80x128xi32, #tpu.memory_space<hbm>> -> memref<1x80x128xi32, #tpu.memory_space<hbm>>
      %dma_start3A_30 = tpu.memref_squeeze %dma_start3A_29 : memref<1x80x128xi32, #tpu.memory_space<hbm>> -> memref<80x128xi32, #tpu.memory_space<hbm>>
      %dma_start3A_31 = arith.constant 0 : i32
      %dma_start3A_32 = arith.constant 0 : i32
      %dma_start3A_33 = tpu.memref_slice %arg2[%add3A, %dma_start3A_31, %dma_start3A_32] : memref<32x80x128xi32, #tpu.memory_space<hbm>> -> memref<1x80x128xi32, #tpu.memory_space<hbm>>
      %dma_start3A_34 = tpu.memref_squeeze %dma_start3A_33 : memref<1x80x128xi32, #tpu.memory_space<hbm>> -> memref<80x128xi32, #tpu.memory_space<hbm>>
      tpu.enqueue_dma source(%dma_start3A_34 : memref<80x128xi32, #tpu.memory_space<hbm>>) target(%arg4 : memref<80x128xi32, #tpu.memory_space<vmem>>) target_semaphore(%run_scoped3A : memref<!tpu.dma_semaphore, #tpu.memory_space<semaphore_mem>>)
      %dma_wait3A = arith.constant 0 : i32
      %dma_wait3A_35 = arith.constant 0 : i32
      %dma_wait3A_36 = tpu.memref_slice %arg2[%add3A, %dma_wait3A, %dma_wait3A_35] : memref<32x80x128xi32, #tpu.memory_space<hbm>> -> memref<1x80x128xi32, #tpu.memory_space<hbm>>
      %dma_wait3A_37 = tpu.memref_squeeze %dma_wait3A_36 : memref<1x80x128xi32, #tpu.memory_space<hbm>> -> memref<80x128xi32, #tpu.memory_space<hbm>>
      %dma_wait3A_38 = arith.constant 0 : i32
      %dma_wait3A_39 = arith.constant 0 : i32
      %dma_wait3A_40 = tpu.memref_slice %arg2[%add3A, %dma_wait3A_38, %dma_wait3A_39] : memref<32x80x128xi32, #tpu.memory_space<hbm>> -> memref<1x80x128xi32, #tpu.memory_space<hbm>>
      %dma_wait3A_41 = tpu.memref_squeeze %dma_wait3A_40 : memref<1x80x128xi32, #tpu.memory_space<hbm>> -> memref<80x128xi32, #tpu.memory_space<hbm>>
      tpu.wait_dma2 semaphore(%run_scoped3A : memref<!tpu.dma_semaphore, #tpu.memory_space<semaphore_mem>>) src(%dma_wait3A_41 : memref<80x128xi32, #tpu.memory_space<hbm>>) dst(%arg4 : memref<80x128xi32, #tpu.memory_space<vmem>>)
      tpu.yield
    }) : () -> ()
    %barrier3A = arith.constant 0 : index
    tpu.barrier barrier_id(%barrier3A)
    %scan3A_14 = arith.constant 0 : i32
    %scan3A_15 = arith.constant 0 : i32
    %scan3A_16 = arith.constant 80 : i32
    %scan3A_17 = arith.addi %scan3A_15, %scan3A_16 : i32
    %scan3A_18 = arith.constant 1 : i32
    scf.for %scan3A_28 = %scan3A_15 to %scan3A_17 step %scan3A_18  : i32 {
      "tpu.region"() ({
        %run_scoped3A = tpu.sem_alloc : memref<!tpu.dma_semaphore, #tpu.memory_space<semaphore_mem>>
        %dma_start3A = arith.constant 0 : i32
        %dma_start3A_29 = tpu.memref_slice %arg4[%scan3A_28, %dma_start3A] : memref<80x128xi32, #tpu.memory_space<vmem>> -> memref<1x128xi32, #tpu.memory_space<vmem>>
        %dma_start3A_30 = tpu.memref_squeeze %dma_start3A_29 : memref<1x128xi32, #tpu.memory_space<vmem>> -> memref<128xi32, #tpu.memory_space<vmem>>
        %dma_start3A_31 = arith.constant 0 : i32
        %dma_start3A_32 = tpu.memref_slice %arg7[%dma_start3A_31] : memref<10240xf32, #tpu.memory_space<vmem_shared>> -> memref<10240xf32, #tpu.memory_space<vmem_shared>>
        tpu.enqueue_indirect_dma source(%arg5 : memref<128xf32, #tpu.memory_space<vmem>>) target(%dma_start3A_32 : memref<10240xf32, #tpu.memory_space<vmem_shared>>) offsets(%dma_start3A_30 : memref<128xi32, #tpu.memory_space<vmem>>) semaphore(%run_scoped3A : memref<!tpu.dma_semaphore, #tpu.memory_space<semaphore_mem>>) {add = true}
        %dma_wait3A = arith.constant 0 : i32
        %dma_wait3A_33 = tpu.memref_slice %arg4[%scan3A_28, %dma_wait3A] : memref<80x128xi32, #tpu.memory_space<vmem>> -> memref<1x128xi32, #tpu.memory_space<vmem>>
        %dma_wait3A_34 = tpu.memref_squeeze %dma_wait3A_33 : memref<1x128xi32, #tpu.memory_space<vmem>> -> memref<128xi32, #tpu.memory_space<vmem>>
        %dma_wait3A_35 = arith.constant 0 : i32
        %dma_wait3A_36 = tpu.memref_slice %arg7[%dma_wait3A_35] : memref<10240xf32, #tpu.memory_space<vmem_shared>> -> memref<10240xf32, #tpu.memory_space<vmem_shared>>
        tpu.wait_indirect_dma semaphore(%run_scoped3A : memref<!tpu.dma_semaphore, #tpu.memory_space<semaphore_mem>>) src(%arg5 : memref<128xf32, #tpu.memory_space<vmem>>) dst(%dma_wait3A_36 : memref<10240xf32, #tpu.memory_space<vmem_shared>>)
        tpu.yield
      }) : () -> ()
    }
    %scan3A_19 = arith.constant 80 : i32
    %barrier3A_20 = arith.constant 0 : index
    tpu.barrier barrier_id(%barrier3A_20)
    %mul3A_21 = arith.constant 640 : i32
    %mul3A_22 = arith.muli %arg1, %mul3A_21 : i32
    %mul3A_23 = arith.constant 10240 : i32
    %mul3A_24 = arith.muli %arg0, %mul3A_23 : i32
    %mul3A_25 = arith.constant 640 : i32
    %mul3A_26 = arith.muli %arg1, %mul3A_25 : i32
    %add3A_27 = arith.addi %mul3A_24, %mul3A_26 : i32
    "tpu.region"() ({
      %run_scoped3A = tpu.sem_alloc : memref<!tpu.dma_semaphore, #tpu.memory_space<semaphore_mem>>
      %dma_start3A = tpu.memref_slice %arg3[%add3A_27] : memref<20480xf32, #tpu.memory_space<hbm>> -> memref<640xf32, #tpu.memory_space<hbm>>
      %dma_start3A_28 = tpu.memref_slice %arg7[%mul3A_22] : memref<10240xf32, #tpu.memory_space<vmem_shared>> -> memref<640xf32, #tpu.memory_space<vmem_shared>>
      tpu.enqueue_dma source(%dma_start3A_28 : memref<640xf32, #tpu.memory_space<vmem_shared>>) target(%dma_start3A : memref<640xf32, #tpu.memory_space<hbm>>) target_semaphore(%run_scoped3A : memref<!tpu.dma_semaphore, #tpu.memory_space<semaphore_mem>>)
      %dma_wait3A = tpu.memref_slice %arg3[%add3A_27] : memref<20480xf32, #tpu.memory_space<hbm>> -> memref<640xf32, #tpu.memory_space<hbm>>
      %dma_wait3A_29 = tpu.memref_slice %arg7[%mul3A_22] : memref<10240xf32, #tpu.memory_space<vmem_shared>> -> memref<640xf32, #tpu.memory_space<vmem_shared>>
      tpu.wait_dma2 semaphore(%run_scoped3A : memref<!tpu.dma_semaphore, #tpu.memory_space<semaphore_mem>>) src(%dma_wait3A_29 : memref<640xf32, #tpu.memory_space<vmem_shared>>) dst(%dma_wait3A : memref<640xf32, #tpu.memory_space<hbm>>)
      tpu.yield
    }) : () -> ()
    return
  }
}

#map = affine_map<(d0, d1) -> (0, 0)>
#map1 = affine_map<(d0, d1) -> (0, 0, 0)>
module attributes {stable_mosaic.version = 14 : i64} {
  func.func @_scatter_kernel(%arg0: i32, %arg1: i32, %arg2: memref<10112x128xf32, #tpu.memory_space<hbm>>, %arg3: memref<32x80x128xi32, #tpu.memory_space<hbm>>, %arg4: memref<32x80x128xi32, #tpu.memory_space<hbm>>, %arg5: memref<10112x128xf32, #tpu.memory_space<hbm>>, %arg6: memref<20224x128xf32, #tpu.memory_space<hbm>>, %arg7: memref<80x128xi32, #tpu.memory_space<vmem>>, %arg8: memref<80x128xi32, #tpu.memory_space<vmem>>, %arg9: memref<16x128xf32, #tpu.memory_space<vmem>>, %arg10: memref<16x128xf32, #tpu.memory_space<vmem>>, %arg11: memref<16x128xf32, #tpu.memory_space<vmem>>, %arg12: memref<16x128xf32, #tpu.memory_space<vmem>>, %arg13: memref<16x128xf32, #tpu.memory_space<vmem>>, %arg14: memref<16x128xf32, #tpu.memory_space<vmem>>, %arg15: memref<16x128xf32, #tpu.memory_space<vmem>>, %arg16: memref<16x128xf32, #tpu.memory_space<vmem>>, %arg17: memref<10112x128xf32, #tpu.memory_space<vmem_shared>>, %arg18: memref<!tpu.dma_semaphore, #tpu.memory_space<semaphore_mem>>) attributes {dimension_semantics = [#tpu.dimension_semantics<core_parallel>, #tpu.dimension_semantics<subcore_parallel>], iteration_bounds = array<i64: 2, 16>, scalar_prefetch = 0 : i64, scratch_operands = 12 : i64, tpu.core_type = #tpu.core_type<sc_vector_subcore>, window_params = [{transform_indices = #map}, {transform_indices = #map1}, {transform_indices = #map1}, {transform_indices = #map}, {transform_indices = #map}]} {
    %mul3A = arith.constant 2 : i32
    %mul3A_0 = arith.muli %arg1, %mul3A : i32
    %add3A = arith.addi %mul3A_0, %arg0 : i32
    "tpu.region"() ({
      %run_scoped3A = tpu.sem_alloc : memref<!tpu.dma_semaphore, #tpu.memory_space<semaphore_mem>>
      %dma_start3A_123 = arith.constant 0 : i32
      %dma_start3A_124 = arith.constant 0 : i32
      %dma_start3A_125 = tpu.memref_slice %arg3[%add3A, %dma_start3A_123, %dma_start3A_124] : memref<32x80x128xi32, #tpu.memory_space<hbm>> -> memref<1x80x128xi32, #tpu.memory_space<hbm>>
      %dma_start3A_126 = tpu.memref_squeeze %dma_start3A_125 : memref<1x80x128xi32, #tpu.memory_space<hbm>> -> memref<80x128xi32, #tpu.memory_space<hbm>>
      %dma_start3A_127 = arith.constant 0 : i32
      %dma_start3A_128 = arith.constant 0 : i32
      %dma_start3A_129 = tpu.memref_slice %arg3[%add3A, %dma_start3A_127, %dma_start3A_128] : memref<32x80x128xi32, #tpu.memory_space<hbm>> -> memref<1x80x128xi32, #tpu.memory_space<hbm>>
      %dma_start3A_130 = tpu.memref_squeeze %dma_start3A_129 : memref<1x80x128xi32, #tpu.memory_space<hbm>> -> memref<80x128xi32, #tpu.memory_space<hbm>>
      tpu.enqueue_dma source(%dma_start3A_130 : memref<80x128xi32, #tpu.memory_space<hbm>>) target(%arg7 : memref<80x128xi32, #tpu.memory_space<vmem>>) target_semaphore(%run_scoped3A : memref<!tpu.dma_semaphore, #tpu.memory_space<semaphore_mem>>)
      %dma_wait3A_131 = arith.constant 0 : i32
      %dma_wait3A_132 = arith.constant 0 : i32
      %dma_wait3A_133 = tpu.memref_slice %arg3[%add3A, %dma_wait3A_131, %dma_wait3A_132] : memref<32x80x128xi32, #tpu.memory_space<hbm>> -> memref<1x80x128xi32, #tpu.memory_space<hbm>>
      %dma_wait3A_134 = tpu.memref_squeeze %dma_wait3A_133 : memref<1x80x128xi32, #tpu.memory_space<hbm>> -> memref<80x128xi32, #tpu.memory_space<hbm>>
      %dma_wait3A_135 = arith.constant 0 : i32
      %dma_wait3A_136 = arith.constant 0 : i32
      %dma_wait3A_137 = tpu.memref_slice %arg3[%add3A, %dma_wait3A_135, %dma_wait3A_136] : memref<32x80x128xi32, #tpu.memory_space<hbm>> -> memref<1x80x128xi32, #tpu.memory_space<hbm>>
      %dma_wait3A_138 = tpu.memref_squeeze %dma_wait3A_137 : memref<1x80x128xi32, #tpu.memory_space<hbm>> -> memref<80x128xi32, #tpu.memory_space<hbm>>
      tpu.wait_dma2 semaphore(%run_scoped3A : memref<!tpu.dma_semaphore, #tpu.memory_space<semaphore_mem>>) src(%dma_wait3A_138 : memref<80x128xi32, #tpu.memory_space<hbm>>) dst(%arg7 : memref<80x128xi32, #tpu.memory_space<vmem>>)
      tpu.yield
    }) : () -> ()
    "tpu.region"() ({
      %run_scoped3A = tpu.sem_alloc : memref<!tpu.dma_semaphore, #tpu.memory_space<semaphore_mem>>
      %dma_start3A_123 = arith.constant 0 : i32
      %dma_start3A_124 = arith.constant 0 : i32
      %dma_start3A_125 = tpu.memref_slice %arg4[%add3A, %dma_start3A_123, %dma_start3A_124] : memref<32x80x128xi32, #tpu.memory_space<hbm>> -> memref<1x80x128xi32, #tpu.memory_space<hbm>>
      %dma_start3A_126 = tpu.memref_squeeze %dma_start3A_125 : memref<1x80x128xi32, #tpu.memory_space<hbm>> -> memref<80x128xi32, #tpu.memory_space<hbm>>
      %dma_start3A_127 = arith.constant 0 : i32
      %dma_start3A_128 = arith.constant 0 : i32
      %dma_start3A_129 = tpu.memref_slice %arg4[%add3A, %dma_start3A_127, %dma_start3A_128] : memref<32x80x128xi32, #tpu.memory_space<hbm>> -> memref<1x80x128xi32, #tpu.memory_space<hbm>>
      %dma_start3A_130 = tpu.memref_squeeze %dma_start3A_129 : memref<1x80x128xi32, #tpu.memory_space<hbm>> -> memref<80x128xi32, #tpu.memory_space<hbm>>
      tpu.enqueue_dma source(%dma_start3A_130 : memref<80x128xi32, #tpu.memory_space<hbm>>) target(%arg8 : memref<80x128xi32, #tpu.memory_space<vmem>>) target_semaphore(%run_scoped3A : memref<!tpu.dma_semaphore, #tpu.memory_space<semaphore_mem>>)
      %dma_wait3A_131 = arith.constant 0 : i32
      %dma_wait3A_132 = arith.constant 0 : i32
      %dma_wait3A_133 = tpu.memref_slice %arg4[%add3A, %dma_wait3A_131, %dma_wait3A_132] : memref<32x80x128xi32, #tpu.memory_space<hbm>> -> memref<1x80x128xi32, #tpu.memory_space<hbm>>
      %dma_wait3A_134 = tpu.memref_squeeze %dma_wait3A_133 : memref<1x80x128xi32, #tpu.memory_space<hbm>> -> memref<80x128xi32, #tpu.memory_space<hbm>>
      %dma_wait3A_135 = arith.constant 0 : i32
      %dma_wait3A_136 = arith.constant 0 : i32
      %dma_wait3A_137 = tpu.memref_slice %arg4[%add3A, %dma_wait3A_135, %dma_wait3A_136] : memref<32x80x128xi32, #tpu.memory_space<hbm>> -> memref<1x80x128xi32, #tpu.memory_space<hbm>>
      %dma_wait3A_138 = tpu.memref_squeeze %dma_wait3A_137 : memref<1x80x128xi32, #tpu.memory_space<hbm>> -> memref<80x128xi32, #tpu.memory_space<hbm>>
      tpu.wait_dma2 semaphore(%run_scoped3A : memref<!tpu.dma_semaphore, #tpu.memory_space<semaphore_mem>>) src(%dma_wait3A_138 : memref<80x128xi32, #tpu.memory_space<hbm>>) dst(%arg8 : memref<80x128xi32, #tpu.memory_space<vmem>>)
      tpu.yield
    }) : () -> ()
    %mul3A_1 = arith.constant 632 : i32
    %mul3A_2 = arith.muli %arg1, %mul3A_1 : i32
    %eq3A = arith.constant 0 : i32
    %eq3A_3 = arith.cmpi eq, %arg0, %eq3A : i32
    %convert_element_type3A = arith.extui %eq3A_3 : i1 to i32
    %cond3A = arith.constant 0 : i32
    %cond3A_4 = arith.cmpi ne, %convert_element_type3A, %cond3A : i32
    scf.if %cond3A_4 {
      "tpu.region"() ({
        %run_scoped3A = tpu.sem_alloc : memref<!tpu.dma_semaphore, #tpu.memory_space<semaphore_mem>>
        %dma_start3A_123 = arith.constant 0 : i32
        %dma_start3A_124 = tpu.memref_slice %arg17[%mul3A_2, %dma_start3A_123] : memref<10112x128xf32, #tpu.memory_space<vmem_shared>> -> memref<632x128xf32, #tpu.memory_space<vmem_shared>>
        %dma_start3A_125 = arith.constant 0 : i32
        %dma_start3A_126 = tpu.memref_slice %arg2[%mul3A_2, %dma_start3A_125] : memref<10112x128xf32, #tpu.memory_space<hbm>> -> memref<632x128xf32, #tpu.memory_space<hbm>>
        tpu.enqueue_dma source(%dma_start3A_126 : memref<632x128xf32, #tpu.memory_space<hbm>>) target(%dma_start3A_124 : memref<632x128xf32, #tpu.memory_space<vmem_shared>>) target_semaphore(%run_scoped3A : memref<!tpu.dma_semaphore, #tpu.memory_space<semaphore_mem>>)
        %dma_wait3A_127 = arith.constant 0 : i32
        %dma_wait3A_128 = tpu.memref_slice %arg17[%mul3A_2, %dma_wait3A_127] : memref<10112x128xf32, #tpu.memory_space<vmem_shared>> -> memref<632x128xf32, #tpu.memory_space<vmem_shared>>
        %dma_wait3A_129 = arith.constant 0 : i32
        %dma_wait3A_130 = tpu.memref_slice %arg2[%mul3A_2, %dma_wait3A_129] : memref<10112x128xf32, #tpu.memory_space<hbm>> -> memref<632x128xf32, #tpu.memory_space<hbm>>
        tpu.wait_dma2 semaphore(%run_scoped3A : memref<!tpu.dma_semaphore, #tpu.memory_space<semaphore_mem>>) src(%dma_wait3A_130 : memref<632x128xf32, #tpu.memory_space<hbm>>) dst(%dma_wait3A_128 : memref<632x128xf32, #tpu.memory_space<vmem_shared>>)
        tpu.yield
      }) : () -> ()
    } else {
    }
    %eq3A_5 = arith.constant 1 : i32
    %eq3A_6 = arith.cmpi eq, %arg0, %eq3A_5 : i32
    %convert_element_type3A_7 = arith.extui %eq3A_6 : i1 to i32
    %cond3A_8 = arith.constant 0 : i32
    %cond3A_9 = arith.cmpi ne, %convert_element_type3A_7, %cond3A_8 : i32
    scf.if %cond3A_9 {
      "tpu.region"() ({
        %run_scoped3A = tpu.sem_alloc : memref<!tpu.dma_semaphore, #tpu.memory_space<semaphore_mem>>
        %dma_start3A_123 = arith.constant 0 : i32
        %dma_start3A_124 = tpu.memref_slice %arg17[%mul3A_2, %dma_start3A_123] : memref<10112x128xf32, #tpu.memory_space<vmem_shared>> -> memref<632x128xf32, #tpu.memory_space<vmem_shared>>
        %dma_start3A_125 = arith.constant 0 : i32
        %dma_start3A_126 = tpu.memref_slice %arg5[%mul3A_2, %dma_start3A_125] : memref<10112x128xf32, #tpu.memory_space<hbm>> -> memref<632x128xf32, #tpu.memory_space<hbm>>
        tpu.enqueue_dma source(%dma_start3A_126 : memref<632x128xf32, #tpu.memory_space<hbm>>) target(%dma_start3A_124 : memref<632x128xf32, #tpu.memory_space<vmem_shared>>) target_semaphore(%run_scoped3A : memref<!tpu.dma_semaphore, #tpu.memory_space<semaphore_mem>>)
        %dma_wait3A_127 = arith.constant 0 : i32
        %dma_wait3A_128 = tpu.memref_slice %arg17[%mul3A_2, %dma_wait3A_127] : memref<10112x128xf32, #tpu.memory_space<vmem_shared>> -> memref<632x128xf32, #tpu.memory_space<vmem_shared>>
        %dma_wait3A_129 = arith.constant 0 : i32
        %dma_wait3A_130 = tpu.memref_slice %arg5[%mul3A_2, %dma_wait3A_129] : memref<10112x128xf32, #tpu.memory_space<hbm>> -> memref<632x128xf32, #tpu.memory_space<hbm>>
        tpu.wait_dma2 semaphore(%run_scoped3A : memref<!tpu.dma_semaphore, #tpu.memory_space<semaphore_mem>>) src(%dma_wait3A_130 : memref<632x128xf32, #tpu.memory_space<hbm>>) dst(%dma_wait3A_128 : memref<632x128xf32, #tpu.memory_space<vmem_shared>>)
        tpu.yield
      }) : () -> ()
    } else {
    }
    %barrier3A = arith.constant 0 : index
    tpu.barrier barrier_id(%barrier3A)
    %dma_start3A = arith.constant 0 : i32
    %dma_start3A_10 = arith.constant 0 : i32
    %dma_start3A_11 = tpu.memref_slice %arg7[%dma_start3A, %dma_start3A_10] : memref<80x128xi32, #tpu.memory_space<vmem>> -> memref<1x16xi32, #tpu.memory_space<vmem>>
    %dma_start3A_12 = tpu.memref_squeeze %dma_start3A_11 : memref<1x16xi32, #tpu.memory_space<vmem>> -> memref<16xi32, #tpu.memory_space<vmem>>
    %dma_start3A_13 = arith.constant 0 : i32
    %dma_start3A_14 = arith.constant 0 : i32
    %dma_start3A_15 = tpu.memref_slice %arg2[%dma_start3A_13, %dma_start3A_14] : memref<10112x128xf32, #tpu.memory_space<hbm>> -> memref<10112x128xf32, #tpu.memory_space<hbm>>
    tpu.enqueue_indirect_dma source(%dma_start3A_15 : memref<10112x128xf32, #tpu.memory_space<hbm>>) target(%arg9 : memref<16x128xf32, #tpu.memory_space<vmem>>) offsets(%dma_start3A_12 : memref<16xi32, #tpu.memory_space<vmem>>) semaphore(%arg18 : memref<!tpu.dma_semaphore, #tpu.memory_space<semaphore_mem>>)
    %dma_start3A_16 = arith.constant 0 : i32
    %dma_start3A_17 = arith.constant 16 : i32
    %dma_start3A_18 = tpu.memref_slice %arg7[%dma_start3A_16, %dma_start3A_17] : memref<80x128xi32, #tpu.memory_space<vmem>> -> memref<1x16xi32, #tpu.memory_space<vmem>>
    %dma_start3A_19 = tpu.memref_squeeze %dma_start3A_18 : memref<1x16xi32, #tpu.memory_space<vmem>> -> memref<16xi32, #tpu.memory_space<vmem>>
    %dma_start3A_20 = arith.constant 0 : i32
    %dma_start3A_21 = arith.constant 0 : i32
    %dma_start3A_22 = tpu.memref_slice %arg2[%dma_start3A_20, %dma_start3A_21] : memref<10112x128xf32, #tpu.memory_space<hbm>> -> memref<10112x128xf32, #tpu.memory_space<hbm>>
    tpu.enqueue_indirect_dma source(%dma_start3A_22 : memref<10112x128xf32, #tpu.memory_space<hbm>>) target(%arg10 : memref<16x128xf32, #tpu.memory_space<vmem>>) offsets(%dma_start3A_19 : memref<16xi32, #tpu.memory_space<vmem>>) semaphore(%arg18 : memref<!tpu.dma_semaphore, #tpu.memory_space<semaphore_mem>>)
    %dma_start3A_23 = arith.constant 0 : i32
    %dma_start3A_24 = arith.constant 32 : i32
    %dma_start3A_25 = tpu.memref_slice %arg7[%dma_start3A_23, %dma_start3A_24] : memref<80x128xi32, #tpu.memory_space<vmem>> -> memref<1x16xi32, #tpu.memory_space<vmem>>
    %dma_start3A_26 = tpu.memref_squeeze %dma_start3A_25 : memref<1x16xi32, #tpu.memory_space<vmem>> -> memref<16xi32, #tpu.memory_space<vmem>>
    %dma_start3A_27 = arith.constant 0 : i32
    %dma_start3A_28 = arith.constant 0 : i32
    %dma_start3A_29 = tpu.memref_slice %arg2[%dma_start3A_27, %dma_start3A_28] : memref<10112x128xf32, #tpu.memory_space<hbm>> -> memref<10112x128xf32, #tpu.memory_space<hbm>>
    tpu.enqueue_indirect_dma source(%dma_start3A_29 : memref<10112x128xf32, #tpu.memory_space<hbm>>) target(%arg11 : memref<16x128xf32, #tpu.memory_space<vmem>>) offsets(%dma_start3A_26 : memref<16xi32, #tpu.memory_space<vmem>>) semaphore(%arg18 : memref<!tpu.dma_semaphore, #tpu.memory_space<semaphore_mem>>)
    %dma_start3A_30 = arith.constant 0 : i32
    %dma_start3A_31 = arith.constant 48 : i32
    %dma_start3A_32 = tpu.memref_slice %arg7[%dma_start3A_30, %dma_start3A_31] : memref<80x128xi32, #tpu.memory_space<vmem>> -> memref<1x16xi32, #tpu.memory_space<vmem>>
    %dma_start3A_33 = tpu.memref_squeeze %dma_start3A_32 : memref<1x16xi32, #tpu.memory_space<vmem>> -> memref<16xi32, #tpu.memory_space<vmem>>
    %dma_start3A_34 = arith.constant 0 : i32
    %dma_start3A_35 = arith.constant 0 : i32
    %dma_start3A_36 = tpu.memref_slice %arg2[%dma_start3A_34, %dma_start3A_35] : memref<10112x128xf32, #tpu.memory_space<hbm>> -> memref<10112x128xf32, #tpu.memory_space<hbm>>
    tpu.enqueue_indirect_dma source(%dma_start3A_36 : memref<10112x128xf32, #tpu.memory_space<hbm>>) target(%arg12 : memref<16x128xf32, #tpu.memory_space<vmem>>) offsets(%dma_start3A_33 : memref<16xi32, #tpu.memory_space<vmem>>) semaphore(%arg18 : memref<!tpu.dma_semaphore, #tpu.memory_space<semaphore_mem>>)
    %dma_start3A_37 = arith.constant 0 : i32
    %dma_start3A_38 = arith.constant 64 : i32
    %dma_start3A_39 = tpu.memref_slice %arg7[%dma_start3A_37, %dma_start3A_38] : memref<80x128xi32, #tpu.memory_space<vmem>> -> memref<1x16xi32, #tpu.memory_space<vmem>>
    %dma_start3A_40 = tpu.memref_squeeze %dma_start3A_39 : memref<1x16xi32, #tpu.memory_space<vmem>> -> memref<16xi32, #tpu.memory_space<vmem>>
    %dma_start3A_41 = arith.constant 0 : i32
    %dma_start3A_42 = arith.constant 0 : i32
    %dma_start3A_43 = tpu.memref_slice %arg2[%dma_start3A_41, %dma_start3A_42] : memref<10112x128xf32, #tpu.memory_space<hbm>> -> memref<10112x128xf32, #tpu.memory_space<hbm>>
    tpu.enqueue_indirect_dma source(%dma_start3A_43 : memref<10112x128xf32, #tpu.memory_space<hbm>>) target(%arg13 : memref<16x128xf32, #tpu.memory_space<vmem>>) offsets(%dma_start3A_40 : memref<16xi32, #tpu.memory_space<vmem>>) semaphore(%arg18 : memref<!tpu.dma_semaphore, #tpu.memory_space<semaphore_mem>>)
    %dma_start3A_44 = arith.constant 0 : i32
    %dma_start3A_45 = arith.constant 80 : i32
    %dma_start3A_46 = tpu.memref_slice %arg7[%dma_start3A_44, %dma_start3A_45] : memref<80x128xi32, #tpu.memory_space<vmem>> -> memref<1x16xi32, #tpu.memory_space<vmem>>
    %dma_start3A_47 = tpu.memref_squeeze %dma_start3A_46 : memref<1x16xi32, #tpu.memory_space<vmem>> -> memref<16xi32, #tpu.memory_space<vmem>>
    %dma_start3A_48 = arith.constant 0 : i32
    %dma_start3A_49 = arith.constant 0 : i32
    %dma_start3A_50 = tpu.memref_slice %arg2[%dma_start3A_48, %dma_start3A_49] : memref<10112x128xf32, #tpu.memory_space<hbm>> -> memref<10112x128xf32, #tpu.memory_space<hbm>>
    tpu.enqueue_indirect_dma source(%dma_start3A_50 : memref<10112x128xf32, #tpu.memory_space<hbm>>) target(%arg14 : memref<16x128xf32, #tpu.memory_space<vmem>>) offsets(%dma_start3A_47 : memref<16xi32, #tpu.memory_space<vmem>>) semaphore(%arg18 : memref<!tpu.dma_semaphore, #tpu.memory_space<semaphore_mem>>)
    %dma_start3A_51 = arith.constant 0 : i32
    %dma_start3A_52 = arith.constant 96 : i32
    %dma_start3A_53 = tpu.memref_slice %arg7[%dma_start3A_51, %dma_start3A_52] : memref<80x128xi32, #tpu.memory_space<vmem>> -> memref<1x16xi32, #tpu.memory_space<vmem>>
    %dma_start3A_54 = tpu.memref_squeeze %dma_start3A_53 : memref<1x16xi32, #tpu.memory_space<vmem>> -> memref<16xi32, #tpu.memory_space<vmem>>
    %dma_start3A_55 = arith.constant 0 : i32
    %dma_start3A_56 = arith.constant 0 : i32
    %dma_start3A_57 = tpu.memref_slice %arg2[%dma_start3A_55, %dma_start3A_56] : memref<10112x128xf32, #tpu.memory_space<hbm>> -> memref<10112x128xf32, #tpu.memory_space<hbm>>
    tpu.enqueue_indirect_dma source(%dma_start3A_57 : memref<10112x128xf32, #tpu.memory_space<hbm>>) target(%arg15 : memref<16x128xf32, #tpu.memory_space<vmem>>) offsets(%dma_start3A_54 : memref<16xi32, #tpu.memory_space<vmem>>) semaphore(%arg18 : memref<!tpu.dma_semaphore, #tpu.memory_space<semaphore_mem>>)
    %dma_start3A_58 = arith.constant 0 : i32
    %dma_start3A_59 = arith.constant 112 : i32
    %dma_start3A_60 = tpu.memref_slice %arg7[%dma_start3A_58, %dma_start3A_59] : memref<80x128xi32, #tpu.memory_space<vmem>> -> memref<1x16xi32, #tpu.memory_space<vmem>>
    %dma_start3A_61 = tpu.memref_squeeze %dma_start3A_60 : memref<1x16xi32, #tpu.memory_space<vmem>> -> memref<16xi32, #tpu.memory_space<vmem>>
    %dma_start3A_62 = arith.constant 0 : i32
    %dma_start3A_63 = arith.constant 0 : i32
    %dma_start3A_64 = tpu.memref_slice %arg2[%dma_start3A_62, %dma_start3A_63] : memref<10112x128xf32, #tpu.memory_space<hbm>> -> memref<10112x128xf32, #tpu.memory_space<hbm>>
    tpu.enqueue_indirect_dma source(%dma_start3A_64 : memref<10112x128xf32, #tpu.memory_space<hbm>>) target(%arg16 : memref<16x128xf32, #tpu.memory_space<vmem>>) offsets(%dma_start3A_61 : memref<16xi32, #tpu.memory_space<vmem>>) semaphore(%arg18 : memref<!tpu.dma_semaphore, #tpu.memory_space<semaphore_mem>>)
    %scan3A = arith.constant 0 : i32
    %scan3A_65 = arith.constant 0 : i32
    %scan3A_66 = arith.constant 80 : i32
    %scan3A_67 = arith.addi %scan3A_65, %scan3A_66 : i32
    %scan3A_68 = arith.constant 1 : i32
    scf.for %scan3A_123 = %scan3A_65 to %scan3A_67 step %scan3A_68  : i32 {
      %add3A_124 = arith.constant 1 : i32
      %add3A_125 = arith.addi %scan3A_123, %add3A_124 : i32
      %min3A = arith.constant 79 : i32
      %min3A_126 = arith.minsi %add3A_125, %min3A : i32
      %dma_wait3A_127 = arith.constant 0 : i32
      %dma_wait3A_128 = arith.constant 0 : i32
      %dma_wait3A_129 = tpu.memref_slice %arg2[%dma_wait3A_127, %dma_wait3A_128] : memref<10112x128xf32, #tpu.memory_space<hbm>> -> memref<16x128xf32, #tpu.memory_space<hbm>>
      %dma_wait3A_130 = arith.constant 0 : i32
      %dma_wait3A_131 = arith.constant 0 : i32
      %dma_wait3A_132 = tpu.memref_slice %arg2[%dma_wait3A_130, %dma_wait3A_131] : memref<10112x128xf32, #tpu.memory_space<hbm>> -> memref<16x128xf32, #tpu.memory_space<hbm>>
      tpu.wait_dma2 semaphore(%arg18 : memref<!tpu.dma_semaphore, #tpu.memory_space<semaphore_mem>>) src(%dma_wait3A_132 : memref<16x128xf32, #tpu.memory_space<hbm>>) dst(%arg9 : memref<16x128xf32, #tpu.memory_space<vmem>>)
      "tpu.region"() ({
        %run_scoped3A = tpu.sem_alloc : memref<!tpu.dma_semaphore, #tpu.memory_space<semaphore_mem>>
        %dma_start3A_223 = arith.constant 0 : i32
        %dma_start3A_224 = tpu.memref_slice %arg8[%scan3A_123, %dma_start3A_223] : memref<80x128xi32, #tpu.memory_space<vmem>> -> memref<1x16xi32, #tpu.memory_space<vmem>>
        %dma_start3A_225 = tpu.memref_squeeze %dma_start3A_224 : memref<1x16xi32, #tpu.memory_space<vmem>> -> memref<16xi32, #tpu.memory_space<vmem>>
        %dma_start3A_226 = arith.constant 0 : i32
        %dma_start3A_227 = arith.constant 0 : i32
        %dma_start3A_228 = tpu.memref_slice %arg17[%dma_start3A_226, %dma_start3A_227] : memref<10112x128xf32, #tpu.memory_space<vmem_shared>> -> memref<10112x128xf32, #tpu.memory_space<vmem_shared>>
        tpu.enqueue_indirect_dma source(%arg9 : memref<16x128xf32, #tpu.memory_space<vmem>>) target(%dma_start3A_228 : memref<10112x128xf32, #tpu.memory_space<vmem_shared>>) offsets(%dma_start3A_225 : memref<16xi32, #tpu.memory_space<vmem>>) semaphore(%run_scoped3A : memref<!tpu.dma_semaphore, #tpu.memory_space<semaphore_mem>>) {add = true}
        %dma_wait3A_229 = arith.constant 0 : i32
        %dma_wait3A_230 = tpu.memref_slice %arg8[%scan3A_123, %dma_wait3A_229] : memref<80x128xi32, #tpu.memory_space<vmem>> -> memref<1x16xi32, #tpu.memory_space<vmem>>
        %dma_wait3A_231 = tpu.memref_squeeze %dma_wait3A_230 : memref<1x16xi32, #tpu.memory_space<vmem>> -> memref<16xi32, #tpu.memory_space<vmem>>
        %dma_wait3A_232 = arith.constant 0 : i32
        %dma_wait3A_233 = arith.constant 0 : i32
        %dma_wait3A_234 = tpu.memref_slice %arg17[%dma_wait3A_232, %dma_wait3A_233] : memref<10112x128xf32, #tpu.memory_space<vmem_shared>> -> memref<10112x128xf32, #tpu.memory_space<vmem_shared>>
        tpu.wait_indirect_dma semaphore(%run_scoped3A : memref<!tpu.dma_semaphore, #tpu.memory_space<semaphore_mem>>) src(%arg9 : memref<16x128xf32, #tpu.memory_space<vmem>>) dst(%dma_wait3A_234 : memref<10112x128xf32, #tpu.memory_space<vmem_shared>>)
        tpu.yield
      }) : () -> ()
      %dma_start3A_133 = arith.constant 0 : i32
      %dma_start3A_134 = tpu.memref_slice %arg7[%min3A_126, %dma_start3A_133] : memref<80x128xi32, #tpu.memory_space<vmem>> -> memref<1x16xi32, #tpu.memory_space<vmem>>
      %dma_start3A_135 = tpu.memref_squeeze %dma_start3A_134 : memref<1x16xi32, #tpu.memory_space<vmem>> -> memref<16xi32, #tpu.memory_space<vmem>>
      %dma_start3A_136 = arith.constant 0 : i32
      %dma_start3A_137 = arith.constant 0 : i32
      %dma_start3A_138 = tpu.memref_slice %arg2[%dma_start3A_136, %dma_start3A_137] : memref<10112x128xf32, #tpu.memory_space<hbm>> -> memref<10112x128xf32, #tpu.memory_space<hbm>>
      tpu.enqueue_indirect_dma source(%dma_start3A_138 : memref<10112x128xf32, #tpu.memory_space<hbm>>) target(%arg9 : memref<16x128xf32, #tpu.memory_space<vmem>>) offsets(%dma_start3A_135 : memref<16xi32, #tpu.memory_space<vmem>>) semaphore(%arg18 : memref<!tpu.dma_semaphore, #tpu.memory_space<semaphore_mem>>)
      %dma_wait3A_139 = arith.constant 0 : i32
      %dma_wait3A_140 = arith.constant 0 : i32
      %dma_wait3A_141 = tpu.memref_slice %arg2[%dma_wait3A_139, %dma_wait3A_140] : memref<10112x128xf32, #tpu.memory_space<hbm>> -> memref<16x128xf32, #tpu.memory_space<hbm>>
      %dma_wait3A_142 = arith.constant 0 : i32
      %dma_wait3A_143 = arith.constant 0 : i32
      %dma_wait3A_144 = tpu.memref_slice %arg2[%dma_wait3A_142, %dma_wait3A_143] : memref<10112x128xf32, #tpu.memory_space<hbm>> -> memref<16x128xf32, #tpu.memory_space<hbm>>
      tpu.wait_dma2 semaphore(%arg18 : memref<!tpu.dma_semaphore, #tpu.memory_space<semaphore_mem>>) src(%dma_wait3A_144 : memref<16x128xf32, #tpu.memory_space<hbm>>) dst(%arg10 : memref<16x128xf32, #tpu.memory_space<vmem>>)
      "tpu.region"() ({
        %run_scoped3A = tpu.sem_alloc : memref<!tpu.dma_semaphore, #tpu.memory_space<semaphore_mem>>
        %dma_start3A_223 = arith.constant 16 : i32
        %dma_start3A_224 = tpu.memref_slice %arg8[%scan3A_123, %dma_start3A_223] : memref<80x128xi32, #tpu.memory_space<vmem>> -> memref<1x16xi32, #tpu.memory_space<vmem>>
        %dma_start3A_225 = tpu.memref_squeeze %dma_start3A_224 : memref<1x16xi32, #tpu.memory_space<vmem>> -> memref<16xi32, #tpu.memory_space<vmem>>
        %dma_start3A_226 = arith.constant 0 : i32
        %dma_start3A_227 = arith.constant 0 : i32
        %dma_start3A_228 = tpu.memref_slice %arg17[%dma_start3A_226, %dma_start3A_227] : memref<10112x128xf32, #tpu.memory_space<vmem_shared>> -> memref<10112x128xf32, #tpu.memory_space<vmem_shared>>
        tpu.enqueue_indirect_dma source(%arg10 : memref<16x128xf32, #tpu.memory_space<vmem>>) target(%dma_start3A_228 : memref<10112x128xf32, #tpu.memory_space<vmem_shared>>) offsets(%dma_start3A_225 : memref<16xi32, #tpu.memory_space<vmem>>) semaphore(%run_scoped3A : memref<!tpu.dma_semaphore, #tpu.memory_space<semaphore_mem>>) {add = true}
        %dma_wait3A_229 = arith.constant 16 : i32
        %dma_wait3A_230 = tpu.memref_slice %arg8[%scan3A_123, %dma_wait3A_229] : memref<80x128xi32, #tpu.memory_space<vmem>> -> memref<1x16xi32, #tpu.memory_space<vmem>>
        %dma_wait3A_231 = tpu.memref_squeeze %dma_wait3A_230 : memref<1x16xi32, #tpu.memory_space<vmem>> -> memref<16xi32, #tpu.memory_space<vmem>>
        %dma_wait3A_232 = arith.constant 0 : i32
        %dma_wait3A_233 = arith.constant 0 : i32
        %dma_wait3A_234 = tpu.memref_slice %arg17[%dma_wait3A_232, %dma_wait3A_233] : memref<10112x128xf32, #tpu.memory_space<vmem_shared>> -> memref<10112x128xf32, #tpu.memory_space<vmem_shared>>
        tpu.wait_indirect_dma semaphore(%run_scoped3A : memref<!tpu.dma_semaphore, #tpu.memory_space<semaphore_mem>>) src(%arg10 : memref<16x128xf32, #tpu.memory_space<vmem>>) dst(%dma_wait3A_234 : memref<10112x128xf32, #tpu.memory_space<vmem_shared>>)
        tpu.yield
      }) : () -> ()
      %dma_start3A_145 = arith.constant 16 : i32
      %dma_start3A_146 = tpu.memref_slice %arg7[%min3A_126, %dma_start3A_145] : memref<80x128xi32, #tpu.memory_space<vmem>> -> memref<1x16xi32, #tpu.memory_space<vmem>>
      %dma_start3A_147 = tpu.memref_squeeze %dma_start3A_146 : memref<1x16xi32, #tpu.memory_space<vmem>> -> memref<16xi32, #tpu.memory_space<vmem>>
      %dma_start3A_148 = arith.constant 0 : i32
      %dma_start3A_149 = arith.constant 0 : i32
      %dma_start3A_150 = tpu.memref_slice %arg2[%dma_start3A_148, %dma_start3A_149] : memref<10112x128xf32, #tpu.memory_space<hbm>> -> memref<10112x128xf32, #tpu.memory_space<hbm>>
      tpu.enqueue_indirect_dma source(%dma_start3A_150 : memref<10112x128xf32, #tpu.memory_space<hbm>>) target(%arg10 : memref<16x128xf32, #tpu.memory_space<vmem>>) offsets(%dma_start3A_147 : memref<16xi32, #tpu.memory_space<vmem>>) semaphore(%arg18 : memref<!tpu.dma_semaphore, #tpu.memory_space<semaphore_mem>>)
      %dma_wait3A_151 = arith.constant 0 : i32
      %dma_wait3A_152 = arith.constant 0 : i32
      %dma_wait3A_153 = tpu.memref_slice %arg2[%dma_wait3A_151, %dma_wait3A_152] : memref<10112x128xf32, #tpu.memory_space<hbm>> -> memref<16x128xf32, #tpu.memory_space<hbm>>
      %dma_wait3A_154 = arith.constant 0 : i32
      %dma_wait3A_155 = arith.constant 0 : i32
      %dma_wait3A_156 = tpu.memref_slice %arg2[%dma_wait3A_154, %dma_wait3A_155] : memref<10112x128xf32, #tpu.memory_space<hbm>> -> memref<16x128xf32, #tpu.memory_space<hbm>>
      tpu.wait_dma2 semaphore(%arg18 : memref<!tpu.dma_semaphore, #tpu.memory_space<semaphore_mem>>) src(%dma_wait3A_156 : memref<16x128xf32, #tpu.memory_space<hbm>>) dst(%arg11 : memref<16x128xf32, #tpu.memory_space<vmem>>)
      "tpu.region"() ({
        %run_scoped3A = tpu.sem_alloc : memref<!tpu.dma_semaphore, #tpu.memory_space<semaphore_mem>>
        %dma_start3A_223 = arith.constant 32 : i32
        %dma_start3A_224 = tpu.memref_slice %arg8[%scan3A_123, %dma_start3A_223] : memref<80x128xi32, #tpu.memory_space<vmem>> -> memref<1x16xi32, #tpu.memory_space<vmem>>
        %dma_start3A_225 = tpu.memref_squeeze %dma_start3A_224 : memref<1x16xi32, #tpu.memory_space<vmem>> -> memref<16xi32, #tpu.memory_space<vmem>>
        %dma_start3A_226 = arith.constant 0 : i32
        %dma_start3A_227 = arith.constant 0 : i32
        %dma_start3A_228 = tpu.memref_slice %arg17[%dma_start3A_226, %dma_start3A_227] : memref<10112x128xf32, #tpu.memory_space<vmem_shared>> -> memref<10112x128xf32, #tpu.memory_space<vmem_shared>>
        tpu.enqueue_indirect_dma source(%arg11 : memref<16x128xf32, #tpu.memory_space<vmem>>) target(%dma_start3A_228 : memref<10112x128xf32, #tpu.memory_space<vmem_shared>>) offsets(%dma_start3A_225 : memref<16xi32, #tpu.memory_space<vmem>>) semaphore(%run_scoped3A : memref<!tpu.dma_semaphore, #tpu.memory_space<semaphore_mem>>) {add = true}
        %dma_wait3A_229 = arith.constant 32 : i32
        %dma_wait3A_230 = tpu.memref_slice %arg8[%scan3A_123, %dma_wait3A_229] : memref<80x128xi32, #tpu.memory_space<vmem>> -> memref<1x16xi32, #tpu.memory_space<vmem>>
        %dma_wait3A_231 = tpu.memref_squeeze %dma_wait3A_230 : memref<1x16xi32, #tpu.memory_space<vmem>> -> memref<16xi32, #tpu.memory_space<vmem>>
        %dma_wait3A_232 = arith.constant 0 : i32
        %dma_wait3A_233 = arith.constant 0 : i32
        %dma_wait3A_234 = tpu.memref_slice %arg17[%dma_wait3A_232, %dma_wait3A_233] : memref<10112x128xf32, #tpu.memory_space<vmem_shared>> -> memref<10112x128xf32, #tpu.memory_space<vmem_shared>>
        tpu.wait_indirect_dma semaphore(%run_scoped3A : memref<!tpu.dma_semaphore, #tpu.memory_space<semaphore_mem>>) src(%arg11 : memref<16x128xf32, #tpu.memory_space<vmem>>) dst(%dma_wait3A_234 : memref<10112x128xf32, #tpu.memory_space<vmem_shared>>)
        tpu.yield
      }) : () -> ()
      %dma_start3A_157 = arith.constant 32 : i32
      %dma_start3A_158 = tpu.memref_slice %arg7[%min3A_126, %dma_start3A_157] : memref<80x128xi32, #tpu.memory_space<vmem>> -> memref<1x16xi32, #tpu.memory_space<vmem>>
      %dma_start3A_159 = tpu.memref_squeeze %dma_start3A_158 : memref<1x16xi32, #tpu.memory_space<vmem>> -> memref<16xi32, #tpu.memory_space<vmem>>
      %dma_start3A_160 = arith.constant 0 : i32
      %dma_start3A_161 = arith.constant 0 : i32
      %dma_start3A_162 = tpu.memref_slice %arg2[%dma_start3A_160, %dma_start3A_161] : memref<10112x128xf32, #tpu.memory_space<hbm>> -> memref<10112x128xf32, #tpu.memory_space<hbm>>
      tpu.enqueue_indirect_dma source(%dma_start3A_162 : memref<10112x128xf32, #tpu.memory_space<hbm>>) target(%arg11 : memref<16x128xf32, #tpu.memory_space<vmem>>) offsets(%dma_start3A_159 : memref<16xi32, #tpu.memory_space<vmem>>) semaphore(%arg18 : memref<!tpu.dma_semaphore, #tpu.memory_space<semaphore_mem>>)
      %dma_wait3A_163 = arith.constant 0 : i32
      %dma_wait3A_164 = arith.constant 0 : i32
      %dma_wait3A_165 = tpu.memref_slice %arg2[%dma_wait3A_163, %dma_wait3A_164] : memref<10112x128xf32, #tpu.memory_space<hbm>> -> memref<16x128xf32, #tpu.memory_space<hbm>>
      %dma_wait3A_166 = arith.constant 0 : i32
      %dma_wait3A_167 = arith.constant 0 : i32
      %dma_wait3A_168 = tpu.memref_slice %arg2[%dma_wait3A_166, %dma_wait3A_167] : memref<10112x128xf32, #tpu.memory_space<hbm>> -> memref<16x128xf32, #tpu.memory_space<hbm>>
      tpu.wait_dma2 semaphore(%arg18 : memref<!tpu.dma_semaphore, #tpu.memory_space<semaphore_mem>>) src(%dma_wait3A_168 : memref<16x128xf32, #tpu.memory_space<hbm>>) dst(%arg12 : memref<16x128xf32, #tpu.memory_space<vmem>>)
      "tpu.region"() ({
        %run_scoped3A = tpu.sem_alloc : memref<!tpu.dma_semaphore, #tpu.memory_space<semaphore_mem>>
        %dma_start3A_223 = arith.constant 48 : i32
        %dma_start3A_224 = tpu.memref_slice %arg8[%scan3A_123, %dma_start3A_223] : memref<80x128xi32, #tpu.memory_space<vmem>> -> memref<1x16xi32, #tpu.memory_space<vmem>>
        %dma_start3A_225 = tpu.memref_squeeze %dma_start3A_224 : memref<1x16xi32, #tpu.memory_space<vmem>> -> memref<16xi32, #tpu.memory_space<vmem>>
        %dma_start3A_226 = arith.constant 0 : i32
        %dma_start3A_227 = arith.constant 0 : i32
        %dma_start3A_228 = tpu.memref_slice %arg17[%dma_start3A_226, %dma_start3A_227] : memref<10112x128xf32, #tpu.memory_space<vmem_shared>> -> memref<10112x128xf32, #tpu.memory_space<vmem_shared>>
        tpu.enqueue_indirect_dma source(%arg12 : memref<16x128xf32, #tpu.memory_space<vmem>>) target(%dma_start3A_228 : memref<10112x128xf32, #tpu.memory_space<vmem_shared>>) offsets(%dma_start3A_225 : memref<16xi32, #tpu.memory_space<vmem>>) semaphore(%run_scoped3A : memref<!tpu.dma_semaphore, #tpu.memory_space<semaphore_mem>>) {add = true}
        %dma_wait3A_229 = arith.constant 48 : i32
        %dma_wait3A_230 = tpu.memref_slice %arg8[%scan3A_123, %dma_wait3A_229] : memref<80x128xi32, #tpu.memory_space<vmem>> -> memref<1x16xi32, #tpu.memory_space<vmem>>
        %dma_wait3A_231 = tpu.memref_squeeze %dma_wait3A_230 : memref<1x16xi32, #tpu.memory_space<vmem>> -> memref<16xi32, #tpu.memory_space<vmem>>
        %dma_wait3A_232 = arith.constant 0 : i32
        %dma_wait3A_233 = arith.constant 0 : i32
        %dma_wait3A_234 = tpu.memref_slice %arg17[%dma_wait3A_232, %dma_wait3A_233] : memref<10112x128xf32, #tpu.memory_space<vmem_shared>> -> memref<10112x128xf32, #tpu.memory_space<vmem_shared>>
        tpu.wait_indirect_dma semaphore(%run_scoped3A : memref<!tpu.dma_semaphore, #tpu.memory_space<semaphore_mem>>) src(%arg12 : memref<16x128xf32, #tpu.memory_space<vmem>>) dst(%dma_wait3A_234 : memref<10112x128xf32, #tpu.memory_space<vmem_shared>>)
        tpu.yield
      }) : () -> ()
      %dma_start3A_169 = arith.constant 48 : i32
      %dma_start3A_170 = tpu.memref_slice %arg7[%min3A_126, %dma_start3A_169] : memref<80x128xi32, #tpu.memory_space<vmem>> -> memref<1x16xi32, #tpu.memory_space<vmem>>
      %dma_start3A_171 = tpu.memref_squeeze %dma_start3A_170 : memref<1x16xi32, #tpu.memory_space<vmem>> -> memref<16xi32, #tpu.memory_space<vmem>>
      %dma_start3A_172 = arith.constant 0 : i32
      %dma_start3A_173 = arith.constant 0 : i32
      %dma_start3A_174 = tpu.memref_slice %arg2[%dma_start3A_172, %dma_start3A_173] : memref<10112x128xf32, #tpu.memory_space<hbm>> -> memref<10112x128xf32, #tpu.memory_space<hbm>>
      tpu.enqueue_indirect_dma source(%dma_start3A_174 : memref<10112x128xf32, #tpu.memory_space<hbm>>) target(%arg12 : memref<16x128xf32, #tpu.memory_space<vmem>>) offsets(%dma_start3A_171 : memref<16xi32, #tpu.memory_space<vmem>>) semaphore(%arg18 : memref<!tpu.dma_semaphore, #tpu.memory_space<semaphore_mem>>)
      %dma_wait3A_175 = arith.constant 0 : i32
      %dma_wait3A_176 = arith.constant 0 : i32
      %dma_wait3A_177 = tpu.memref_slice %arg2[%dma_wait3A_175, %dma_wait3A_176] : memref<10112x128xf32, #tpu.memory_space<hbm>> -> memref<16x128xf32, #tpu.memory_space<hbm>>
      %dma_wait3A_178 = arith.constant 0 : i32
      %dma_wait3A_179 = arith.constant 0 : i32
      %dma_wait3A_180 = tpu.memref_slice %arg2[%dma_wait3A_178, %dma_wait3A_179] : memref<10112x128xf32, #tpu.memory_space<hbm>> -> memref<16x128xf32, #tpu.memory_space<hbm>>
      tpu.wait_dma2 semaphore(%arg18 : memref<!tpu.dma_semaphore, #tpu.memory_space<semaphore_mem>>) src(%dma_wait3A_180 : memref<16x128xf32, #tpu.memory_space<hbm>>) dst(%arg13 : memref<16x128xf32, #tpu.memory_space<vmem>>)
      "tpu.region"() ({
        %run_scoped3A = tpu.sem_alloc : memref<!tpu.dma_semaphore, #tpu.memory_space<semaphore_mem>>
        %dma_start3A_223 = arith.constant 64 : i32
        %dma_start3A_224 = tpu.memref_slice %arg8[%scan3A_123, %dma_start3A_223] : memref<80x128xi32, #tpu.memory_space<vmem>> -> memref<1x16xi32, #tpu.memory_space<vmem>>
        %dma_start3A_225 = tpu.memref_squeeze %dma_start3A_224 : memref<1x16xi32, #tpu.memory_space<vmem>> -> memref<16xi32, #tpu.memory_space<vmem>>
        %dma_start3A_226 = arith.constant 0 : i32
        %dma_start3A_227 = arith.constant 0 : i32
        %dma_start3A_228 = tpu.memref_slice %arg17[%dma_start3A_226, %dma_start3A_227] : memref<10112x128xf32, #tpu.memory_space<vmem_shared>> -> memref<10112x128xf32, #tpu.memory_space<vmem_shared>>
        tpu.enqueue_indirect_dma source(%arg13 : memref<16x128xf32, #tpu.memory_space<vmem>>) target(%dma_start3A_228 : memref<10112x128xf32, #tpu.memory_space<vmem_shared>>) offsets(%dma_start3A_225 : memref<16xi32, #tpu.memory_space<vmem>>) semaphore(%run_scoped3A : memref<!tpu.dma_semaphore, #tpu.memory_space<semaphore_mem>>) {add = true}
        %dma_wait3A_229 = arith.constant 64 : i32
        %dma_wait3A_230 = tpu.memref_slice %arg8[%scan3A_123, %dma_wait3A_229] : memref<80x128xi32, #tpu.memory_space<vmem>> -> memref<1x16xi32, #tpu.memory_space<vmem>>
        %dma_wait3A_231 = tpu.memref_squeeze %dma_wait3A_230 : memref<1x16xi32, #tpu.memory_space<vmem>> -> memref<16xi32, #tpu.memory_space<vmem>>
        %dma_wait3A_232 = arith.constant 0 : i32
        %dma_wait3A_233 = arith.constant 0 : i32
        %dma_wait3A_234 = tpu.memref_slice %arg17[%dma_wait3A_232, %dma_wait3A_233] : memref<10112x128xf32, #tpu.memory_space<vmem_shared>> -> memref<10112x128xf32, #tpu.memory_space<vmem_shared>>
        tpu.wait_indirect_dma semaphore(%run_scoped3A : memref<!tpu.dma_semaphore, #tpu.memory_space<semaphore_mem>>) src(%arg13 : memref<16x128xf32, #tpu.memory_space<vmem>>) dst(%dma_wait3A_234 : memref<10112x128xf32, #tpu.memory_space<vmem_shared>>)
        tpu.yield
      }) : () -> ()
      %dma_start3A_181 = arith.constant 64 : i32
      %dma_start3A_182 = tpu.memref_slice %arg7[%min3A_126, %dma_start3A_181] : memref<80x128xi32, #tpu.memory_space<vmem>> -> memref<1x16xi32, #tpu.memory_space<vmem>>
      %dma_start3A_183 = tpu.memref_squeeze %dma_start3A_182 : memref<1x16xi32, #tpu.memory_space<vmem>> -> memref<16xi32, #tpu.memory_space<vmem>>
      %dma_start3A_184 = arith.constant 0 : i32
      %dma_start3A_185 = arith.constant 0 : i32
      %dma_start3A_186 = tpu.memref_slice %arg2[%dma_start3A_184, %dma_start3A_185] : memref<10112x128xf32, #tpu.memory_space<hbm>> -> memref<10112x128xf32, #tpu.memory_space<hbm>>
      tpu.enqueue_indirect_dma source(%dma_start3A_186 : memref<10112x128xf32, #tpu.memory_space<hbm>>) target(%arg13 : memref<16x128xf32, #tpu.memory_space<vmem>>) offsets(%dma_start3A_183 : memref<16xi32, #tpu.memory_space<vmem>>) semaphore(%arg18 : memref<!tpu.dma_semaphore, #tpu.memory_space<semaphore_mem>>)
      %dma_wait3A_187 = arith.constant 0 : i32
      %dma_wait3A_188 = arith.constant 0 : i32
      %dma_wait3A_189 = tpu.memref_slice %arg2[%dma_wait3A_187, %dma_wait3A_188] : memref<10112x128xf32, #tpu.memory_space<hbm>> -> memref<16x128xf32, #tpu.memory_space<hbm>>
      %dma_wait3A_190 = arith.constant 0 : i32
      %dma_wait3A_191 = arith.constant 0 : i32
      %dma_wait3A_192 = tpu.memref_slice %arg2[%dma_wait3A_190, %dma_wait3A_191] : memref<10112x128xf32, #tpu.memory_space<hbm>> -> memref<16x128xf32, #tpu.memory_space<hbm>>
      tpu.wait_dma2 semaphore(%arg18 : memref<!tpu.dma_semaphore, #tpu.memory_space<semaphore_mem>>) src(%dma_wait3A_192 : memref<16x128xf32, #tpu.memory_space<hbm>>) dst(%arg14 : memref<16x128xf32, #tpu.memory_space<vmem>>)
      "tpu.region"() ({
        %run_scoped3A = tpu.sem_alloc : memref<!tpu.dma_semaphore, #tpu.memory_space<semaphore_mem>>
        %dma_start3A_223 = arith.constant 80 : i32
        %dma_start3A_224 = tpu.memref_slice %arg8[%scan3A_123, %dma_start3A_223] : memref<80x128xi32, #tpu.memory_space<vmem>> -> memref<1x16xi32, #tpu.memory_space<vmem>>
        %dma_start3A_225 = tpu.memref_squeeze %dma_start3A_224 : memref<1x16xi32, #tpu.memory_space<vmem>> -> memref<16xi32, #tpu.memory_space<vmem>>
        %dma_start3A_226 = arith.constant 0 : i32
        %dma_start3A_227 = arith.constant 0 : i32
        %dma_start3A_228 = tpu.memref_slice %arg17[%dma_start3A_226, %dma_start3A_227] : memref<10112x128xf32, #tpu.memory_space<vmem_shared>> -> memref<10112x128xf32, #tpu.memory_space<vmem_shared>>
        tpu.enqueue_indirect_dma source(%arg14 : memref<16x128xf32, #tpu.memory_space<vmem>>) target(%dma_start3A_228 : memref<10112x128xf32, #tpu.memory_space<vmem_shared>>) offsets(%dma_start3A_225 : memref<16xi32, #tpu.memory_space<vmem>>) semaphore(%run_scoped3A : memref<!tpu.dma_semaphore, #tpu.memory_space<semaphore_mem>>) {add = true}
        %dma_wait3A_229 = arith.constant 80 : i32
        %dma_wait3A_230 = tpu.memref_slice %arg8[%scan3A_123, %dma_wait3A_229] : memref<80x128xi32, #tpu.memory_space<vmem>> -> memref<1x16xi32, #tpu.memory_space<vmem>>
        %dma_wait3A_231 = tpu.memref_squeeze %dma_wait3A_230 : memref<1x16xi32, #tpu.memory_space<vmem>> -> memref<16xi32, #tpu.memory_space<vmem>>
        %dma_wait3A_232 = arith.constant 0 : i32
        %dma_wait3A_233 = arith.constant 0 : i32
        %dma_wait3A_234 = tpu.memref_slice %arg17[%dma_wait3A_232, %dma_wait3A_233] : memref<10112x128xf32, #tpu.memory_space<vmem_shared>> -> memref<10112x128xf32, #tpu.memory_space<vmem_shared>>
        tpu.wait_indirect_dma semaphore(%run_scoped3A : memref<!tpu.dma_semaphore, #tpu.memory_space<semaphore_mem>>) src(%arg14 : memref<16x128xf32, #tpu.memory_space<vmem>>) dst(%dma_wait3A_234 : memref<10112x128xf32, #tpu.memory_space<vmem_shared>>)
        tpu.yield
      }) : () -> ()
      %dma_start3A_193 = arith.constant 80 : i32
      %dma_start3A_194 = tpu.memref_slice %arg7[%min3A_126, %dma_start3A_193] : memref<80x128xi32, #tpu.memory_space<vmem>> -> memref<1x16xi32, #tpu.memory_space<vmem>>
      %dma_start3A_195 = tpu.memref_squeeze %dma_start3A_194 : memref<1x16xi32, #tpu.memory_space<vmem>> -> memref<16xi32, #tpu.memory_space<vmem>>
      %dma_start3A_196 = arith.constant 0 : i32
      %dma_start3A_197 = arith.constant 0 : i32
      %dma_start3A_198 = tpu.memref_slice %arg2[%dma_start3A_196, %dma_start3A_197] : memref<10112x128xf32, #tpu.memory_space<hbm>> -> memref<10112x128xf32, #tpu.memory_space<hbm>>
      tpu.enqueue_indirect_dma source(%dma_start3A_198 : memref<10112x128xf32, #tpu.memory_space<hbm>>) target(%arg14 : memref<16x128xf32, #tpu.memory_space<vmem>>) offsets(%dma_start3A_195 : memref<16xi32, #tpu.memory_space<vmem>>) semaphore(%arg18 : memref<!tpu.dma_semaphore, #tpu.memory_space<semaphore_mem>>)
      %dma_wait3A_199 = arith.constant 0 : i32
      %dma_wait3A_200 = arith.constant 0 : i32
      %dma_wait3A_201 = tpu.memref_slice %arg2[%dma_wait3A_199, %dma_wait3A_200] : memref<10112x128xf32, #tpu.memory_space<hbm>> -> memref<16x128xf32, #tpu.memory_space<hbm>>
      %dma_wait3A_202 = arith.constant 0 : i32
      %dma_wait3A_203 = arith.constant 0 : i32
      %dma_wait3A_204 = tpu.memref_slice %arg2[%dma_wait3A_202, %dma_wait3A_203] : memref<10112x128xf32, #tpu.memory_space<hbm>> -> memref<16x128xf32, #tpu.memory_space<hbm>>
      tpu.wait_dma2 semaphore(%arg18 : memref<!tpu.dma_semaphore, #tpu.memory_space<semaphore_mem>>) src(%dma_wait3A_204 : memref<16x128xf32, #tpu.memory_space<hbm>>) dst(%arg15 : memref<16x128xf32, #tpu.memory_space<vmem>>)
      "tpu.region"() ({
        %run_scoped3A = tpu.sem_alloc : memref<!tpu.dma_semaphore, #tpu.memory_space<semaphore_mem>>
        %dma_start3A_223 = arith.constant 96 : i32
        %dma_start3A_224 = tpu.memref_slice %arg8[%scan3A_123, %dma_start3A_223] : memref<80x128xi32, #tpu.memory_space<vmem>> -> memref<1x16xi32, #tpu.memory_space<vmem>>
        %dma_start3A_225 = tpu.memref_squeeze %dma_start3A_224 : memref<1x16xi32, #tpu.memory_space<vmem>> -> memref<16xi32, #tpu.memory_space<vmem>>
        %dma_start3A_226 = arith.constant 0 : i32
        %dma_start3A_227 = arith.constant 0 : i32
        %dma_start3A_228 = tpu.memref_slice %arg17[%dma_start3A_226, %dma_start3A_227] : memref<10112x128xf32, #tpu.memory_space<vmem_shared>> -> memref<10112x128xf32, #tpu.memory_space<vmem_shared>>
        tpu.enqueue_indirect_dma source(%arg15 : memref<16x128xf32, #tpu.memory_space<vmem>>) target(%dma_start3A_228 : memref<10112x128xf32, #tpu.memory_space<vmem_shared>>) offsets(%dma_start3A_225 : memref<16xi32, #tpu.memory_space<vmem>>) semaphore(%run_scoped3A : memref<!tpu.dma_semaphore, #tpu.memory_space<semaphore_mem>>) {add = true}
        %dma_wait3A_229 = arith.constant 96 : i32
        %dma_wait3A_230 = tpu.memref_slice %arg8[%scan3A_123, %dma_wait3A_229] : memref<80x128xi32, #tpu.memory_space<vmem>> -> memref<1x16xi32, #tpu.memory_space<vmem>>
        %dma_wait3A_231 = tpu.memref_squeeze %dma_wait3A_230 : memref<1x16xi32, #tpu.memory_space<vmem>> -> memref<16xi32, #tpu.memory_space<vmem>>
        %dma_wait3A_232 = arith.constant 0 : i32
        %dma_wait3A_233 = arith.constant 0 : i32
        %dma_wait3A_234 = tpu.memref_slice %arg17[%dma_wait3A_232, %dma_wait3A_233] : memref<10112x128xf32, #tpu.memory_space<vmem_shared>> -> memref<10112x128xf32, #tpu.memory_space<vmem_shared>>
        tpu.wait_indirect_dma semaphore(%run_scoped3A : memref<!tpu.dma_semaphore, #tpu.memory_space<semaphore_mem>>) src(%arg15 : memref<16x128xf32, #tpu.memory_space<vmem>>) dst(%dma_wait3A_234 : memref<10112x128xf32, #tpu.memory_space<vmem_shared>>)
        tpu.yield
      }) : () -> ()
      %dma_start3A_205 = arith.constant 96 : i32
      %dma_start3A_206 = tpu.memref_slice %arg7[%min3A_126, %dma_start3A_205] : memref<80x128xi32, #tpu.memory_space<vmem>> -> memref<1x16xi32, #tpu.memory_space<vmem>>
      %dma_start3A_207 = tpu.memref_squeeze %dma_start3A_206 : memref<1x16xi32, #tpu.memory_space<vmem>> -> memref<16xi32, #tpu.memory_space<vmem>>
      %dma_start3A_208 = arith.constant 0 : i32
      %dma_start3A_209 = arith.constant 0 : i32
      %dma_start3A_210 = tpu.memref_slice %arg2[%dma_start3A_208, %dma_start3A_209] : memref<10112x128xf32, #tpu.memory_space<hbm>> -> memref<10112x128xf32, #tpu.memory_space<hbm>>
      tpu.enqueue_indirect_dma source(%dma_start3A_210 : memref<10112x128xf32, #tpu.memory_space<hbm>>) target(%arg15 : memref<16x128xf32, #tpu.memory_space<vmem>>) offsets(%dma_start3A_207 : memref<16xi32, #tpu.memory_space<vmem>>) semaphore(%arg18 : memref<!tpu.dma_semaphore, #tpu.memory_space<semaphore_mem>>)
      %dma_wait3A_211 = arith.constant 0 : i32
      %dma_wait3A_212 = arith.constant 0 : i32
      %dma_wait3A_213 = tpu.memref_slice %arg2[%dma_wait3A_211, %dma_wait3A_212] : memref<10112x128xf32, #tpu.memory_space<hbm>> -> memref<16x128xf32, #tpu.memory_space<hbm>>
      %dma_wait3A_214 = arith.constant 0 : i32
      %dma_wait3A_215 = arith.constant 0 : i32
      %dma_wait3A_216 = tpu.memref_slice %arg2[%dma_wait3A_214, %dma_wait3A_215] : memref<10112x128xf32, #tpu.memory_space<hbm>> -> memref<16x128xf32, #tpu.memory_space<hbm>>
      tpu.wait_dma2 semaphore(%arg18 : memref<!tpu.dma_semaphore, #tpu.memory_space<semaphore_mem>>) src(%dma_wait3A_216 : memref<16x128xf32, #tpu.memory_space<hbm>>) dst(%arg16 : memref<16x128xf32, #tpu.memory_space<vmem>>)
      "tpu.region"() ({
        %run_scoped3A = tpu.sem_alloc : memref<!tpu.dma_semaphore, #tpu.memory_space<semaphore_mem>>
        %dma_start3A_223 = arith.constant 112 : i32
        %dma_start3A_224 = tpu.memref_slice %arg8[%scan3A_123, %dma_start3A_223] : memref<80x128xi32, #tpu.memory_space<vmem>> -> memref<1x16xi32, #tpu.memory_space<vmem>>
        %dma_start3A_225 = tpu.memref_squeeze %dma_start3A_224 : memref<1x16xi32, #tpu.memory_space<vmem>> -> memref<16xi32, #tpu.memory_space<vmem>>
        %dma_start3A_226 = arith.constant 0 : i32
        %dma_start3A_227 = arith.constant 0 : i32
        %dma_start3A_228 = tpu.memref_slice %arg17[%dma_start3A_226, %dma_start3A_227] : memref<10112x128xf32, #tpu.memory_space<vmem_shared>> -> memref<10112x128xf32, #tpu.memory_space<vmem_shared>>
        tpu.enqueue_indirect_dma source(%arg16 : memref<16x128xf32, #tpu.memory_space<vmem>>) target(%dma_start3A_228 : memref<10112x128xf32, #tpu.memory_space<vmem_shared>>) offsets(%dma_start3A_225 : memref<16xi32, #tpu.memory_space<vmem>>) semaphore(%run_scoped3A : memref<!tpu.dma_semaphore, #tpu.memory_space<semaphore_mem>>) {add = true}
        %dma_wait3A_229 = arith.constant 112 : i32
        %dma_wait3A_230 = tpu.memref_slice %arg8[%scan3A_123, %dma_wait3A_229] : memref<80x128xi32, #tpu.memory_space<vmem>> -> memref<1x16xi32, #tpu.memory_space<vmem>>
        %dma_wait3A_231 = tpu.memref_squeeze %dma_wait3A_230 : memref<1x16xi32, #tpu.memory_space<vmem>> -> memref<16xi32, #tpu.memory_space<vmem>>
        %dma_wait3A_232 = arith.constant 0 : i32
        %dma_wait3A_233 = arith.constant 0 : i32
        %dma_wait3A_234 = tpu.memref_slice %arg17[%dma_wait3A_232, %dma_wait3A_233] : memref<10112x128xf32, #tpu.memory_space<vmem_shared>> -> memref<10112x128xf32, #tpu.memory_space<vmem_shared>>
        tpu.wait_indirect_dma semaphore(%run_scoped3A : memref<!tpu.dma_semaphore, #tpu.memory_space<semaphore_mem>>) src(%arg16 : memref<16x128xf32, #tpu.memory_space<vmem>>) dst(%dma_wait3A_234 : memref<10112x128xf32, #tpu.memory_space<vmem_shared>>)
        tpu.yield
      }) : () -> ()
      %dma_start3A_217 = arith.constant 112 : i32
      %dma_start3A_218 = tpu.memref_slice %arg7[%min3A_126, %dma_start3A_217] : memref<80x128xi32, #tpu.memory_space<vmem>> -> memref<1x16xi32, #tpu.memory_space<vmem>>
      %dma_start3A_219 = tpu.memref_squeeze %dma_start3A_218 : memref<1x16xi32, #tpu.memory_space<vmem>> -> memref<16xi32, #tpu.memory_space<vmem>>
      %dma_start3A_220 = arith.constant 0 : i32
      %dma_start3A_221 = arith.constant 0 : i32
      %dma_start3A_222 = tpu.memref_slice %arg2[%dma_start3A_220, %dma_start3A_221] : memref<10112x128xf32, #tpu.memory_space<hbm>> -> memref<10112x128xf32, #tpu.memory_space<hbm>>
      tpu.enqueue_indirect_dma source(%dma_start3A_222 : memref<10112x128xf32, #tpu.memory_space<hbm>>) target(%arg16 : memref<16x128xf32, #tpu.memory_space<vmem>>) offsets(%dma_start3A_219 : memref<16xi32, #tpu.memory_space<vmem>>) semaphore(%arg18 : memref<!tpu.dma_semaphore, #tpu.memory_space<semaphore_mem>>)
    }
    %scan3A_69 = arith.constant 80 : i32
    %dma_wait3A = arith.constant 0 : i32
    %dma_wait3A_70 = arith.constant 0 : i32
    %dma_wait3A_71 = tpu.memref_slice %arg2[%dma_wait3A, %dma_wait3A_70] : memref<10112x128xf32, #tpu.memory_space<hbm>> -> memref<16x128xf32, #tpu.memory_space<hbm>>
    %dma_wait3A_72 = arith.constant 0 : i32
    %dma_wait3A_73 = arith.constant 0 : i32
    %dma_wait3A_74 = tpu.memref_slice %arg2[%dma_wait3A_72, %dma_wait3A_73] : memref<10112x128xf32, #tpu.memory_space<hbm>> -> memref<16x128xf32, #tpu.memory_space<hbm>>
    tpu.wait_dma2 semaphore(%arg18 : memref<!tpu.dma_semaphore, #tpu.memory_space<semaphore_mem>>) src(%dma_wait3A_74 : memref<16x128xf32, #tpu.memory_space<hbm>>) dst(%arg9 : memref<16x128xf32, #tpu.memory_space<vmem>>)
    %dma_wait3A_75 = arith.constant 0 : i32
    %dma_wait3A_76 = arith.constant 0 : i32
    %dma_wait3A_77 = tpu.memref_slice %arg2[%dma_wait3A_75, %dma_wait3A_76] : memref<10112x128xf32, #tpu.memory_space<hbm>> -> memref<16x128xf32, #tpu.memory_space<hbm>>
    %dma_wait3A_78 = arith.constant 0 : i32
    %dma_wait3A_79 = arith.constant 0 : i32
    %dma_wait3A_80 = tpu.memref_slice %arg2[%dma_wait3A_78, %dma_wait3A_79] : memref<10112x128xf32, #tpu.memory_space<hbm>> -> memref<16x128xf32, #tpu.memory_space<hbm>>
    tpu.wait_dma2 semaphore(%arg18 : memref<!tpu.dma_semaphore, #tpu.memory_space<semaphore_mem>>) src(%dma_wait3A_80 : memref<16x128xf32, #tpu.memory_space<hbm>>) dst(%arg10 : memref<16x128xf32, #tpu.memory_space<vmem>>)
    %dma_wait3A_81 = arith.constant 0 : i32
    %dma_wait3A_82 = arith.constant 0 : i32
    %dma_wait3A_83 = tpu.memref_slice %arg2[%dma_wait3A_81, %dma_wait3A_82] : memref<10112x128xf32, #tpu.memory_space<hbm>> -> memref<16x128xf32, #tpu.memory_space<hbm>>
    %dma_wait3A_84 = arith.constant 0 : i32
    %dma_wait3A_85 = arith.constant 0 : i32
    %dma_wait3A_86 = tpu.memref_slice %arg2[%dma_wait3A_84, %dma_wait3A_85] : memref<10112x128xf32, #tpu.memory_space<hbm>> -> memref<16x128xf32, #tpu.memory_space<hbm>>
    tpu.wait_dma2 semaphore(%arg18 : memref<!tpu.dma_semaphore, #tpu.memory_space<semaphore_mem>>) src(%dma_wait3A_86 : memref<16x128xf32, #tpu.memory_space<hbm>>) dst(%arg11 : memref<16x128xf32, #tpu.memory_space<vmem>>)
    %dma_wait3A_87 = arith.constant 0 : i32
    %dma_wait3A_88 = arith.constant 0 : i32
    %dma_wait3A_89 = tpu.memref_slice %arg2[%dma_wait3A_87, %dma_wait3A_88] : memref<10112x128xf32, #tpu.memory_space<hbm>> -> memref<16x128xf32, #tpu.memory_space<hbm>>
    %dma_wait3A_90 = arith.constant 0 : i32
    %dma_wait3A_91 = arith.constant 0 : i32
    %dma_wait3A_92 = tpu.memref_slice %arg2[%dma_wait3A_90, %dma_wait3A_91] : memref<10112x128xf32, #tpu.memory_space<hbm>> -> memref<16x128xf32, #tpu.memory_space<hbm>>
    tpu.wait_dma2 semaphore(%arg18 : memref<!tpu.dma_semaphore, #tpu.memory_space<semaphore_mem>>) src(%dma_wait3A_92 : memref<16x128xf32, #tpu.memory_space<hbm>>) dst(%arg12 : memref<16x128xf32, #tpu.memory_space<vmem>>)
    %dma_wait3A_93 = arith.constant 0 : i32
    %dma_wait3A_94 = arith.constant 0 : i32
    %dma_wait3A_95 = tpu.memref_slice %arg2[%dma_wait3A_93, %dma_wait3A_94] : memref<10112x128xf32, #tpu.memory_space<hbm>> -> memref<16x128xf32, #tpu.memory_space<hbm>>
    %dma_wait3A_96 = arith.constant 0 : i32
    %dma_wait3A_97 = arith.constant 0 : i32
    %dma_wait3A_98 = tpu.memref_slice %arg2[%dma_wait3A_96, %dma_wait3A_97] : memref<10112x128xf32, #tpu.memory_space<hbm>> -> memref<16x128xf32, #tpu.memory_space<hbm>>
    tpu.wait_dma2 semaphore(%arg18 : memref<!tpu.dma_semaphore, #tpu.memory_space<semaphore_mem>>) src(%dma_wait3A_98 : memref<16x128xf32, #tpu.memory_space<hbm>>) dst(%arg13 : memref<16x128xf32, #tpu.memory_space<vmem>>)
    %dma_wait3A_99 = arith.constant 0 : i32
    %dma_wait3A_100 = arith.constant 0 : i32
    %dma_wait3A_101 = tpu.memref_slice %arg2[%dma_wait3A_99, %dma_wait3A_100] : memref<10112x128xf32, #tpu.memory_space<hbm>> -> memref<16x128xf32, #tpu.memory_space<hbm>>
    %dma_wait3A_102 = arith.constant 0 : i32
    %dma_wait3A_103 = arith.constant 0 : i32
    %dma_wait3A_104 = tpu.memref_slice %arg2[%dma_wait3A_102, %dma_wait3A_103] : memref<10112x128xf32, #tpu.memory_space<hbm>> -> memref<16x128xf32, #tpu.memory_space<hbm>>
    tpu.wait_dma2 semaphore(%arg18 : memref<!tpu.dma_semaphore, #tpu.memory_space<semaphore_mem>>) src(%dma_wait3A_104 : memref<16x128xf32, #tpu.memory_space<hbm>>) dst(%arg14 : memref<16x128xf32, #tpu.memory_space<vmem>>)
    %dma_wait3A_105 = arith.constant 0 : i32
    %dma_wait3A_106 = arith.constant 0 : i32
    %dma_wait3A_107 = tpu.memref_slice %arg2[%dma_wait3A_105, %dma_wait3A_106] : memref<10112x128xf32, #tpu.memory_space<hbm>> -> memref<16x128xf32, #tpu.memory_space<hbm>>
    %dma_wait3A_108 = arith.constant 0 : i32
    %dma_wait3A_109 = arith.constant 0 : i32
    %dma_wait3A_110 = tpu.memref_slice %arg2[%dma_wait3A_108, %dma_wait3A_109] : memref<10112x128xf32, #tpu.memory_space<hbm>> -> memref<16x128xf32, #tpu.memory_space<hbm>>
    tpu.wait_dma2 semaphore(%arg18 : memref<!tpu.dma_semaphore, #tpu.memory_space<semaphore_mem>>) src(%dma_wait3A_110 : memref<16x128xf32, #tpu.memory_space<hbm>>) dst(%arg15 : memref<16x128xf32, #tpu.memory_space<vmem>>)
    %dma_wait3A_111 = arith.constant 0 : i32
    %dma_wait3A_112 = arith.constant 0 : i32
    %dma_wait3A_113 = tpu.memref_slice %arg2[%dma_wait3A_111, %dma_wait3A_112] : memref<10112x128xf32, #tpu.memory_space<hbm>> -> memref<16x128xf32, #tpu.memory_space<hbm>>
    %dma_wait3A_114 = arith.constant 0 : i32
    %dma_wait3A_115 = arith.constant 0 : i32
    %dma_wait3A_116 = tpu.memref_slice %arg2[%dma_wait3A_114, %dma_wait3A_115] : memref<10112x128xf32, #tpu.memory_space<hbm>> -> memref<16x128xf32, #tpu.memory_space<hbm>>
    tpu.wait_dma2 semaphore(%arg18 : memref<!tpu.dma_semaphore, #tpu.memory_space<semaphore_mem>>) src(%dma_wait3A_116 : memref<16x128xf32, #tpu.memory_space<hbm>>) dst(%arg16 : memref<16x128xf32, #tpu.memory_space<vmem>>)
    %barrier3A_117 = arith.constant 0 : index
    tpu.barrier barrier_id(%barrier3A_117)
    %mul3A_118 = arith.constant 10112 : i32
    %mul3A_119 = arith.muli %arg0, %mul3A_118 : i32
    %mul3A_120 = arith.constant 632 : i32
    %mul3A_121 = arith.muli %arg1, %mul3A_120 : i32
    %add3A_122 = arith.addi %mul3A_119, %mul3A_121 : i32
    "tpu.region"() ({
      %run_scoped3A = tpu.sem_alloc : memref<!tpu.dma_semaphore, #tpu.memory_space<semaphore_mem>>
      %dma_start3A_123 = arith.constant 0 : i32
      %dma_start3A_124 = tpu.memref_slice %arg6[%add3A_122, %dma_start3A_123] : memref<20224x128xf32, #tpu.memory_space<hbm>> -> memref<632x128xf32, #tpu.memory_space<hbm>>
      %dma_start3A_125 = arith.constant 0 : i32
      %dma_start3A_126 = tpu.memref_slice %arg17[%mul3A_2, %dma_start3A_125] : memref<10112x128xf32, #tpu.memory_space<vmem_shared>> -> memref<632x128xf32, #tpu.memory_space<vmem_shared>>
      tpu.enqueue_dma source(%dma_start3A_126 : memref<632x128xf32, #tpu.memory_space<vmem_shared>>) target(%dma_start3A_124 : memref<632x128xf32, #tpu.memory_space<hbm>>) target_semaphore(%run_scoped3A : memref<!tpu.dma_semaphore, #tpu.memory_space<semaphore_mem>>)
      %dma_wait3A_127 = arith.constant 0 : i32
      %dma_wait3A_128 = tpu.memref_slice %arg6[%add3A_122, %dma_wait3A_127] : memref<20224x128xf32, #tpu.memory_space<hbm>> -> memref<632x128xf32, #tpu.memory_space<hbm>>
      %dma_wait3A_129 = arith.constant 0 : i32
      %dma_wait3A_130 = tpu.memref_slice %arg17[%mul3A_2, %dma_wait3A_129] : memref<10112x128xf32, #tpu.memory_space<vmem_shared>> -> memref<632x128xf32, #tpu.memory_space<vmem_shared>>
      tpu.wait_dma2 semaphore(%run_scoped3A : memref<!tpu.dma_semaphore, #tpu.memory_space<semaphore_mem>>) src(%dma_wait3A_130 : memref<632x128xf32, #tpu.memory_space<vmem_shared>>) dst(%dma_wait3A_128 : memref<632x128xf32, #tpu.memory_space<hbm>>)
      tpu.yield
    }) : () -> ()
    return
  }
}

#map = affine_map<(d0, d1) -> (0, 0)>
#map1 = affine_map<(d0, d1) -> (0, 0, 0)>
module attributes {stable_mosaic.version = 14 : i64} {
  func.func @_scatter_kernel(%arg0: i32, %arg1: i32, %arg2: memref<10112x128xf32, #tpu.memory_space<hbm>>, %arg3: memref<32x80x128xi32, #tpu.memory_space<hbm>>, %arg4: memref<32x80x128xi32, #tpu.memory_space<hbm>>, %arg5: memref<10112x128xf32, #tpu.memory_space<hbm>>, %arg6: memref<20224x128xf32, #tpu.memory_space<hbm>>, %arg7: memref<80x128xi32, #tpu.memory_space<vmem>>, %arg8: memref<80x128xi32, #tpu.memory_space<vmem>>, %arg9: memref<16x128xf32, #tpu.memory_space<vmem>>, %arg10: memref<16x128xf32, #tpu.memory_space<vmem>>, %arg11: memref<16x128xf32, #tpu.memory_space<vmem>>, %arg12: memref<16x128xf32, #tpu.memory_space<vmem>>, %arg13: memref<16x128xf32, #tpu.memory_space<vmem>>, %arg14: memref<16x128xf32, #tpu.memory_space<vmem>>, %arg15: memref<16x128xf32, #tpu.memory_space<vmem>>, %arg16: memref<16x128xf32, #tpu.memory_space<vmem>>, %arg17: memref<10112x128xf32, #tpu.memory_space<vmem_shared>>, %arg18: memref<!tpu.dma_semaphore, #tpu.memory_space<semaphore_mem>>) attributes {dimension_semantics = [#tpu.dimension_semantics<core_parallel>, #tpu.dimension_semantics<subcore_parallel>], iteration_bounds = array<i64: 2, 16>, scalar_prefetch = 0 : i64, scratch_operands = 12 : i64, tpu.core_type = #tpu.core_type<sc_vector_subcore>, window_params = [{transform_indices = #map}, {transform_indices = #map1}, {transform_indices = #map1}, {transform_indices = #map}, {transform_indices = #map}]} {
    %mul3A = arith.constant 2 : i32
    %mul3A_0 = arith.muli %arg1, %mul3A : i32
    %add3A = arith.addi %mul3A_0, %arg0 : i32
    "tpu.region"() ({
      %run_scoped3A = tpu.sem_alloc : memref<!tpu.dma_semaphore, #tpu.memory_space<semaphore_mem>>
      %dma_start3A_123 = arith.constant 0 : i32
      %dma_start3A_124 = arith.constant 0 : i32
      %dma_start3A_125 = tpu.memref_slice %arg3[%add3A, %dma_start3A_123, %dma_start3A_124] : memref<32x80x128xi32, #tpu.memory_space<hbm>> -> memref<1x80x128xi32, #tpu.memory_space<hbm>>
      %dma_start3A_126 = tpu.memref_squeeze %dma_start3A_125 : memref<1x80x128xi32, #tpu.memory_space<hbm>> -> memref<80x128xi32, #tpu.memory_space<hbm>>
      %dma_start3A_127 = arith.constant 0 : i32
      %dma_start3A_128 = arith.constant 0 : i32
      %dma_start3A_129 = tpu.memref_slice %arg3[%add3A, %dma_start3A_127, %dma_start3A_128] : memref<32x80x128xi32, #tpu.memory_space<hbm>> -> memref<1x80x128xi32, #tpu.memory_space<hbm>>
      %dma_start3A_130 = tpu.memref_squeeze %dma_start3A_129 : memref<1x80x128xi32, #tpu.memory_space<hbm>> -> memref<80x128xi32, #tpu.memory_space<hbm>>
      tpu.enqueue_dma source(%dma_start3A_130 : memref<80x128xi32, #tpu.memory_space<hbm>>) target(%arg7 : memref<80x128xi32, #tpu.memory_space<vmem>>) target_semaphore(%run_scoped3A : memref<!tpu.dma_semaphore, #tpu.memory_space<semaphore_mem>>)
      %dma_wait3A_131 = arith.constant 0 : i32
      %dma_wait3A_132 = arith.constant 0 : i32
      %dma_wait3A_133 = tpu.memref_slice %arg3[%add3A, %dma_wait3A_131, %dma_wait3A_132] : memref<32x80x128xi32, #tpu.memory_space<hbm>> -> memref<1x80x128xi32, #tpu.memory_space<hbm>>
      %dma_wait3A_134 = tpu.memref_squeeze %dma_wait3A_133 : memref<1x80x128xi32, #tpu.memory_space<hbm>> -> memref<80x128xi32, #tpu.memory_space<hbm>>
      %dma_wait3A_135 = arith.constant 0 : i32
      %dma_wait3A_136 = arith.constant 0 : i32
      %dma_wait3A_137 = tpu.memref_slice %arg3[%add3A, %dma_wait3A_135, %dma_wait3A_136] : memref<32x80x128xi32, #tpu.memory_space<hbm>> -> memref<1x80x128xi32, #tpu.memory_space<hbm>>
      %dma_wait3A_138 = tpu.memref_squeeze %dma_wait3A_137 : memref<1x80x128xi32, #tpu.memory_space<hbm>> -> memref<80x128xi32, #tpu.memory_space<hbm>>
      tpu.wait_dma2 semaphore(%run_scoped3A : memref<!tpu.dma_semaphore, #tpu.memory_space<semaphore_mem>>) src(%dma_wait3A_138 : memref<80x128xi32, #tpu.memory_space<hbm>>) dst(%arg7 : memref<80x128xi32, #tpu.memory_space<vmem>>)
      tpu.yield
    }) : () -> ()
    "tpu.region"() ({
      %run_scoped3A = tpu.sem_alloc : memref<!tpu.dma_semaphore, #tpu.memory_space<semaphore_mem>>
      %dma_start3A_123 = arith.constant 0 : i32
      %dma_start3A_124 = arith.constant 0 : i32
      %dma_start3A_125 = tpu.memref_slice %arg4[%add3A, %dma_start3A_123, %dma_start3A_124] : memref<32x80x128xi32, #tpu.memory_space<hbm>> -> memref<1x80x128xi32, #tpu.memory_space<hbm>>
      %dma_start3A_126 = tpu.memref_squeeze %dma_start3A_125 : memref<1x80x128xi32, #tpu.memory_space<hbm>> -> memref<80x128xi32, #tpu.memory_space<hbm>>
      %dma_start3A_127 = arith.constant 0 : i32
      %dma_start3A_128 = arith.constant 0 : i32
      %dma_start3A_129 = tpu.memref_slice %arg4[%add3A, %dma_start3A_127, %dma_start3A_128] : memref<32x80x128xi32, #tpu.memory_space<hbm>> -> memref<1x80x128xi32, #tpu.memory_space<hbm>>
      %dma_start3A_130 = tpu.memref_squeeze %dma_start3A_129 : memref<1x80x128xi32, #tpu.memory_space<hbm>> -> memref<80x128xi32, #tpu.memory_space<hbm>>
      tpu.enqueue_dma source(%dma_start3A_130 : memref<80x128xi32, #tpu.memory_space<hbm>>) target(%arg8 : memref<80x128xi32, #tpu.memory_space<vmem>>) target_semaphore(%run_scoped3A : memref<!tpu.dma_semaphore, #tpu.memory_space<semaphore_mem>>)
      %dma_wait3A_131 = arith.constant 0 : i32
      %dma_wait3A_132 = arith.constant 0 : i32
      %dma_wait3A_133 = tpu.memref_slice %arg4[%add3A, %dma_wait3A_131, %dma_wait3A_132] : memref<32x80x128xi32, #tpu.memory_space<hbm>> -> memref<1x80x128xi32, #tpu.memory_space<hbm>>
      %dma_wait3A_134 = tpu.memref_squeeze %dma_wait3A_133 : memref<1x80x128xi32, #tpu.memory_space<hbm>> -> memref<80x128xi32, #tpu.memory_space<hbm>>
      %dma_wait3A_135 = arith.constant 0 : i32
      %dma_wait3A_136 = arith.constant 0 : i32
      %dma_wait3A_137 = tpu.memref_slice %arg4[%add3A, %dma_wait3A_135, %dma_wait3A_136] : memref<32x80x128xi32, #tpu.memory_space<hbm>> -> memref<1x80x128xi32, #tpu.memory_space<hbm>>
      %dma_wait3A_138 = tpu.memref_squeeze %dma_wait3A_137 : memref<1x80x128xi32, #tpu.memory_space<hbm>> -> memref<80x128xi32, #tpu.memory_space<hbm>>
      tpu.wait_dma2 semaphore(%run_scoped3A : memref<!tpu.dma_semaphore, #tpu.memory_space<semaphore_mem>>) src(%dma_wait3A_138 : memref<80x128xi32, #tpu.memory_space<hbm>>) dst(%arg8 : memref<80x128xi32, #tpu.memory_space<vmem>>)
      tpu.yield
    }) : () -> ()
    %mul3A_1 = arith.constant 632 : i32
    %mul3A_2 = arith.muli %arg1, %mul3A_1 : i32
    %eq3A = arith.constant 0 : i32
    %eq3A_3 = arith.cmpi eq, %arg0, %eq3A : i32
    %convert_element_type3A = arith.extui %eq3A_3 : i1 to i32
    %cond3A = arith.constant 0 : i32
    %cond3A_4 = arith.cmpi ne, %convert_element_type3A, %cond3A : i32
    scf.if %cond3A_4 {
      "tpu.region"() ({
        %run_scoped3A = tpu.sem_alloc : memref<!tpu.dma_semaphore, #tpu.memory_space<semaphore_mem>>
        %dma_start3A_123 = arith.constant 0 : i32
        %dma_start3A_124 = tpu.memref_slice %arg17[%mul3A_2, %dma_start3A_123] : memref<10112x128xf32, #tpu.memory_space<vmem_shared>> -> memref<632x128xf32, #tpu.memory_space<vmem_shared>>
        %dma_start3A_125 = arith.constant 0 : i32
        %dma_start3A_126 = tpu.memref_slice %arg2[%mul3A_2, %dma_start3A_125] : memref<10112x128xf32, #tpu.memory_space<hbm>> -> memref<632x128xf32, #tpu.memory_space<hbm>>
        tpu.enqueue_dma source(%dma_start3A_126 : memref<632x128xf32, #tpu.memory_space<hbm>>) target(%dma_start3A_124 : memref<632x128xf32, #tpu.memory_space<vmem_shared>>) target_semaphore(%run_scoped3A : memref<!tpu.dma_semaphore, #tpu.memory_space<semaphore_mem>>)
        %dma_wait3A_127 = arith.constant 0 : i32
        %dma_wait3A_128 = tpu.memref_slice %arg17[%mul3A_2, %dma_wait3A_127] : memref<10112x128xf32, #tpu.memory_space<vmem_shared>> -> memref<632x128xf32, #tpu.memory_space<vmem_shared>>
        %dma_wait3A_129 = arith.constant 0 : i32
        %dma_wait3A_130 = tpu.memref_slice %arg2[%mul3A_2, %dma_wait3A_129] : memref<10112x128xf32, #tpu.memory_space<hbm>> -> memref<632x128xf32, #tpu.memory_space<hbm>>
        tpu.wait_dma2 semaphore(%run_scoped3A : memref<!tpu.dma_semaphore, #tpu.memory_space<semaphore_mem>>) src(%dma_wait3A_130 : memref<632x128xf32, #tpu.memory_space<hbm>>) dst(%dma_wait3A_128 : memref<632x128xf32, #tpu.memory_space<vmem_shared>>)
        tpu.yield
      }) : () -> ()
    } else {
    }
    %eq3A_5 = arith.constant 1 : i32
    %eq3A_6 = arith.cmpi eq, %arg0, %eq3A_5 : i32
    %convert_element_type3A_7 = arith.extui %eq3A_6 : i1 to i32
    %cond3A_8 = arith.constant 0 : i32
    %cond3A_9 = arith.cmpi ne, %convert_element_type3A_7, %cond3A_8 : i32
    scf.if %cond3A_9 {
      "tpu.region"() ({
        %run_scoped3A = tpu.sem_alloc : memref<!tpu.dma_semaphore, #tpu.memory_space<semaphore_mem>>
        %dma_start3A_123 = arith.constant 0 : i32
        %dma_start3A_124 = tpu.memref_slice %arg17[%mul3A_2, %dma_start3A_123] : memref<10112x128xf32, #tpu.memory_space<vmem_shared>> -> memref<632x128xf32, #tpu.memory_space<vmem_shared>>
        %dma_start3A_125 = arith.constant 0 : i32
        %dma_start3A_126 = tpu.memref_slice %arg5[%mul3A_2, %dma_start3A_125] : memref<10112x128xf32, #tpu.memory_space<hbm>> -> memref<632x128xf32, #tpu.memory_space<hbm>>
        tpu.enqueue_dma source(%dma_start3A_126 : memref<632x128xf32, #tpu.memory_space<hbm>>) target(%dma_start3A_124 : memref<632x128xf32, #tpu.memory_space<vmem_shared>>) target_semaphore(%run_scoped3A : memref<!tpu.dma_semaphore, #tpu.memory_space<semaphore_mem>>)
        %dma_wait3A_127 = arith.constant 0 : i32
        %dma_wait3A_128 = tpu.memref_slice %arg17[%mul3A_2, %dma_wait3A_127] : memref<10112x128xf32, #tpu.memory_space<vmem_shared>> -> memref<632x128xf32, #tpu.memory_space<vmem_shared>>
        %dma_wait3A_129 = arith.constant 0 : i32
        %dma_wait3A_130 = tpu.memref_slice %arg5[%mul3A_2, %dma_wait3A_129] : memref<10112x128xf32, #tpu.memory_space<hbm>> -> memref<632x128xf32, #tpu.memory_space<hbm>>
        tpu.wait_dma2 semaphore(%run_scoped3A : memref<!tpu.dma_semaphore, #tpu.memory_space<semaphore_mem>>) src(%dma_wait3A_130 : memref<632x128xf32, #tpu.memory_space<hbm>>) dst(%dma_wait3A_128 : memref<632x128xf32, #tpu.memory_space<vmem_shared>>)
        tpu.yield
      }) : () -> ()
    } else {
    }
    %barrier3A = arith.constant 0 : index
    tpu.barrier barrier_id(%barrier3A)
    %dma_start3A = arith.constant 0 : i32
    %dma_start3A_10 = arith.constant 0 : i32
    %dma_start3A_11 = tpu.memref_slice %arg7[%dma_start3A, %dma_start3A_10] : memref<80x128xi32, #tpu.memory_space<vmem>> -> memref<1x16xi32, #tpu.memory_space<vmem>>
    %dma_start3A_12 = tpu.memref_squeeze %dma_start3A_11 : memref<1x16xi32, #tpu.memory_space<vmem>> -> memref<16xi32, #tpu.memory_space<vmem>>
    %dma_start3A_13 = arith.constant 0 : i32
    %dma_start3A_14 = arith.constant 0 : i32
    %dma_start3A_15 = tpu.memref_slice %arg2[%dma_start3A_13, %dma_start3A_14] : memref<10112x128xf32, #tpu.memory_space<hbm>> -> memref<10112x128xf32, #tpu.memory_space<hbm>>
    tpu.enqueue_indirect_dma source(%dma_start3A_15 : memref<10112x128xf32, #tpu.memory_space<hbm>>) target(%arg9 : memref<16x128xf32, #tpu.memory_space<vmem>>) offsets(%dma_start3A_12 : memref<16xi32, #tpu.memory_space<vmem>>) semaphore(%arg18 : memref<!tpu.dma_semaphore, #tpu.memory_space<semaphore_mem>>)
    %dma_start3A_16 = arith.constant 0 : i32
    %dma_start3A_17 = arith.constant 16 : i32
    %dma_start3A_18 = tpu.memref_slice %arg7[%dma_start3A_16, %dma_start3A_17] : memref<80x128xi32, #tpu.memory_space<vmem>> -> memref<1x16xi32, #tpu.memory_space<vmem>>
    %dma_start3A_19 = tpu.memref_squeeze %dma_start3A_18 : memref<1x16xi32, #tpu.memory_space<vmem>> -> memref<16xi32, #tpu.memory_space<vmem>>
    %dma_start3A_20 = arith.constant 0 : i32
    %dma_start3A_21 = arith.constant 0 : i32
    %dma_start3A_22 = tpu.memref_slice %arg2[%dma_start3A_20, %dma_start3A_21] : memref<10112x128xf32, #tpu.memory_space<hbm>> -> memref<10112x128xf32, #tpu.memory_space<hbm>>
    tpu.enqueue_indirect_dma source(%dma_start3A_22 : memref<10112x128xf32, #tpu.memory_space<hbm>>) target(%arg10 : memref<16x128xf32, #tpu.memory_space<vmem>>) offsets(%dma_start3A_19 : memref<16xi32, #tpu.memory_space<vmem>>) semaphore(%arg18 : memref<!tpu.dma_semaphore, #tpu.memory_space<semaphore_mem>>)
    %dma_start3A_23 = arith.constant 0 : i32
    %dma_start3A_24 = arith.constant 32 : i32
    %dma_start3A_25 = tpu.memref_slice %arg7[%dma_start3A_23, %dma_start3A_24] : memref<80x128xi32, #tpu.memory_space<vmem>> -> memref<1x16xi32, #tpu.memory_space<vmem>>
    %dma_start3A_26 = tpu.memref_squeeze %dma_start3A_25 : memref<1x16xi32, #tpu.memory_space<vmem>> -> memref<16xi32, #tpu.memory_space<vmem>>
    %dma_start3A_27 = arith.constant 0 : i32
    %dma_start3A_28 = arith.constant 0 : i32
    %dma_start3A_29 = tpu.memref_slice %arg2[%dma_start3A_27, %dma_start3A_28] : memref<10112x128xf32, #tpu.memory_space<hbm>> -> memref<10112x128xf32, #tpu.memory_space<hbm>>
    tpu.enqueue_indirect_dma source(%dma_start3A_29 : memref<10112x128xf32, #tpu.memory_space<hbm>>) target(%arg11 : memref<16x128xf32, #tpu.memory_space<vmem>>) offsets(%dma_start3A_26 : memref<16xi32, #tpu.memory_space<vmem>>) semaphore(%arg18 : memref<!tpu.dma_semaphore, #tpu.memory_space<semaphore_mem>>)
    %dma_start3A_30 = arith.constant 0 : i32
    %dma_start3A_31 = arith.constant 48 : i32
    %dma_start3A_32 = tpu.memref_slice %arg7[%dma_start3A_30, %dma_start3A_31] : memref<80x128xi32, #tpu.memory_space<vmem>> -> memref<1x16xi32, #tpu.memory_space<vmem>>
    %dma_start3A_33 = tpu.memref_squeeze %dma_start3A_32 : memref<1x16xi32, #tpu.memory_space<vmem>> -> memref<16xi32, #tpu.memory_space<vmem>>
    %dma_start3A_34 = arith.constant 0 : i32
    %dma_start3A_35 = arith.constant 0 : i32
    %dma_start3A_36 = tpu.memref_slice %arg2[%dma_start3A_34, %dma_start3A_35] : memref<10112x128xf32, #tpu.memory_space<hbm>> -> memref<10112x128xf32, #tpu.memory_space<hbm>>
    tpu.enqueue_indirect_dma source(%dma_start3A_36 : memref<10112x128xf32, #tpu.memory_space<hbm>>) target(%arg12 : memref<16x128xf32, #tpu.memory_space<vmem>>) offsets(%dma_start3A_33 : memref<16xi32, #tpu.memory_space<vmem>>) semaphore(%arg18 : memref<!tpu.dma_semaphore, #tpu.memory_space<semaphore_mem>>)
    %dma_start3A_37 = arith.constant 0 : i32
    %dma_start3A_38 = arith.constant 64 : i32
    %dma_start3A_39 = tpu.memref_slice %arg7[%dma_start3A_37, %dma_start3A_38] : memref<80x128xi32, #tpu.memory_space<vmem>> -> memref<1x16xi32, #tpu.memory_space<vmem>>
    %dma_start3A_40 = tpu.memref_squeeze %dma_start3A_39 : memref<1x16xi32, #tpu.memory_space<vmem>> -> memref<16xi32, #tpu.memory_space<vmem>>
    %dma_start3A_41 = arith.constant 0 : i32
    %dma_start3A_42 = arith.constant 0 : i32
    %dma_start3A_43 = tpu.memref_slice %arg2[%dma_start3A_41, %dma_start3A_42] : memref<10112x128xf32, #tpu.memory_space<hbm>> -> memref<10112x128xf32, #tpu.memory_space<hbm>>
    tpu.enqueue_indirect_dma source(%dma_start3A_43 : memref<10112x128xf32, #tpu.memory_space<hbm>>) target(%arg13 : memref<16x128xf32, #tpu.memory_space<vmem>>) offsets(%dma_start3A_40 : memref<16xi32, #tpu.memory_space<vmem>>) semaphore(%arg18 : memref<!tpu.dma_semaphore, #tpu.memory_space<semaphore_mem>>)
    %dma_start3A_44 = arith.constant 0 : i32
    %dma_start3A_45 = arith.constant 80 : i32
    %dma_start3A_46 = tpu.memref_slice %arg7[%dma_start3A_44, %dma_start3A_45] : memref<80x128xi32, #tpu.memory_space<vmem>> -> memref<1x16xi32, #tpu.memory_space<vmem>>
    %dma_start3A_47 = tpu.memref_squeeze %dma_start3A_46 : memref<1x16xi32, #tpu.memory_space<vmem>> -> memref<16xi32, #tpu.memory_space<vmem>>
    %dma_start3A_48 = arith.constant 0 : i32
    %dma_start3A_49 = arith.constant 0 : i32
    %dma_start3A_50 = tpu.memref_slice %arg2[%dma_start3A_48, %dma_start3A_49] : memref<10112x128xf32, #tpu.memory_space<hbm>> -> memref<10112x128xf32, #tpu.memory_space<hbm>>
    tpu.enqueue_indirect_dma source(%dma_start3A_50 : memref<10112x128xf32, #tpu.memory_space<hbm>>) target(%arg14 : memref<16x128xf32, #tpu.memory_space<vmem>>) offsets(%dma_start3A_47 : memref<16xi32, #tpu.memory_space<vmem>>) semaphore(%arg18 : memref<!tpu.dma_semaphore, #tpu.memory_space<semaphore_mem>>)
    %dma_start3A_51 = arith.constant 0 : i32
    %dma_start3A_52 = arith.constant 96 : i32
    %dma_start3A_53 = tpu.memref_slice %arg7[%dma_start3A_51, %dma_start3A_52] : memref<80x128xi32, #tpu.memory_space<vmem>> -> memref<1x16xi32, #tpu.memory_space<vmem>>
    %dma_start3A_54 = tpu.memref_squeeze %dma_start3A_53 : memref<1x16xi32, #tpu.memory_space<vmem>> -> memref<16xi32, #tpu.memory_space<vmem>>
    %dma_start3A_55 = arith.constant 0 : i32
    %dma_start3A_56 = arith.constant 0 : i32
    %dma_start3A_57 = tpu.memref_slice %arg2[%dma_start3A_55, %dma_start3A_56] : memref<10112x128xf32, #tpu.memory_space<hbm>> -> memref<10112x128xf32, #tpu.memory_space<hbm>>
    tpu.enqueue_indirect_dma source(%dma_start3A_57 : memref<10112x128xf32, #tpu.memory_space<hbm>>) target(%arg15 : memref<16x128xf32, #tpu.memory_space<vmem>>) offsets(%dma_start3A_54 : memref<16xi32, #tpu.memory_space<vmem>>) semaphore(%arg18 : memref<!tpu.dma_semaphore, #tpu.memory_space<semaphore_mem>>)
    %dma_start3A_58 = arith.constant 0 : i32
    %dma_start3A_59 = arith.constant 112 : i32
    %dma_start3A_60 = tpu.memref_slice %arg7[%dma_start3A_58, %dma_start3A_59] : memref<80x128xi32, #tpu.memory_space<vmem>> -> memref<1x16xi32, #tpu.memory_space<vmem>>
    %dma_start3A_61 = tpu.memref_squeeze %dma_start3A_60 : memref<1x16xi32, #tpu.memory_space<vmem>> -> memref<16xi32, #tpu.memory_space<vmem>>
    %dma_start3A_62 = arith.constant 0 : i32
    %dma_start3A_63 = arith.constant 0 : i32
    %dma_start3A_64 = tpu.memref_slice %arg2[%dma_start3A_62, %dma_start3A_63] : memref<10112x128xf32, #tpu.memory_space<hbm>> -> memref<10112x128xf32, #tpu.memory_space<hbm>>
    tpu.enqueue_indirect_dma source(%dma_start3A_64 : memref<10112x128xf32, #tpu.memory_space<hbm>>) target(%arg16 : memref<16x128xf32, #tpu.memory_space<vmem>>) offsets(%dma_start3A_61 : memref<16xi32, #tpu.memory_space<vmem>>) semaphore(%arg18 : memref<!tpu.dma_semaphore, #tpu.memory_space<semaphore_mem>>)
    %scan3A = arith.constant 0 : i32
    %scan3A_65 = arith.constant 0 : i32
    %scan3A_66 = arith.constant 80 : i32
    %scan3A_67 = arith.addi %scan3A_65, %scan3A_66 : i32
    %scan3A_68 = arith.constant 1 : i32
    scf.for %scan3A_123 = %scan3A_65 to %scan3A_67 step %scan3A_68  : i32 {
      %add3A_124 = arith.constant 1 : i32
      %add3A_125 = arith.addi %scan3A_123, %add3A_124 : i32
      %min3A = arith.constant 79 : i32
      %min3A_126 = arith.minsi %add3A_125, %min3A : i32
      %dma_wait3A_127 = arith.constant 0 : i32
      %dma_wait3A_128 = arith.constant 0 : i32
      %dma_wait3A_129 = tpu.memref_slice %arg2[%dma_wait3A_127, %dma_wait3A_128] : memref<10112x128xf32, #tpu.memory_space<hbm>> -> memref<16x128xf32, #tpu.memory_space<hbm>>
      %dma_wait3A_130 = arith.constant 0 : i32
      %dma_wait3A_131 = arith.constant 0 : i32
      %dma_wait3A_132 = tpu.memref_slice %arg2[%dma_wait3A_130, %dma_wait3A_131] : memref<10112x128xf32, #tpu.memory_space<hbm>> -> memref<16x128xf32, #tpu.memory_space<hbm>>
      tpu.wait_dma2 semaphore(%arg18 : memref<!tpu.dma_semaphore, #tpu.memory_space<semaphore_mem>>) src(%dma_wait3A_132 : memref<16x128xf32, #tpu.memory_space<hbm>>) dst(%arg9 : memref<16x128xf32, #tpu.memory_space<vmem>>)
      "tpu.region"() ({
        %run_scoped3A = tpu.sem_alloc : memref<!tpu.dma_semaphore, #tpu.memory_space<semaphore_mem>>
        %dma_start3A_223 = arith.constant 0 : i32
        %dma_start3A_224 = tpu.memref_slice %arg8[%scan3A_123, %dma_start3A_223] : memref<80x128xi32, #tpu.memory_space<vmem>> -> memref<1x16xi32, #tpu.memory_space<vmem>>
        %dma_start3A_225 = tpu.memref_squeeze %dma_start3A_224 : memref<1x16xi32, #tpu.memory_space<vmem>> -> memref<16xi32, #tpu.memory_space<vmem>>
        %dma_start3A_226 = arith.constant 0 : i32
        %dma_start3A_227 = arith.constant 0 : i32
        %dma_start3A_228 = tpu.memref_slice %arg17[%dma_start3A_226, %dma_start3A_227] : memref<10112x128xf32, #tpu.memory_space<vmem_shared>> -> memref<10112x128xf32, #tpu.memory_space<vmem_shared>>
        tpu.enqueue_indirect_dma source(%arg9 : memref<16x128xf32, #tpu.memory_space<vmem>>) target(%dma_start3A_228 : memref<10112x128xf32, #tpu.memory_space<vmem_shared>>) offsets(%dma_start3A_225 : memref<16xi32, #tpu.memory_space<vmem>>) semaphore(%run_scoped3A : memref<!tpu.dma_semaphore, #tpu.memory_space<semaphore_mem>>) {add = true}
        %dma_wait3A_229 = arith.constant 0 : i32
        %dma_wait3A_230 = tpu.memref_slice %arg8[%scan3A_123, %dma_wait3A_229] : memref<80x128xi32, #tpu.memory_space<vmem>> -> memref<1x16xi32, #tpu.memory_space<vmem>>
        %dma_wait3A_231 = tpu.memref_squeeze %dma_wait3A_230 : memref<1x16xi32, #tpu.memory_space<vmem>> -> memref<16xi32, #tpu.memory_space<vmem>>
        %dma_wait3A_232 = arith.constant 0 : i32
        %dma_wait3A_233 = arith.constant 0 : i32
        %dma_wait3A_234 = tpu.memref_slice %arg17[%dma_wait3A_232, %dma_wait3A_233] : memref<10112x128xf32, #tpu.memory_space<vmem_shared>> -> memref<10112x128xf32, #tpu.memory_space<vmem_shared>>
        tpu.wait_indirect_dma semaphore(%run_scoped3A : memref<!tpu.dma_semaphore, #tpu.memory_space<semaphore_mem>>) src(%arg9 : memref<16x128xf32, #tpu.memory_space<vmem>>) dst(%dma_wait3A_234 : memref<10112x128xf32, #tpu.memory_space<vmem_shared>>)
        tpu.yield
      }) : () -> ()
      %dma_start3A_133 = arith.constant 0 : i32
      %dma_start3A_134 = tpu.memref_slice %arg7[%min3A_126, %dma_start3A_133] : memref<80x128xi32, #tpu.memory_space<vmem>> -> memref<1x16xi32, #tpu.memory_space<vmem>>
      %dma_start3A_135 = tpu.memref_squeeze %dma_start3A_134 : memref<1x16xi32, #tpu.memory_space<vmem>> -> memref<16xi32, #tpu.memory_space<vmem>>
      %dma_start3A_136 = arith.constant 0 : i32
      %dma_start3A_137 = arith.constant 0 : i32
      %dma_start3A_138 = tpu.memref_slice %arg2[%dma_start3A_136, %dma_start3A_137] : memref<10112x128xf32, #tpu.memory_space<hbm>> -> memref<10112x128xf32, #tpu.memory_space<hbm>>
      tpu.enqueue_indirect_dma source(%dma_start3A_138 : memref<10112x128xf32, #tpu.memory_space<hbm>>) target(%arg9 : memref<16x128xf32, #tpu.memory_space<vmem>>) offsets(%dma_start3A_135 : memref<16xi32, #tpu.memory_space<vmem>>) semaphore(%arg18 : memref<!tpu.dma_semaphore, #tpu.memory_space<semaphore_mem>>)
      %dma_wait3A_139 = arith.constant 0 : i32
      %dma_wait3A_140 = arith.constant 0 : i32
      %dma_wait3A_141 = tpu.memref_slice %arg2[%dma_wait3A_139, %dma_wait3A_140] : memref<10112x128xf32, #tpu.memory_space<hbm>> -> memref<16x128xf32, #tpu.memory_space<hbm>>
      %dma_wait3A_142 = arith.constant 0 : i32
      %dma_wait3A_143 = arith.constant 0 : i32
      %dma_wait3A_144 = tpu.memref_slice %arg2[%dma_wait3A_142, %dma_wait3A_143] : memref<10112x128xf32, #tpu.memory_space<hbm>> -> memref<16x128xf32, #tpu.memory_space<hbm>>
      tpu.wait_dma2 semaphore(%arg18 : memref<!tpu.dma_semaphore, #tpu.memory_space<semaphore_mem>>) src(%dma_wait3A_144 : memref<16x128xf32, #tpu.memory_space<hbm>>) dst(%arg10 : memref<16x128xf32, #tpu.memory_space<vmem>>)
      "tpu.region"() ({
        %run_scoped3A = tpu.sem_alloc : memref<!tpu.dma_semaphore, #tpu.memory_space<semaphore_mem>>
        %dma_start3A_223 = arith.constant 16 : i32
        %dma_start3A_224 = tpu.memref_slice %arg8[%scan3A_123, %dma_start3A_223] : memref<80x128xi32, #tpu.memory_space<vmem>> -> memref<1x16xi32, #tpu.memory_space<vmem>>
        %dma_start3A_225 = tpu.memref_squeeze %dma_start3A_224 : memref<1x16xi32, #tpu.memory_space<vmem>> -> memref<16xi32, #tpu.memory_space<vmem>>
        %dma_start3A_226 = arith.constant 0 : i32
        %dma_start3A_227 = arith.constant 0 : i32
        %dma_start3A_228 = tpu.memref_slice %arg17[%dma_start3A_226, %dma_start3A_227] : memref<10112x128xf32, #tpu.memory_space<vmem_shared>> -> memref<10112x128xf32, #tpu.memory_space<vmem_shared>>
        tpu.enqueue_indirect_dma source(%arg10 : memref<16x128xf32, #tpu.memory_space<vmem>>) target(%dma_start3A_228 : memref<10112x128xf32, #tpu.memory_space<vmem_shared>>) offsets(%dma_start3A_225 : memref<16xi32, #tpu.memory_space<vmem>>) semaphore(%run_scoped3A : memref<!tpu.dma_semaphore, #tpu.memory_space<semaphore_mem>>) {add = true}
        %dma_wait3A_229 = arith.constant 16 : i32
        %dma_wait3A_230 = tpu.memref_slice %arg8[%scan3A_123, %dma_wait3A_229] : memref<80x128xi32, #tpu.memory_space<vmem>> -> memref<1x16xi32, #tpu.memory_space<vmem>>
        %dma_wait3A_231 = tpu.memref_squeeze %dma_wait3A_230 : memref<1x16xi32, #tpu.memory_space<vmem>> -> memref<16xi32, #tpu.memory_space<vmem>>
        %dma_wait3A_232 = arith.constant 0 : i32
        %dma_wait3A_233 = arith.constant 0 : i32
        %dma_wait3A_234 = tpu.memref_slice %arg17[%dma_wait3A_232, %dma_wait3A_233] : memref<10112x128xf32, #tpu.memory_space<vmem_shared>> -> memref<10112x128xf32, #tpu.memory_space<vmem_shared>>
        tpu.wait_indirect_dma semaphore(%run_scoped3A : memref<!tpu.dma_semaphore, #tpu.memory_space<semaphore_mem>>) src(%arg10 : memref<16x128xf32, #tpu.memory_space<vmem>>) dst(%dma_wait3A_234 : memref<10112x128xf32, #tpu.memory_space<vmem_shared>>)
        tpu.yield
      }) : () -> ()
      %dma_start3A_145 = arith.constant 16 : i32
      %dma_start3A_146 = tpu.memref_slice %arg7[%min3A_126, %dma_start3A_145] : memref<80x128xi32, #tpu.memory_space<vmem>> -> memref<1x16xi32, #tpu.memory_space<vmem>>
      %dma_start3A_147 = tpu.memref_squeeze %dma_start3A_146 : memref<1x16xi32, #tpu.memory_space<vmem>> -> memref<16xi32, #tpu.memory_space<vmem>>
      %dma_start3A_148 = arith.constant 0 : i32
      %dma_start3A_149 = arith.constant 0 : i32
      %dma_start3A_150 = tpu.memref_slice %arg2[%dma_start3A_148, %dma_start3A_149] : memref<10112x128xf32, #tpu.memory_space<hbm>> -> memref<10112x128xf32, #tpu.memory_space<hbm>>
      tpu.enqueue_indirect_dma source(%dma_start3A_150 : memref<10112x128xf32, #tpu.memory_space<hbm>>) target(%arg10 : memref<16x128xf32, #tpu.memory_space<vmem>>) offsets(%dma_start3A_147 : memref<16xi32, #tpu.memory_space<vmem>>) semaphore(%arg18 : memref<!tpu.dma_semaphore, #tpu.memory_space<semaphore_mem>>)
      %dma_wait3A_151 = arith.constant 0 : i32
      %dma_wait3A_152 = arith.constant 0 : i32
      %dma_wait3A_153 = tpu.memref_slice %arg2[%dma_wait3A_151, %dma_wait3A_152] : memref<10112x128xf32, #tpu.memory_space<hbm>> -> memref<16x128xf32, #tpu.memory_space<hbm>>
      %dma_wait3A_154 = arith.constant 0 : i32
      %dma_wait3A_155 = arith.constant 0 : i32
      %dma_wait3A_156 = tpu.memref_slice %arg2[%dma_wait3A_154, %dma_wait3A_155] : memref<10112x128xf32, #tpu.memory_space<hbm>> -> memref<16x128xf32, #tpu.memory_space<hbm>>
      tpu.wait_dma2 semaphore(%arg18 : memref<!tpu.dma_semaphore, #tpu.memory_space<semaphore_mem>>) src(%dma_wait3A_156 : memref<16x128xf32, #tpu.memory_space<hbm>>) dst(%arg11 : memref<16x128xf32, #tpu.memory_space<vmem>>)
      "tpu.region"() ({
        %run_scoped3A = tpu.sem_alloc : memref<!tpu.dma_semaphore, #tpu.memory_space<semaphore_mem>>
        %dma_start3A_223 = arith.constant 32 : i32
        %dma_start3A_224 = tpu.memref_slice %arg8[%scan3A_123, %dma_start3A_223] : memref<80x128xi32, #tpu.memory_space<vmem>> -> memref<1x16xi32, #tpu.memory_space<vmem>>
        %dma_start3A_225 = tpu.memref_squeeze %dma_start3A_224 : memref<1x16xi32, #tpu.memory_space<vmem>> -> memref<16xi32, #tpu.memory_space<vmem>>
        %dma_start3A_226 = arith.constant 0 : i32
        %dma_start3A_227 = arith.constant 0 : i32
        %dma_start3A_228 = tpu.memref_slice %arg17[%dma_start3A_226, %dma_start3A_227] : memref<10112x128xf32, #tpu.memory_space<vmem_shared>> -> memref<10112x128xf32, #tpu.memory_space<vmem_shared>>
        tpu.enqueue_indirect_dma source(%arg11 : memref<16x128xf32, #tpu.memory_space<vmem>>) target(%dma_start3A_228 : memref<10112x128xf32, #tpu.memory_space<vmem_shared>>) offsets(%dma_start3A_225 : memref<16xi32, #tpu.memory_space<vmem>>) semaphore(%run_scoped3A : memref<!tpu.dma_semaphore, #tpu.memory_space<semaphore_mem>>) {add = true}
        %dma_wait3A_229 = arith.constant 32 : i32
        %dma_wait3A_230 = tpu.memref_slice %arg8[%scan3A_123, %dma_wait3A_229] : memref<80x128xi32, #tpu.memory_space<vmem>> -> memref<1x16xi32, #tpu.memory_space<vmem>>
        %dma_wait3A_231 = tpu.memref_squeeze %dma_wait3A_230 : memref<1x16xi32, #tpu.memory_space<vmem>> -> memref<16xi32, #tpu.memory_space<vmem>>
        %dma_wait3A_232 = arith.constant 0 : i32
        %dma_wait3A_233 = arith.constant 0 : i32
        %dma_wait3A_234 = tpu.memref_slice %arg17[%dma_wait3A_232, %dma_wait3A_233] : memref<10112x128xf32, #tpu.memory_space<vmem_shared>> -> memref<10112x128xf32, #tpu.memory_space<vmem_shared>>
        tpu.wait_indirect_dma semaphore(%run_scoped3A : memref<!tpu.dma_semaphore, #tpu.memory_space<semaphore_mem>>) src(%arg11 : memref<16x128xf32, #tpu.memory_space<vmem>>) dst(%dma_wait3A_234 : memref<10112x128xf32, #tpu.memory_space<vmem_shared>>)
        tpu.yield
      }) : () -> ()
      %dma_start3A_157 = arith.constant 32 : i32
      %dma_start3A_158 = tpu.memref_slice %arg7[%min3A_126, %dma_start3A_157] : memref<80x128xi32, #tpu.memory_space<vmem>> -> memref<1x16xi32, #tpu.memory_space<vmem>>
      %dma_start3A_159 = tpu.memref_squeeze %dma_start3A_158 : memref<1x16xi32, #tpu.memory_space<vmem>> -> memref<16xi32, #tpu.memory_space<vmem>>
      %dma_start3A_160 = arith.constant 0 : i32
      %dma_start3A_161 = arith.constant 0 : i32
      %dma_start3A_162 = tpu.memref_slice %arg2[%dma_start3A_160, %dma_start3A_161] : memref<10112x128xf32, #tpu.memory_space<hbm>> -> memref<10112x128xf32, #tpu.memory_space<hbm>>
      tpu.enqueue_indirect_dma source(%dma_start3A_162 : memref<10112x128xf32, #tpu.memory_space<hbm>>) target(%arg11 : memref<16x128xf32, #tpu.memory_space<vmem>>) offsets(%dma_start3A_159 : memref<16xi32, #tpu.memory_space<vmem>>) semaphore(%arg18 : memref<!tpu.dma_semaphore, #tpu.memory_space<semaphore_mem>>)
      %dma_wait3A_163 = arith.constant 0 : i32
      %dma_wait3A_164 = arith.constant 0 : i32
      %dma_wait3A_165 = tpu.memref_slice %arg2[%dma_wait3A_163, %dma_wait3A_164] : memref<10112x128xf32, #tpu.memory_space<hbm>> -> memref<16x128xf32, #tpu.memory_space<hbm>>
      %dma_wait3A_166 = arith.constant 0 : i32
      %dma_wait3A_167 = arith.constant 0 : i32
      %dma_wait3A_168 = tpu.memref_slice %arg2[%dma_wait3A_166, %dma_wait3A_167] : memref<10112x128xf32, #tpu.memory_space<hbm>> -> memref<16x128xf32, #tpu.memory_space<hbm>>
      tpu.wait_dma2 semaphore(%arg18 : memref<!tpu.dma_semaphore, #tpu.memory_space<semaphore_mem>>) src(%dma_wait3A_168 : memref<16x128xf32, #tpu.memory_space<hbm>>) dst(%arg12 : memref<16x128xf32, #tpu.memory_space<vmem>>)
      "tpu.region"() ({
        %run_scoped3A = tpu.sem_alloc : memref<!tpu.dma_semaphore, #tpu.memory_space<semaphore_mem>>
        %dma_start3A_223 = arith.constant 48 : i32
        %dma_start3A_224 = tpu.memref_slice %arg8[%scan3A_123, %dma_start3A_223] : memref<80x128xi32, #tpu.memory_space<vmem>> -> memref<1x16xi32, #tpu.memory_space<vmem>>
        %dma_start3A_225 = tpu.memref_squeeze %dma_start3A_224 : memref<1x16xi32, #tpu.memory_space<vmem>> -> memref<16xi32, #tpu.memory_space<vmem>>
        %dma_start3A_226 = arith.constant 0 : i32
        %dma_start3A_227 = arith.constant 0 : i32
        %dma_start3A_228 = tpu.memref_slice %arg17[%dma_start3A_226, %dma_start3A_227] : memref<10112x128xf32, #tpu.memory_space<vmem_shared>> -> memref<10112x128xf32, #tpu.memory_space<vmem_shared>>
        tpu.enqueue_indirect_dma source(%arg12 : memref<16x128xf32, #tpu.memory_space<vmem>>) target(%dma_start3A_228 : memref<10112x128xf32, #tpu.memory_space<vmem_shared>>) offsets(%dma_start3A_225 : memref<16xi32, #tpu.memory_space<vmem>>) semaphore(%run_scoped3A : memref<!tpu.dma_semaphore, #tpu.memory_space<semaphore_mem>>) {add = true}
        %dma_wait3A_229 = arith.constant 48 : i32
        %dma_wait3A_230 = tpu.memref_slice %arg8[%scan3A_123, %dma_wait3A_229] : memref<80x128xi32, #tpu.memory_space<vmem>> -> memref<1x16xi32, #tpu.memory_space<vmem>>
        %dma_wait3A_231 = tpu.memref_squeeze %dma_wait3A_230 : memref<1x16xi32, #tpu.memory_space<vmem>> -> memref<16xi32, #tpu.memory_space<vmem>>
        %dma_wait3A_232 = arith.constant 0 : i32
        %dma_wait3A_233 = arith.constant 0 : i32
        %dma_wait3A_234 = tpu.memref_slice %arg17[%dma_wait3A_232, %dma_wait3A_233] : memref<10112x128xf32, #tpu.memory_space<vmem_shared>> -> memref<10112x128xf32, #tpu.memory_space<vmem_shared>>
        tpu.wait_indirect_dma semaphore(%run_scoped3A : memref<!tpu.dma_semaphore, #tpu.memory_space<semaphore_mem>>) src(%arg12 : memref<16x128xf32, #tpu.memory_space<vmem>>) dst(%dma_wait3A_234 : memref<10112x128xf32, #tpu.memory_space<vmem_shared>>)
        tpu.yield
      }) : () -> ()
      %dma_start3A_169 = arith.constant 48 : i32
      %dma_start3A_170 = tpu.memref_slice %arg7[%min3A_126, %dma_start3A_169] : memref<80x128xi32, #tpu.memory_space<vmem>> -> memref<1x16xi32, #tpu.memory_space<vmem>>
      %dma_start3A_171 = tpu.memref_squeeze %dma_start3A_170 : memref<1x16xi32, #tpu.memory_space<vmem>> -> memref<16xi32, #tpu.memory_space<vmem>>
      %dma_start3A_172 = arith.constant 0 : i32
      %dma_start3A_173 = arith.constant 0 : i32
      %dma_start3A_174 = tpu.memref_slice %arg2[%dma_start3A_172, %dma_start3A_173] : memref<10112x128xf32, #tpu.memory_space<hbm>> -> memref<10112x128xf32, #tpu.memory_space<hbm>>
      tpu.enqueue_indirect_dma source(%dma_start3A_174 : memref<10112x128xf32, #tpu.memory_space<hbm>>) target(%arg12 : memref<16x128xf32, #tpu.memory_space<vmem>>) offsets(%dma_start3A_171 : memref<16xi32, #tpu.memory_space<vmem>>) semaphore(%arg18 : memref<!tpu.dma_semaphore, #tpu.memory_space<semaphore_mem>>)
      %dma_wait3A_175 = arith.constant 0 : i32
      %dma_wait3A_176 = arith.constant 0 : i32
      %dma_wait3A_177 = tpu.memref_slice %arg2[%dma_wait3A_175, %dma_wait3A_176] : memref<10112x128xf32, #tpu.memory_space<hbm>> -> memref<16x128xf32, #tpu.memory_space<hbm>>
      %dma_wait3A_178 = arith.constant 0 : i32
      %dma_wait3A_179 = arith.constant 0 : i32
      %dma_wait3A_180 = tpu.memref_slice %arg2[%dma_wait3A_178, %dma_wait3A_179] : memref<10112x128xf32, #tpu.memory_space<hbm>> -> memref<16x128xf32, #tpu.memory_space<hbm>>
      tpu.wait_dma2 semaphore(%arg18 : memref<!tpu.dma_semaphore, #tpu.memory_space<semaphore_mem>>) src(%dma_wait3A_180 : memref<16x128xf32, #tpu.memory_space<hbm>>) dst(%arg13 : memref<16x128xf32, #tpu.memory_space<vmem>>)
      "tpu.region"() ({
        %run_scoped3A = tpu.sem_alloc : memref<!tpu.dma_semaphore, #tpu.memory_space<semaphore_mem>>
        %dma_start3A_223 = arith.constant 64 : i32
        %dma_start3A_224 = tpu.memref_slice %arg8[%scan3A_123, %dma_start3A_223] : memref<80x128xi32, #tpu.memory_space<vmem>> -> memref<1x16xi32, #tpu.memory_space<vmem>>
        %dma_start3A_225 = tpu.memref_squeeze %dma_start3A_224 : memref<1x16xi32, #tpu.memory_space<vmem>> -> memref<16xi32, #tpu.memory_space<vmem>>
        %dma_start3A_226 = arith.constant 0 : i32
        %dma_start3A_227 = arith.constant 0 : i32
        %dma_start3A_228 = tpu.memref_slice %arg17[%dma_start3A_226, %dma_start3A_227] : memref<10112x128xf32, #tpu.memory_space<vmem_shared>> -> memref<10112x128xf32, #tpu.memory_space<vmem_shared>>
        tpu.enqueue_indirect_dma source(%arg13 : memref<16x128xf32, #tpu.memory_space<vmem>>) target(%dma_start3A_228 : memref<10112x128xf32, #tpu.memory_space<vmem_shared>>) offsets(%dma_start3A_225 : memref<16xi32, #tpu.memory_space<vmem>>) semaphore(%run_scoped3A : memref<!tpu.dma_semaphore, #tpu.memory_space<semaphore_mem>>) {add = true}
        %dma_wait3A_229 = arith.constant 64 : i32
        %dma_wait3A_230 = tpu.memref_slice %arg8[%scan3A_123, %dma_wait3A_229] : memref<80x128xi32, #tpu.memory_space<vmem>> -> memref<1x16xi32, #tpu.memory_space<vmem>>
        %dma_wait3A_231 = tpu.memref_squeeze %dma_wait3A_230 : memref<1x16xi32, #tpu.memory_space<vmem>> -> memref<16xi32, #tpu.memory_space<vmem>>
        %dma_wait3A_232 = arith.constant 0 : i32
        %dma_wait3A_233 = arith.constant 0 : i32
        %dma_wait3A_234 = tpu.memref_slice %arg17[%dma_wait3A_232, %dma_wait3A_233] : memref<10112x128xf32, #tpu.memory_space<vmem_shared>> -> memref<10112x128xf32, #tpu.memory_space<vmem_shared>>
        tpu.wait_indirect_dma semaphore(%run_scoped3A : memref<!tpu.dma_semaphore, #tpu.memory_space<semaphore_mem>>) src(%arg13 : memref<16x128xf32, #tpu.memory_space<vmem>>) dst(%dma_wait3A_234 : memref<10112x128xf32, #tpu.memory_space<vmem_shared>>)
        tpu.yield
      }) : () -> ()
      %dma_start3A_181 = arith.constant 64 : i32
      %dma_start3A_182 = tpu.memref_slice %arg7[%min3A_126, %dma_start3A_181] : memref<80x128xi32, #tpu.memory_space<vmem>> -> memref<1x16xi32, #tpu.memory_space<vmem>>
      %dma_start3A_183 = tpu.memref_squeeze %dma_start3A_182 : memref<1x16xi32, #tpu.memory_space<vmem>> -> memref<16xi32, #tpu.memory_space<vmem>>
      %dma_start3A_184 = arith.constant 0 : i32
      %dma_start3A_185 = arith.constant 0 : i32
      %dma_start3A_186 = tpu.memref_slice %arg2[%dma_start3A_184, %dma_start3A_185] : memref<10112x128xf32, #tpu.memory_space<hbm>> -> memref<10112x128xf32, #tpu.memory_space<hbm>>
      tpu.enqueue_indirect_dma source(%dma_start3A_186 : memref<10112x128xf32, #tpu.memory_space<hbm>>) target(%arg13 : memref<16x128xf32, #tpu.memory_space<vmem>>) offsets(%dma_start3A_183 : memref<16xi32, #tpu.memory_space<vmem>>) semaphore(%arg18 : memref<!tpu.dma_semaphore, #tpu.memory_space<semaphore_mem>>)
      %dma_wait3A_187 = arith.constant 0 : i32
      %dma_wait3A_188 = arith.constant 0 : i32
      %dma_wait3A_189 = tpu.memref_slice %arg2[%dma_wait3A_187, %dma_wait3A_188] : memref<10112x128xf32, #tpu.memory_space<hbm>> -> memref<16x128xf32, #tpu.memory_space<hbm>>
      %dma_wait3A_190 = arith.constant 0 : i32
      %dma_wait3A_191 = arith.constant 0 : i32
      %dma_wait3A_192 = tpu.memref_slice %arg2[%dma_wait3A_190, %dma_wait3A_191] : memref<10112x128xf32, #tpu.memory_space<hbm>> -> memref<16x128xf32, #tpu.memory_space<hbm>>
      tpu.wait_dma2 semaphore(%arg18 : memref<!tpu.dma_semaphore, #tpu.memory_space<semaphore_mem>>) src(%dma_wait3A_192 : memref<16x128xf32, #tpu.memory_space<hbm>>) dst(%arg14 : memref<16x128xf32, #tpu.memory_space<vmem>>)
      "tpu.region"() ({
        %run_scoped3A = tpu.sem_alloc : memref<!tpu.dma_semaphore, #tpu.memory_space<semaphore_mem>>
        %dma_start3A_223 = arith.constant 80 : i32
        %dma_start3A_224 = tpu.memref_slice %arg8[%scan3A_123, %dma_start3A_223] : memref<80x128xi32, #tpu.memory_space<vmem>> -> memref<1x16xi32, #tpu.memory_space<vmem>>
        %dma_start3A_225 = tpu.memref_squeeze %dma_start3A_224 : memref<1x16xi32, #tpu.memory_space<vmem>> -> memref<16xi32, #tpu.memory_space<vmem>>
        %dma_start3A_226 = arith.constant 0 : i32
        %dma_start3A_227 = arith.constant 0 : i32
        %dma_start3A_228 = tpu.memref_slice %arg17[%dma_start3A_226, %dma_start3A_227] : memref<10112x128xf32, #tpu.memory_space<vmem_shared>> -> memref<10112x128xf32, #tpu.memory_space<vmem_shared>>
        tpu.enqueue_indirect_dma source(%arg14 : memref<16x128xf32, #tpu.memory_space<vmem>>) target(%dma_start3A_228 : memref<10112x128xf32, #tpu.memory_space<vmem_shared>>) offsets(%dma_start3A_225 : memref<16xi32, #tpu.memory_space<vmem>>) semaphore(%run_scoped3A : memref<!tpu.dma_semaphore, #tpu.memory_space<semaphore_mem>>) {add = true}
        %dma_wait3A_229 = arith.constant 80 : i32
        %dma_wait3A_230 = tpu.memref_slice %arg8[%scan3A_123, %dma_wait3A_229] : memref<80x128xi32, #tpu.memory_space<vmem>> -> memref<1x16xi32, #tpu.memory_space<vmem>>
        %dma_wait3A_231 = tpu.memref_squeeze %dma_wait3A_230 : memref<1x16xi32, #tpu.memory_space<vmem>> -> memref<16xi32, #tpu.memory_space<vmem>>
        %dma_wait3A_232 = arith.constant 0 : i32
        %dma_wait3A_233 = arith.constant 0 : i32
        %dma_wait3A_234 = tpu.memref_slice %arg17[%dma_wait3A_232, %dma_wait3A_233] : memref<10112x128xf32, #tpu.memory_space<vmem_shared>> -> memref<10112x128xf32, #tpu.memory_space<vmem_shared>>
        tpu.wait_indirect_dma semaphore(%run_scoped3A : memref<!tpu.dma_semaphore, #tpu.memory_space<semaphore_mem>>) src(%arg14 : memref<16x128xf32, #tpu.memory_space<vmem>>) dst(%dma_wait3A_234 : memref<10112x128xf32, #tpu.memory_space<vmem_shared>>)
        tpu.yield
      }) : () -> ()
      %dma_start3A_193 = arith.constant 80 : i32
      %dma_start3A_194 = tpu.memref_slice %arg7[%min3A_126, %dma_start3A_193] : memref<80x128xi32, #tpu.memory_space<vmem>> -> memref<1x16xi32, #tpu.memory_space<vmem>>
      %dma_start3A_195 = tpu.memref_squeeze %dma_start3A_194 : memref<1x16xi32, #tpu.memory_space<vmem>> -> memref<16xi32, #tpu.memory_space<vmem>>
      %dma_start3A_196 = arith.constant 0 : i32
      %dma_start3A_197 = arith.constant 0 : i32
      %dma_start3A_198 = tpu.memref_slice %arg2[%dma_start3A_196, %dma_start3A_197] : memref<10112x128xf32, #tpu.memory_space<hbm>> -> memref<10112x128xf32, #tpu.memory_space<hbm>>
      tpu.enqueue_indirect_dma source(%dma_start3A_198 : memref<10112x128xf32, #tpu.memory_space<hbm>>) target(%arg14 : memref<16x128xf32, #tpu.memory_space<vmem>>) offsets(%dma_start3A_195 : memref<16xi32, #tpu.memory_space<vmem>>) semaphore(%arg18 : memref<!tpu.dma_semaphore, #tpu.memory_space<semaphore_mem>>)
      %dma_wait3A_199 = arith.constant 0 : i32
      %dma_wait3A_200 = arith.constant 0 : i32
      %dma_wait3A_201 = tpu.memref_slice %arg2[%dma_wait3A_199, %dma_wait3A_200] : memref<10112x128xf32, #tpu.memory_space<hbm>> -> memref<16x128xf32, #tpu.memory_space<hbm>>
      %dma_wait3A_202 = arith.constant 0 : i32
      %dma_wait3A_203 = arith.constant 0 : i32
      %dma_wait3A_204 = tpu.memref_slice %arg2[%dma_wait3A_202, %dma_wait3A_203] : memref<10112x128xf32, #tpu.memory_space<hbm>> -> memref<16x128xf32, #tpu.memory_space<hbm>>
      tpu.wait_dma2 semaphore(%arg18 : memref<!tpu.dma_semaphore, #tpu.memory_space<semaphore_mem>>) src(%dma_wait3A_204 : memref<16x128xf32, #tpu.memory_space<hbm>>) dst(%arg15 : memref<16x128xf32, #tpu.memory_space<vmem>>)
      "tpu.region"() ({
        %run_scoped3A = tpu.sem_alloc : memref<!tpu.dma_semaphore, #tpu.memory_space<semaphore_mem>>
        %dma_start3A_223 = arith.constant 96 : i32
        %dma_start3A_224 = tpu.memref_slice %arg8[%scan3A_123, %dma_start3A_223] : memref<80x128xi32, #tpu.memory_space<vmem>> -> memref<1x16xi32, #tpu.memory_space<vmem>>
        %dma_start3A_225 = tpu.memref_squeeze %dma_start3A_224 : memref<1x16xi32, #tpu.memory_space<vmem>> -> memref<16xi32, #tpu.memory_space<vmem>>
        %dma_start3A_226 = arith.constant 0 : i32
        %dma_start3A_227 = arith.constant 0 : i32
        %dma_start3A_228 = tpu.memref_slice %arg17[%dma_start3A_226, %dma_start3A_227] : memref<10112x128xf32, #tpu.memory_space<vmem_shared>> -> memref<10112x128xf32, #tpu.memory_space<vmem_shared>>
        tpu.enqueue_indirect_dma source(%arg15 : memref<16x128xf32, #tpu.memory_space<vmem>>) target(%dma_start3A_228 : memref<10112x128xf32, #tpu.memory_space<vmem_shared>>) offsets(%dma_start3A_225 : memref<16xi32, #tpu.memory_space<vmem>>) semaphore(%run_scoped3A : memref<!tpu.dma_semaphore, #tpu.memory_space<semaphore_mem>>) {add = true}
        %dma_wait3A_229 = arith.constant 96 : i32
        %dma_wait3A_230 = tpu.memref_slice %arg8[%scan3A_123, %dma_wait3A_229] : memref<80x128xi32, #tpu.memory_space<vmem>> -> memref<1x16xi32, #tpu.memory_space<vmem>>
        %dma_wait3A_231 = tpu.memref_squeeze %dma_wait3A_230 : memref<1x16xi32, #tpu.memory_space<vmem>> -> memref<16xi32, #tpu.memory_space<vmem>>
        %dma_wait3A_232 = arith.constant 0 : i32
        %dma_wait3A_233 = arith.constant 0 : i32
        %dma_wait3A_234 = tpu.memref_slice %arg17[%dma_wait3A_232, %dma_wait3A_233] : memref<10112x128xf32, #tpu.memory_space<vmem_shared>> -> memref<10112x128xf32, #tpu.memory_space<vmem_shared>>
        tpu.wait_indirect_dma semaphore(%run_scoped3A : memref<!tpu.dma_semaphore, #tpu.memory_space<semaphore_mem>>) src(%arg15 : memref<16x128xf32, #tpu.memory_space<vmem>>) dst(%dma_wait3A_234 : memref<10112x128xf32, #tpu.memory_space<vmem_shared>>)
        tpu.yield
      }) : () -> ()
      %dma_start3A_205 = arith.constant 96 : i32
      %dma_start3A_206 = tpu.memref_slice %arg7[%min3A_126, %dma_start3A_205] : memref<80x128xi32, #tpu.memory_space<vmem>> -> memref<1x16xi32, #tpu.memory_space<vmem>>
      %dma_start3A_207 = tpu.memref_squeeze %dma_start3A_206 : memref<1x16xi32, #tpu.memory_space<vmem>> -> memref<16xi32, #tpu.memory_space<vmem>>
      %dma_start3A_208 = arith.constant 0 : i32
      %dma_start3A_209 = arith.constant 0 : i32
      %dma_start3A_210 = tpu.memref_slice %arg2[%dma_start3A_208, %dma_start3A_209] : memref<10112x128xf32, #tpu.memory_space<hbm>> -> memref<10112x128xf32, #tpu.memory_space<hbm>>
      tpu.enqueue_indirect_dma source(%dma_start3A_210 : memref<10112x128xf32, #tpu.memory_space<hbm>>) target(%arg15 : memref<16x128xf32, #tpu.memory_space<vmem>>) offsets(%dma_start3A_207 : memref<16xi32, #tpu.memory_space<vmem>>) semaphore(%arg18 : memref<!tpu.dma_semaphore, #tpu.memory_space<semaphore_mem>>)
      %dma_wait3A_211 = arith.constant 0 : i32
      %dma_wait3A_212 = arith.constant 0 : i32
      %dma_wait3A_213 = tpu.memref_slice %arg2[%dma_wait3A_211, %dma_wait3A_212] : memref<10112x128xf32, #tpu.memory_space<hbm>> -> memref<16x128xf32, #tpu.memory_space<hbm>>
      %dma_wait3A_214 = arith.constant 0 : i32
      %dma_wait3A_215 = arith.constant 0 : i32
      %dma_wait3A_216 = tpu.memref_slice %arg2[%dma_wait3A_214, %dma_wait3A_215] : memref<10112x128xf32, #tpu.memory_space<hbm>> -> memref<16x128xf32, #tpu.memory_space<hbm>>
      tpu.wait_dma2 semaphore(%arg18 : memref<!tpu.dma_semaphore, #tpu.memory_space<semaphore_mem>>) src(%dma_wait3A_216 : memref<16x128xf32, #tpu.memory_space<hbm>>) dst(%arg16 : memref<16x128xf32, #tpu.memory_space<vmem>>)
      "tpu.region"() ({
        %run_scoped3A = tpu.sem_alloc : memref<!tpu.dma_semaphore, #tpu.memory_space<semaphore_mem>>
        %dma_start3A_223 = arith.constant 112 : i32
        %dma_start3A_224 = tpu.memref_slice %arg8[%scan3A_123, %dma_start3A_223] : memref<80x128xi32, #tpu.memory_space<vmem>> -> memref<1x16xi32, #tpu.memory_space<vmem>>
        %dma_start3A_225 = tpu.memref_squeeze %dma_start3A_224 : memref<1x16xi32, #tpu.memory_space<vmem>> -> memref<16xi32, #tpu.memory_space<vmem>>
        %dma_start3A_226 = arith.constant 0 : i32
        %dma_start3A_227 = arith.constant 0 : i32
        %dma_start3A_228 = tpu.memref_slice %arg17[%dma_start3A_226, %dma_start3A_227] : memref<10112x128xf32, #tpu.memory_space<vmem_shared>> -> memref<10112x128xf32, #tpu.memory_space<vmem_shared>>
        tpu.enqueue_indirect_dma source(%arg16 : memref<16x128xf32, #tpu.memory_space<vmem>>) target(%dma_start3A_228 : memref<10112x128xf32, #tpu.memory_space<vmem_shared>>) offsets(%dma_start3A_225 : memref<16xi32, #tpu.memory_space<vmem>>) semaphore(%run_scoped3A : memref<!tpu.dma_semaphore, #tpu.memory_space<semaphore_mem>>) {add = true}
        %dma_wait3A_229 = arith.constant 112 : i32
        %dma_wait3A_230 = tpu.memref_slice %arg8[%scan3A_123, %dma_wait3A_229] : memref<80x128xi32, #tpu.memory_space<vmem>> -> memref<1x16xi32, #tpu.memory_space<vmem>>
        %dma_wait3A_231 = tpu.memref_squeeze %dma_wait3A_230 : memref<1x16xi32, #tpu.memory_space<vmem>> -> memref<16xi32, #tpu.memory_space<vmem>>
        %dma_wait3A_232 = arith.constant 0 : i32
        %dma_wait3A_233 = arith.constant 0 : i32
        %dma_wait3A_234 = tpu.memref_slice %arg17[%dma_wait3A_232, %dma_wait3A_233] : memref<10112x128xf32, #tpu.memory_space<vmem_shared>> -> memref<10112x128xf32, #tpu.memory_space<vmem_shared>>
        tpu.wait_indirect_dma semaphore(%run_scoped3A : memref<!tpu.dma_semaphore, #tpu.memory_space<semaphore_mem>>) src(%arg16 : memref<16x128xf32, #tpu.memory_space<vmem>>) dst(%dma_wait3A_234 : memref<10112x128xf32, #tpu.memory_space<vmem_shared>>)
        tpu.yield
      }) : () -> ()
      %dma_start3A_217 = arith.constant 112 : i32
      %dma_start3A_218 = tpu.memref_slice %arg7[%min3A_126, %dma_start3A_217] : memref<80x128xi32, #tpu.memory_space<vmem>> -> memref<1x16xi32, #tpu.memory_space<vmem>>
      %dma_start3A_219 = tpu.memref_squeeze %dma_start3A_218 : memref<1x16xi32, #tpu.memory_space<vmem>> -> memref<16xi32, #tpu.memory_space<vmem>>
      %dma_start3A_220 = arith.constant 0 : i32
      %dma_start3A_221 = arith.constant 0 : i32
      %dma_start3A_222 = tpu.memref_slice %arg2[%dma_start3A_220, %dma_start3A_221] : memref<10112x128xf32, #tpu.memory_space<hbm>> -> memref<10112x128xf32, #tpu.memory_space<hbm>>
      tpu.enqueue_indirect_dma source(%dma_start3A_222 : memref<10112x128xf32, #tpu.memory_space<hbm>>) target(%arg16 : memref<16x128xf32, #tpu.memory_space<vmem>>) offsets(%dma_start3A_219 : memref<16xi32, #tpu.memory_space<vmem>>) semaphore(%arg18 : memref<!tpu.dma_semaphore, #tpu.memory_space<semaphore_mem>>)
    }
    %scan3A_69 = arith.constant 80 : i32
    %dma_wait3A = arith.constant 0 : i32
    %dma_wait3A_70 = arith.constant 0 : i32
    %dma_wait3A_71 = tpu.memref_slice %arg2[%dma_wait3A, %dma_wait3A_70] : memref<10112x128xf32, #tpu.memory_space<hbm>> -> memref<16x128xf32, #tpu.memory_space<hbm>>
    %dma_wait3A_72 = arith.constant 0 : i32
    %dma_wait3A_73 = arith.constant 0 : i32
    %dma_wait3A_74 = tpu.memref_slice %arg2[%dma_wait3A_72, %dma_wait3A_73] : memref<10112x128xf32, #tpu.memory_space<hbm>> -> memref<16x128xf32, #tpu.memory_space<hbm>>
    tpu.wait_dma2 semaphore(%arg18 : memref<!tpu.dma_semaphore, #tpu.memory_space<semaphore_mem>>) src(%dma_wait3A_74 : memref<16x128xf32, #tpu.memory_space<hbm>>) dst(%arg9 : memref<16x128xf32, #tpu.memory_space<vmem>>)
    %dma_wait3A_75 = arith.constant 0 : i32
    %dma_wait3A_76 = arith.constant 0 : i32
    %dma_wait3A_77 = tpu.memref_slice %arg2[%dma_wait3A_75, %dma_wait3A_76] : memref<10112x128xf32, #tpu.memory_space<hbm>> -> memref<16x128xf32, #tpu.memory_space<hbm>>
    %dma_wait3A_78 = arith.constant 0 : i32
    %dma_wait3A_79 = arith.constant 0 : i32
    %dma_wait3A_80 = tpu.memref_slice %arg2[%dma_wait3A_78, %dma_wait3A_79] : memref<10112x128xf32, #tpu.memory_space<hbm>> -> memref<16x128xf32, #tpu.memory_space<hbm>>
    tpu.wait_dma2 semaphore(%arg18 : memref<!tpu.dma_semaphore, #tpu.memory_space<semaphore_mem>>) src(%dma_wait3A_80 : memref<16x128xf32, #tpu.memory_space<hbm>>) dst(%arg10 : memref<16x128xf32, #tpu.memory_space<vmem>>)
    %dma_wait3A_81 = arith.constant 0 : i32
    %dma_wait3A_82 = arith.constant 0 : i32
    %dma_wait3A_83 = tpu.memref_slice %arg2[%dma_wait3A_81, %dma_wait3A_82] : memref<10112x128xf32, #tpu.memory_space<hbm>> -> memref<16x128xf32, #tpu.memory_space<hbm>>
    %dma_wait3A_84 = arith.constant 0 : i32
    %dma_wait3A_85 = arith.constant 0 : i32
    %dma_wait3A_86 = tpu.memref_slice %arg2[%dma_wait3A_84, %dma_wait3A_85] : memref<10112x128xf32, #tpu.memory_space<hbm>> -> memref<16x128xf32, #tpu.memory_space<hbm>>
    tpu.wait_dma2 semaphore(%arg18 : memref<!tpu.dma_semaphore, #tpu.memory_space<semaphore_mem>>) src(%dma_wait3A_86 : memref<16x128xf32, #tpu.memory_space<hbm>>) dst(%arg11 : memref<16x128xf32, #tpu.memory_space<vmem>>)
    %dma_wait3A_87 = arith.constant 0 : i32
    %dma_wait3A_88 = arith.constant 0 : i32
    %dma_wait3A_89 = tpu.memref_slice %arg2[%dma_wait3A_87, %dma_wait3A_88] : memref<10112x128xf32, #tpu.memory_space<hbm>> -> memref<16x128xf32, #tpu.memory_space<hbm>>
    %dma_wait3A_90 = arith.constant 0 : i32
    %dma_wait3A_91 = arith.constant 0 : i32
    %dma_wait3A_92 = tpu.memref_slice %arg2[%dma_wait3A_90, %dma_wait3A_91] : memref<10112x128xf32, #tpu.memory_space<hbm>> -> memref<16x128xf32, #tpu.memory_space<hbm>>
    tpu.wait_dma2 semaphore(%arg18 : memref<!tpu.dma_semaphore, #tpu.memory_space<semaphore_mem>>) src(%dma_wait3A_92 : memref<16x128xf32, #tpu.memory_space<hbm>>) dst(%arg12 : memref<16x128xf32, #tpu.memory_space<vmem>>)
    %dma_wait3A_93 = arith.constant 0 : i32
    %dma_wait3A_94 = arith.constant 0 : i32
    %dma_wait3A_95 = tpu.memref_slice %arg2[%dma_wait3A_93, %dma_wait3A_94] : memref<10112x128xf32, #tpu.memory_space<hbm>> -> memref<16x128xf32, #tpu.memory_space<hbm>>
    %dma_wait3A_96 = arith.constant 0 : i32
    %dma_wait3A_97 = arith.constant 0 : i32
    %dma_wait3A_98 = tpu.memref_slice %arg2[%dma_wait3A_96, %dma_wait3A_97] : memref<10112x128xf32, #tpu.memory_space<hbm>> -> memref<16x128xf32, #tpu.memory_space<hbm>>
    tpu.wait_dma2 semaphore(%arg18 : memref<!tpu.dma_semaphore, #tpu.memory_space<semaphore_mem>>) src(%dma_wait3A_98 : memref<16x128xf32, #tpu.memory_space<hbm>>) dst(%arg13 : memref<16x128xf32, #tpu.memory_space<vmem>>)
    %dma_wait3A_99 = arith.constant 0 : i32
    %dma_wait3A_100 = arith.constant 0 : i32
    %dma_wait3A_101 = tpu.memref_slice %arg2[%dma_wait3A_99, %dma_wait3A_100] : memref<10112x128xf32, #tpu.memory_space<hbm>> -> memref<16x128xf32, #tpu.memory_space<hbm>>
    %dma_wait3A_102 = arith.constant 0 : i32
    %dma_wait3A_103 = arith.constant 0 : i32
    %dma_wait3A_104 = tpu.memref_slice %arg2[%dma_wait3A_102, %dma_wait3A_103] : memref<10112x128xf32, #tpu.memory_space<hbm>> -> memref<16x128xf32, #tpu.memory_space<hbm>>
    tpu.wait_dma2 semaphore(%arg18 : memref<!tpu.dma_semaphore, #tpu.memory_space<semaphore_mem>>) src(%dma_wait3A_104 : memref<16x128xf32, #tpu.memory_space<hbm>>) dst(%arg14 : memref<16x128xf32, #tpu.memory_space<vmem>>)
    %dma_wait3A_105 = arith.constant 0 : i32
    %dma_wait3A_106 = arith.constant 0 : i32
    %dma_wait3A_107 = tpu.memref_slice %arg2[%dma_wait3A_105, %dma_wait3A_106] : memref<10112x128xf32, #tpu.memory_space<hbm>> -> memref<16x128xf32, #tpu.memory_space<hbm>>
    %dma_wait3A_108 = arith.constant 0 : i32
    %dma_wait3A_109 = arith.constant 0 : i32
    %dma_wait3A_110 = tpu.memref_slice %arg2[%dma_wait3A_108, %dma_wait3A_109] : memref<10112x128xf32, #tpu.memory_space<hbm>> -> memref<16x128xf32, #tpu.memory_space<hbm>>
    tpu.wait_dma2 semaphore(%arg18 : memref<!tpu.dma_semaphore, #tpu.memory_space<semaphore_mem>>) src(%dma_wait3A_110 : memref<16x128xf32, #tpu.memory_space<hbm>>) dst(%arg15 : memref<16x128xf32, #tpu.memory_space<vmem>>)
    %dma_wait3A_111 = arith.constant 0 : i32
    %dma_wait3A_112 = arith.constant 0 : i32
    %dma_wait3A_113 = tpu.memref_slice %arg2[%dma_wait3A_111, %dma_wait3A_112] : memref<10112x128xf32, #tpu.memory_space<hbm>> -> memref<16x128xf32, #tpu.memory_space<hbm>>
    %dma_wait3A_114 = arith.constant 0 : i32
    %dma_wait3A_115 = arith.constant 0 : i32
    %dma_wait3A_116 = tpu.memref_slice %arg2[%dma_wait3A_114, %dma_wait3A_115] : memref<10112x128xf32, #tpu.memory_space<hbm>> -> memref<16x128xf32, #tpu.memory_space<hbm>>
    tpu.wait_dma2 semaphore(%arg18 : memref<!tpu.dma_semaphore, #tpu.memory_space<semaphore_mem>>) src(%dma_wait3A_116 : memref<16x128xf32, #tpu.memory_space<hbm>>) dst(%arg16 : memref<16x128xf32, #tpu.memory_space<vmem>>)
    %barrier3A_117 = arith.constant 0 : index
    tpu.barrier barrier_id(%barrier3A_117)
    %mul3A_118 = arith.constant 10112 : i32
    %mul3A_119 = arith.muli %arg0, %mul3A_118 : i32
    %mul3A_120 = arith.constant 632 : i32
    %mul3A_121 = arith.muli %arg1, %mul3A_120 : i32
    %add3A_122 = arith.addi %mul3A_119, %mul3A_121 : i32
    "tpu.region"() ({
      %run_scoped3A = tpu.sem_alloc : memref<!tpu.dma_semaphore, #tpu.memory_space<semaphore_mem>>
      %dma_start3A_123 = arith.constant 0 : i32
      %dma_start3A_124 = tpu.memref_slice %arg6[%add3A_122, %dma_start3A_123] : memref<20224x128xf32, #tpu.memory_space<hbm>> -> memref<632x128xf32, #tpu.memory_space<hbm>>
      %dma_start3A_125 = arith.constant 0 : i32
      %dma_start3A_126 = tpu.memref_slice %arg17[%mul3A_2, %dma_start3A_125] : memref<10112x128xf32, #tpu.memory_space<vmem_shared>> -> memref<632x128xf32, #tpu.memory_space<vmem_shared>>
      tpu.enqueue_dma source(%dma_start3A_126 : memref<632x128xf32, #tpu.memory_space<vmem_shared>>) target(%dma_start3A_124 : memref<632x128xf32, #tpu.memory_space<hbm>>) target_semaphore(%run_scoped3A : memref<!tpu.dma_semaphore, #tpu.memory_space<semaphore_mem>>)
      %dma_wait3A_127 = arith.constant 0 : i32
      %dma_wait3A_128 = tpu.memref_slice %arg6[%add3A_122, %dma_wait3A_127] : memref<20224x128xf32, #tpu.memory_space<hbm>> -> memref<632x128xf32, #tpu.memory_space<hbm>>
      %dma_wait3A_129 = arith.constant 0 : i32
      %dma_wait3A_130 = tpu.memref_slice %arg17[%mul3A_2, %dma_wait3A_129] : memref<10112x128xf32, #tpu.memory_space<vmem_shared>> -> memref<632x128xf32, #tpu.memory_space<vmem_shared>>
      tpu.wait_dma2 semaphore(%run_scoped3A : memref<!tpu.dma_semaphore, #tpu.memory_space<semaphore_mem>>) src(%dma_wait3A_130 : memref<632x128xf32, #tpu.memory_space<vmem_shared>>) dst(%dma_wait3A_128 : memref<632x128xf32, #tpu.memory_space<hbm>>)
      tpu.yield
    }) : () -> ()
    return
  }
}

module attributes {stable_mosaic.version = 14 : i64} {
  func.func @_mm1_body(%arg0: memref<10000x128xf32, #tpu.memory_space<vmem>>, %arg1: memref<128x128xf32, #tpu.memory_space<vmem>>, %arg2: memref<10112x128xf32, #tpu.memory_space<vmem>>) attributes {dimension_semantics = [], scalar_prefetch = 0 : i64, scratch_operands = 0 : i64, tpu.core_type = #tpu.core_type<tc>} {
    %get3A = arith.constant 0 : index
    %get3A_0 = arith.constant 0 : index
    %get3A_1 = vector.load %arg0[%get3A, %get3A_0] : memref<10000x128xf32, #tpu.memory_space<vmem>>, vector<10000x128xf32>
    %get3A_2 = arith.constant 0 : index
    %get3A_3 = arith.constant 0 : index
    %get3A_4 = vector.load %arg1[%get3A_2, %get3A_3] : memref<128x128xf32, #tpu.memory_space<vmem>>, vector<128x128xf32>
    %dot_general3A = arith.constant dense<0.000000e+00> : vector<10000x128xf32>
    %dot_general3A_5 = tpu.matmul %get3A_1, %get3A_4, %dot_general3A {dimension_numbers = #tpu.dot_dimension_numbers<[1], [0], [0], [1], [0, 0, 1, 1], [], []>, transpose_lhs_hint = false} : vector<10000x128xf32>, vector<128x128xf32>, vector<10000x128xf32> -> vector<10000x128xf32>
    %swap3A = arith.constant 0 : index
    %swap3A_6 = arith.constant 0 : index
    %swap3A_7 = vector.load %arg2[%swap3A, %swap3A_6] : memref<10112x128xf32, #tpu.memory_space<vmem>>, vector<10000x128xf32>
    tpu.vector_store %arg2[%swap3A, %swap3A_6], %dot_general3A_5 {strides = array<i32>} : memref<10112x128xf32, #tpu.memory_space<vmem>>, vector<10000x128xf32>,
    %broadcast_in_dim3A = arith.constant 0.000000e+00 : f32
    %broadcast_in_dim3A_8 = vector.broadcast %broadcast_in_dim3A : f32 to vector<112x128xf32>
    %swap3A_9 = arith.constant 10000 : index
    %swap3A_10 = arith.constant 0 : index
    %swap3A_11 = vector.load %arg2[%swap3A_9, %swap3A_10] : memref<10112x128xf32, #tpu.memory_space<vmem>>, vector<112x128xf32>
    tpu.vector_store %arg2[%swap3A_9, %swap3A_10], %broadcast_in_dim3A_8 {strides = array<i32>} : memref<10112x128xf32, #tpu.memory_space<vmem>>, vector<112x128xf32>,
    return
  }
}

module attributes {stable_mosaic.version = 14 : i64} {
  func.func @_scale_body(%arg0: memref<10112x128xf32, #tpu.memory_space<vmem>>, %arg1: memref<2x10240xf32, #tpu.memory_space<vmem>>, %arg2: memref<10112x128xf32, #tpu.memory_space<vmem>>) attributes {dimension_semantics = [], scalar_prefetch = 0 : i64, scratch_operands = 0 : i64, tpu.core_type = #tpu.core_type<tc>} {
    %get3A = arith.constant 0 : index
    %get3A_0 = arith.constant 0 : index
    %get3A_1 = vector.load %arg1[%get3A, %get3A_0] : memref<2x10240xf32, #tpu.memory_space<vmem>>, vector<1x10240xf32>
    %get3A_2 = arith.constant 1 : index
    %get3A_3 = arith.constant 0 : index
    %get3A_4 = vector.load %arg1[%get3A_2, %get3A_3] : memref<2x10240xf32, #tpu.memory_space<vmem>>, vector<1x10240xf32>
    %add3A = arith.addf %get3A_1, %get3A_4 : vector<1x10240xf32>
    %add3A_5 = arith.constant 1.000000e+00 : f32
    %add3A_6 = vector.broadcast %add3A_5 : f32 to vector<1x10240xf32>
    %add3A_7 = arith.addf %add3A, %add3A_6 : vector<1x10240xf32>
    %rsqrt3A = math.rsqrt %add3A_7 : vector<1x10240xf32>
    %transpose3A = tpu.transpose %rsqrt3A, [1, 0] : vector<1x10240xf32> -> vector<10240x1xf32>
    %slice3A = vector.extract_strided_slice %transpose3A {offsets = [0, 0], sizes = [10000, 1], strides = [1, 1]} : vector<10240x1xf32> to vector<10000x1xf32>
    %get3A_8 = arith.constant 0 : index
    %get3A_9 = arith.constant 0 : index
    %get3A_10 = vector.load %arg0[%get3A_8, %get3A_9] : memref<10112x128xf32, #tpu.memory_space<vmem>>, vector<10000x128xf32>
    %mul3A = vector.broadcast %slice3A : vector<10000x1xf32> to vector<10000x128xf32>
    %mul3A_11 = arith.mulf %get3A_10, %mul3A : vector<10000x128xf32>
    %swap3A = arith.constant 0 : index
    %swap3A_12 = arith.constant 0 : index
    %swap3A_13 = vector.load %arg2[%swap3A, %swap3A_12] : memref<10112x128xf32, #tpu.memory_space<vmem>>, vector<10000x128xf32>
    tpu.vector_store %arg2[%swap3A, %swap3A_12], %mul3A_11 {strides = array<i32>} : memref<10112x128xf32, #tpu.memory_space<vmem>>, vector<10000x128xf32>,
    %broadcast_in_dim3A = arith.constant 0.000000e+00 : f32
    %broadcast_in_dim3A_14 = vector.broadcast %broadcast_in_dim3A : f32 to vector<112x128xf32>
    %swap3A_15 = arith.constant 10000 : index
    %swap3A_16 = arith.constant 0 : index
    %swap3A_17 = vector.load %arg2[%swap3A_15, %swap3A_16] : memref<10112x128xf32, #tpu.memory_space<vmem>>, vector<112x128xf32>
    tpu.vector_store %arg2[%swap3A_15, %swap3A_16], %broadcast_in_dim3A_14 {strides = array<i32>} : memref<10112x128xf32, #tpu.memory_space<vmem>>, vector<112x128xf32>,
    return
  }
}

module attributes {stable_mosaic.version = 14 : i64} {
  func.func @_post1_body(%arg0: memref<20224x128xf32, #tpu.memory_space<vmem>>, %arg1: memref<2x10240xf32, #tpu.memory_space<vmem>>, %arg2: memref<1x128xf32, #tpu.memory_space<vmem>>, %arg3: memref<1x128xf32, #tpu.memory_space<vmem>>, %arg4: memref<1x128xf32, #tpu.memory_space<vmem>>, %arg5: memref<128x128xf32, #tpu.memory_space<vmem>>, %arg6: memref<10112x128xf32, #tpu.memory_space<vmem>>) attributes {dimension_semantics = [], scalar_prefetch = 0 : i64, scratch_operands = 0 : i64, tpu.core_type = #tpu.core_type<tc>} {
    %get3A = arith.constant 0 : index
    %get3A_0 = arith.constant 0 : index
    %get3A_1 = vector.load %arg1[%get3A, %get3A_0] : memref<2x10240xf32, #tpu.memory_space<vmem>>, vector<1x10240xf32>
    %get3A_2 = arith.constant 1 : index
    %get3A_3 = arith.constant 0 : index
    %get3A_4 = vector.load %arg1[%get3A_2, %get3A_3] : memref<2x10240xf32, #tpu.memory_space<vmem>>, vector<1x10240xf32>
    %add3A = arith.addf %get3A_1, %get3A_4 : vector<1x10240xf32>
    %add3A_5 = arith.constant 1.000000e+00 : f32
    %add3A_6 = vector.broadcast %add3A_5 : f32 to vector<1x10240xf32>
    %add3A_7 = arith.addf %add3A, %add3A_6 : vector<1x10240xf32>
    %rsqrt3A = math.rsqrt %add3A_7 : vector<1x10240xf32>
    %transpose3A = tpu.transpose %rsqrt3A, [1, 0] : vector<1x10240xf32> -> vector<10240x1xf32>
    %slice3A = vector.extract_strided_slice %transpose3A {offsets = [0, 0], sizes = [10000, 1], strides = [1, 1]} : vector<10240x1xf32> to vector<10000x1xf32>
    %get3A_8 = arith.constant 0 : index
    %get3A_9 = arith.constant 0 : index
    %get3A_10 = vector.load %arg0[%get3A_8, %get3A_9] : memref<20224x128xf32, #tpu.memory_space<vmem>>, vector<10000x128xf32>
    %get3A_11 = arith.constant 10112 : index
    %get3A_12 = arith.constant 0 : index
    %get3A_13 = vector.load %arg0[%get3A_11, %get3A_12] : memref<20224x128xf32, #tpu.memory_space<vmem>>, vector<10000x128xf32>
    %add3A_14 = arith.addf %get3A_10, %get3A_13 : vector<10000x128xf32>
    %mul3A = vector.broadcast %slice3A : vector<10000x1xf32> to vector<10000x128xf32>
    %mul3A_15 = arith.mulf %add3A_14, %mul3A : vector<10000x128xf32>
    %get3A_16 = arith.constant 0 : index
    %get3A_17 = arith.constant 0 : index
    %get3A_18 = vector.load %arg2[%get3A_16, %get3A_17] : memref<1x128xf32, #tpu.memory_space<vmem>>, vector<1x128xf32>
    %add3A_19 = vector.broadcast %get3A_18 : vector<1x128xf32> to vector<10000x128xf32>
    %add3A_20 = arith.addf %mul3A_15, %add3A_19 : vector<10000x128xf32>
    %reduce_sum3A = arith.constant dense<0.000000e+00> : vector<128xf32>
    %reduce_sum3A_21 = vector.multi_reduction <add>, %add3A_20, %reduce_sum3A [0] : vector<10000x128xf32> to vector<128xf32>
    %broadcast_in_dim3A = vector.shape_cast %reduce_sum3A_21 : vector<128xf32> to vector<1x128xf32>
    %div3A = arith.constant 1.000000e+04 : f32
    %div3A_22 = vector.broadcast %div3A : f32 to vector<1x128xf32>
    %div3A_23 = arith.divf %broadcast_in_dim3A, %div3A_22 : vector<1x128xf32>
    %mul3A_24 = arith.mulf %add3A_20, %add3A_20 : vector<10000x128xf32>
    %reduce_sum3A_25 = arith.constant dense<0.000000e+00> : vector<128xf32>
    %reduce_sum3A_26 = vector.multi_reduction <add>, %mul3A_24, %reduce_sum3A_25 [0] : vector<10000x128xf32> to vector<128xf32>
    %broadcast_in_dim3A_27 = vector.shape_cast %reduce_sum3A_26 : vector<128xf32> to vector<1x128xf32>
    %div3A_28 = arith.constant 1.000000e+04 : f32
    %div3A_29 = vector.broadcast %div3A_28 : f32 to vector<1x128xf32>
    %div3A_30 = arith.divf %broadcast_in_dim3A_27, %div3A_29 : vector<1x128xf32>
    %mul3A_31 = arith.mulf %div3A_23, %div3A_23 : vector<1x128xf32>
    %sub3A = arith.subf %div3A_30, %mul3A_31 : vector<1x128xf32>
    %sub3A_32 = vector.broadcast %div3A_23 : vector<1x128xf32> to vector<10000x128xf32>
    %sub3A_33 = arith.subf %add3A_20, %sub3A_32 : vector<10000x128xf32>
    %add3A_34 = arith.constant 9.99999974E-6 : f32
    %add3A_35 = vector.broadcast %add3A_34 : f32 to vector<1x128xf32>
    %add3A_36 = arith.addf %sub3A, %add3A_35 : vector<1x128xf32>
    %rsqrt3A_37 = math.rsqrt %add3A_36 : vector<1x128xf32>
    %mul3A_38 = vector.broadcast %rsqrt3A_37 : vector<1x128xf32> to vector<10000x128xf32>
    %mul3A_39 = arith.mulf %sub3A_33, %mul3A_38 : vector<10000x128xf32>
    %get3A_40 = arith.constant 0 : index
    %get3A_41 = arith.constant 0 : index
    %get3A_42 = vector.load %arg3[%get3A_40, %get3A_41] : memref<1x128xf32, #tpu.memory_space<vmem>>, vector<1x128xf32>
    %mul3A_43 = vector.broadcast %get3A_42 : vector<1x128xf32> to vector<10000x128xf32>
    %mul3A_44 = arith.mulf %mul3A_39, %mul3A_43 : vector<10000x128xf32>
    %get3A_45 = arith.constant 0 : index
    %get3A_46 = arith.constant 0 : index
    %get3A_47 = vector.load %arg4[%get3A_45, %get3A_46] : memref<1x128xf32, #tpu.memory_space<vmem>>, vector<1x128xf32>
    %add3A_48 = vector.broadcast %get3A_47 : vector<1x128xf32> to vector<10000x128xf32>
    %add3A_49 = arith.addf %mul3A_44, %add3A_48 : vector<10000x128xf32>
    %max3A = arith.constant 0.000000e+00 : f32
    %max3A_50 = vector.broadcast %max3A : f32 to vector<10000x128xf32>
    %max3A_51 = arith.maximumf %add3A_49, %max3A_50 : vector<10000x128xf32>
    %get3A_52 = arith.constant 0 : index
    %get3A_53 = arith.constant 0 : index
    %get3A_54 = vector.load %arg5[%get3A_52, %get3A_53] : memref<128x128xf32, #tpu.memory_space<vmem>>, vector<128x128xf32>
    %dot_general3A = arith.constant dense<0.000000e+00> : vector<10000x128xf32>
    %dot_general3A_55 = tpu.matmul %max3A_51, %get3A_54, %dot_general3A {dimension_numbers = #tpu.dot_dimension_numbers<[1], [0], [0], [1], [0, 0, 1, 1], [], []>, transpose_lhs_hint = false} : vector<10000x128xf32>, vector<128x128xf32>, vector<10000x128xf32> -> vector<10000x128xf32>
    %mul3A_56 = vector.broadcast %slice3A : vector<10000x1xf32> to vector<10000x128xf32>
    %mul3A_57 = arith.mulf %dot_general3A_55, %mul3A_56 : vector<10000x128xf32>
    %swap3A = arith.constant 0 : index
    %swap3A_58 = arith.constant 0 : index
    %swap3A_59 = vector.load %arg6[%swap3A, %swap3A_58] : memref<10112x128xf32, #tpu.memory_space<vmem>>, vector<10000x128xf32>
    tpu.vector_store %arg6[%swap3A, %swap3A_58], %mul3A_57 {strides = array<i32>} : memref<10112x128xf32, #tpu.memory_space<vmem>>, vector<10000x128xf32>,
    %broadcast_in_dim3A_60 = arith.constant 0.000000e+00 : f32
    %broadcast_in_dim3A_61 = vector.broadcast %broadcast_in_dim3A_60 : f32 to vector<112x128xf32>
    %swap3A_62 = arith.constant 10000 : index
    %swap3A_63 = arith.constant 0 : index
    %swap3A_64 = vector.load %arg6[%swap3A_62, %swap3A_63] : memref<10112x128xf32, #tpu.memory_space<vmem>>, vector<112x128xf32>
    tpu.vector_store %arg6[%swap3A_62, %swap3A_63], %broadcast_in_dim3A_61 {strides = array<i32>} : memref<10112x128xf32, #tpu.memory_space<vmem>>, vector<112x128xf32>,
    return
  }
}

module attributes {stable_mosaic.version = 14 : i64} {
  func.func @_post2_body(%arg0: memref<20224x128xf32, #tpu.memory_space<vmem>>, %arg1: memref<2x10240xf32, #tpu.memory_space<vmem>>, %arg2: memref<1x128xf32, #tpu.memory_space<vmem>>, %arg3: memref<1x128xf32, #tpu.memory_space<vmem>>, %arg4: memref<1x128xf32, #tpu.memory_space<vmem>>, %arg5: memref<10000x128xf32, #tpu.memory_space<vmem>>) attributes {dimension_semantics = [], scalar_prefetch = 0 : i64, scratch_operands = 0 : i64, tpu.core_type = #tpu.core_type<tc>} {
    %get3A = arith.constant 0 : index
    %get3A_0 = arith.constant 0 : index
    %get3A_1 = vector.load %arg1[%get3A, %get3A_0] : memref<2x10240xf32, #tpu.memory_space<vmem>>, vector<1x10240xf32>
    %get3A_2 = arith.constant 1 : index
    %get3A_3 = arith.constant 0 : index
    %get3A_4 = vector.load %arg1[%get3A_2, %get3A_3] : memref<2x10240xf32, #tpu.memory_space<vmem>>, vector<1x10240xf32>
    %add3A = arith.addf %get3A_1, %get3A_4 : vector<1x10240xf32>
    %add3A_5 = arith.constant 1.000000e+00 : f32
    %add3A_6 = vector.broadcast %add3A_5 : f32 to vector<1x10240xf32>
    %add3A_7 = arith.addf %add3A, %add3A_6 : vector<1x10240xf32>
    %rsqrt3A = math.rsqrt %add3A_7 : vector<1x10240xf32>
    %transpose3A = tpu.transpose %rsqrt3A, [1, 0] : vector<1x10240xf32> -> vector<10240x1xf32>
    %slice3A = vector.extract_strided_slice %transpose3A {offsets = [0, 0], sizes = [10000, 1], strides = [1, 1]} : vector<10240x1xf32> to vector<10000x1xf32>
    %get3A_8 = arith.constant 0 : index
    %get3A_9 = arith.constant 0 : index
    %get3A_10 = vector.load %arg0[%get3A_8, %get3A_9] : memref<20224x128xf32, #tpu.memory_space<vmem>>, vector<10000x128xf32>
    %get3A_11 = arith.constant 10112 : index
    %get3A_12 = arith.constant 0 : index
    %get3A_13 = vector.load %arg0[%get3A_11, %get3A_12] : memref<20224x128xf32, #tpu.memory_space<vmem>>, vector<10000x128xf32>
    %add3A_14 = arith.addf %get3A_10, %get3A_13 : vector<10000x128xf32>
    %mul3A = vector.broadcast %slice3A : vector<10000x1xf32> to vector<10000x128xf32>
    %mul3A_15 = arith.mulf %add3A_14, %mul3A : vector<10000x128xf32>
    %get3A_16 = arith.constant 0 : index
    %get3A_17 = arith.constant 0 : index
    %get3A_18 = vector.load %arg2[%get3A_16, %get3A_17] : memref<1x128xf32, #tpu.memory_space<vmem>>, vector<1x128xf32>
    %add3A_19 = vector.broadcast %get3A_18 : vector<1x128xf32> to vector<10000x128xf32>
    %add3A_20 = arith.addf %mul3A_15, %add3A_19 : vector<10000x128xf32>
    %reduce_sum3A = arith.constant dense<0.000000e+00> : vector<128xf32>
    %reduce_sum3A_21 = vector.multi_reduction <add>, %add3A_20, %reduce_sum3A [0] : vector<10000x128xf32> to vector<128xf32>
    %broadcast_in_dim3A = vector.shape_cast %reduce_sum3A_21 : vector<128xf32> to vector<1x128xf32>
    %div3A = arith.constant 1.000000e+04 : f32
    %div3A_22 = vector.broadcast %div3A : f32 to vector<1x128xf32>
    %div3A_23 = arith.divf %broadcast_in_dim3A, %div3A_22 : vector<1x128xf32>
    %mul3A_24 = arith.mulf %add3A_20, %add3A_20 : vector<10000x128xf32>
    %reduce_sum3A_25 = arith.constant dense<0.000000e+00> : vector<128xf32>
    %reduce_sum3A_26 = vector.multi_reduction <add>, %mul3A_24, %reduce_sum3A_25 [0] : vector<10000x128xf32> to vector<128xf32>
    %broadcast_in_dim3A_27 = vector.shape_cast %reduce_sum3A_26 : vector<128xf32> to vector<1x128xf32>
    %div3A_28 = arith.constant 1.000000e+04 : f32
    %div3A_29 = vector.broadcast %div3A_28 : f32 to vector<1x128xf32>
    %div3A_30 = arith.divf %broadcast_in_dim3A_27, %div3A_29 : vector<1x128xf32>
    %mul3A_31 = arith.mulf %div3A_23, %div3A_23 : vector<1x128xf32>
    %sub3A = arith.subf %div3A_30, %mul3A_31 : vector<1x128xf32>
    %sub3A_32 = vector.broadcast %div3A_23 : vector<1x128xf32> to vector<10000x128xf32>
    %sub3A_33 = arith.subf %add3A_20, %sub3A_32 : vector<10000x128xf32>
    %add3A_34 = arith.constant 9.99999974E-6 : f32
    %add3A_35 = vector.broadcast %add3A_34 : f32 to vector<1x128xf32>
    %add3A_36 = arith.addf %sub3A, %add3A_35 : vector<1x128xf32>
    %rsqrt3A_37 = math.rsqrt %add3A_36 : vector<1x128xf32>
    %mul3A_38 = vector.broadcast %rsqrt3A_37 : vector<1x128xf32> to vector<10000x128xf32>
    %mul3A_39 = arith.mulf %sub3A_33, %mul3A_38 : vector<10000x128xf32>
    %get3A_40 = arith.constant 0 : index
    %get3A_41 = arith.constant 0 : index
    %get3A_42 = vector.load %arg3[%get3A_40, %get3A_41] : memref<1x128xf32, #tpu.memory_space<vmem>>, vector<1x128xf32>
    %mul3A_43 = vector.broadcast %get3A_42 : vector<1x128xf32> to vector<10000x128xf32>
    %mul3A_44 = arith.mulf %mul3A_39, %mul3A_43 : vector<10000x128xf32>
    %get3A_45 = arith.constant 0 : index
    %get3A_46 = arith.constant 0 : index
    %get3A_47 = vector.load %arg4[%get3A_45, %get3A_46] : memref<1x128xf32, #tpu.memory_space<vmem>>, vector<1x128xf32>
    %add3A_48 = vector.broadcast %get3A_47 : vector<1x128xf32> to vector<10000x128xf32>
    %add3A_49 = arith.addf %mul3A_44, %add3A_48 : vector<10000x128xf32>
    %swap3A = arith.constant 0 : index
    %swap3A_50 = arith.constant 0 : index
    %swap3A_51 = vector.load %arg5[%swap3A, %swap3A_50] : memref<10000x128xf32, #tpu.memory_space<vmem>>, vector<10000x128xf32>
    tpu.vector_store %arg5[%swap3A, %swap3A_50], %add3A_49 {strides = array<i32>} : memref<10000x128xf32, #tpu.memory_space<vmem>>, vector<10000x128xf32>,
    return
  }
}

</mosaic_0001>

<sc_bundles>
// kernel: kernel.12.cloned.1.call-start
scs
__scs_entry_jumppad:
0x0: {  	(pc) =	sbr.rel $0x88, $3  }
0x1: {  	(tag) =	ssettag $0x0;
	lr =	simm.s32 $0x1  }
0x2: {  	[smem:$0x3F97] =	sst lr;
	_ =	strace $0xD0000000  }
0x3: {  	_ = 	snop  }
0x4: {  	_ = 	snop  }
0x5: {  	_ = 	snop  }
0x6: {  	_ = 	snop  }
0x7: {  	_ = 	snop  }
__scs_overlays_trampoline_lowered:
0x8: {  	[smem:$0x3FA6] =	sst s0  }
0x9: {  	[smem:$0x3FA7] =	sst s1  }
0xa: {  	[smem:$0x3FA8] =	sst s2  }
0xb: {  	[smem:$0x3FA9] =	sst s3  }
0xc: {  	[smem:$0x3FAA] =	sst s4  }
0xd: {  	[smem:$0x3FAB] =	sst s5  }
0xe: {  	[smem:$0x3FAC] =	sst s6  }
0xf: {  	[smem:$0x3FAD] =	sst s7  }
0x10: {  	[smem:$0x3FAE] =	sst s8  }
0x11: {  	[smem:$0x3FAF] =	sst s9;
	s0 =	simm.s32 @!p0 $0x0  }
0x12: {  	s1 =	sld [smem:$0x3F95];
	s0 =	simm.s32 @p0 $0x1  }
0x13: {  	[smem:$0x3FB0] =	sst s0;
	s0 =	simm.s32 @!p1 $0x0  }
0x14: {  	s2 =	sld [smem:$0x3F94];
	s0 =	simm.s32 @p1 $0x1  }
0x15: {  	[smem:$0x3FB1] =	sst s0;
	s0 =	simm.s32 @!p2 $0x0  }
0x16: {  	s3 =	sld [smem:$0x3FDB];
	s0 =	simm.s32 @p2 $0x1  }
0x17: {  	s4 =	simm.s32 $0x1BF5;
	[smem:$0x3FB3] =	sst s0  }
0x18: {  	s0 =	sld [smem:$0x3F96];
	_ =	swait.ge [sflag:s4], $0x0  }
0x19: {  	s7 =	sld [smem:$0x3F97]  }
0x1a: {  	s8 =	sadd.s32 $0xFFFFE003, lr  }
0x1b: {  	s9 =	sadd.s32 $0xFFFFFEF7, lr;
	s5 =	simm.s32 $0xFFFFFFFF;
	p2 =	slt.u32 s8, $0xFFFFF086  }
0x1c: {  	p1 =	slt.u32 s9, $0xF7A;
	s5 =	simm.s32 @!p2 $0x0  }
0x1d: {  	s5 =	simm.s32 @p1 $0x1;
	p0 =	seq.s32 s7, s2  }
0x1e: {  	s7 =	smul.u32 @!p0 $0xF7A, s2;
	p2 =	seq.s32 @!p0 s5, $0x0  }
0x1f: {  	s9 =	smul.u32 $0xF7A, s1;
	s8 =	simm.s32 @!p0 $0x1BF5;
	p2 =	por !p2, p0  }
0x20: {  	[sflag:s8] =	ssyncset.s32 @!p0 $0xFFFFF086;
	s6 =	sadd.s32 @!p0 s3, s7;
	s7 =	simm.s32 @!p0 $0x108  }
0x21: {  	s3 =	sadd.s32 s3, s9;
	s6 =	sadd.s32 @!p0 $0x88, s6;
	s7 =	simm.s32 @p2 $0x1082  }
0x22: {  	[simem:s7], [sflag:s8] =	dma.local @!p0 [hbm:s6], $0xF7A  }
0x23: {  	s9 =	sor.u32 $0xD0000000, s2;
	s6 =	simm.s32 $0x108;
	_ =	swait.ge @!p0 [sflag:s8], $0x0  }
0x24: {  	s3 =	sadd.s32 $0x88, s3;
	s6 =	simm.s32 @!p1 $0x1082;
	[sflag:s4] =	ssyncset.s32 $0xFFFFF086  }
0x25: {  	[simem:s6], [sflag:s4] =	dma.local [hbm:s3], $0xF7A  }
0x26: {  	[smem:$0x3F97] =	sst s1;
	(tag) =	ssettag s2;
	_ =	strace s9  }
0x27: {  	s1 =	sld [smem:$0x3FA7]  }
0x28: {  	s2 =	sld [smem:$0x3FA8]  }
0x29: {  	s4 =	sld [smem:$0x3FAA]  }
0x2a: {  	p0 =	seq.s32 s5, $0x0;
	s5 =	sld [smem:$0x3FAB]  }
0x2b: {  	s6 =	sld [smem:$0x3FAC]  }
0x2c: {  	s7 =	sld [smem:$0x3FAD]  }
0x2d: {  	s3 =	simm.s32 $0x108;
	s8 =	sld [smem:$0x3FAE]  }
0x2e: {  	s3 =	simm.s32 @!p0 $0x1082;
	s9 =	sld [smem:$0x3FAF]  }
0x2f: {  	lr =	sadd.s32 s0, s3;
	s0 =	sld [smem:$0x3FA6]  }
0x30: {  	s3 =	sld [smem:$0x3FA9]  }
0x31: {  	[smem:$0x3FB2] =	sst s10  }
0x32: {  	s10 =	sld [smem:$0x3FB0];
	_ =	sdelay $0x3  }
0x33: {  	p0 =	seq.s32 s10, $0x1;
	s10 =	sld [smem:$0x3FB2];
	_ =	sdelay $0x3  }
0x34: {  	[smem:$0x3FB2] =	sst s10  }
0x35: {  	s10 =	sld [smem:$0x3FB1];
	_ =	sdelay $0x3  }
0x36: {  	p1 =	seq.s32 s10, $0x1;
	s10 =	sld [smem:$0x3FB2];
	_ =	sdelay $0x3  }
0x37: {  	[smem:$0x3FB2] =	sst s10  }
0x38: {  	s10 =	sld [smem:$0x3FB3]  }
0x39: {  	_ = 	snop;
	(pc) =	sbr.ind lr, $3  }
0x3a: {  	_ = 	snop  }
0x3b: {  	_ = 	snop  }
0x3c: {  	p2 =	seq.s32 s10, $0x1;
	s10 =	sld [smem:$0x3FB2]  }
0x3d: {  	_ =	shalt  }
0x3e: {  	_ =	shalt  }
0x3f: {  	_ =	shalt  }
0x40: {  	_ =	shalt  }
0x41: {  	_ =	shalt  }
0x42: {  	_ =	shalt  }
0x43: {  	_ =	shalt  }
0x44: {  	_ =	shalt  }
0x45: {  	_ =	shalt  }
0x46: {  	_ =	shalt  }
0x47: {  	_ =	shalt  }
0x48: {  	_ =	shalt  }
0x49: {  	_ =	shalt  }
0x4a: {  	_ =	shalt  }
0x4b: {  	_ =	shalt  }
0x4c: {  	_ =	shalt  }
0x4d: {  	_ =	shalt  }
0x4e: {  	_ =	shalt  }
0x4f: {  	_ =	shalt  }
0x50: {  	_ =	shalt  }
0x51: {  	_ =	shalt  }
0x52: {  	_ =	shalt  }
0x53: {  	_ =	shalt  }
0x54: {  	_ =	shalt  }
0x55: {  	_ =	shalt  }
0x56: {  	_ =	shalt  }
0x57: {  	_ =	shalt  }
0x58: {  	_ =	shalt  }
0x59: {  	_ =	shalt  }
0x5a: {  	_ =	shalt  }
0x5b: {  	_ =	shalt  }
0x5c: {  	_ =	shalt  }
0x5d: {  	_ =	shalt  }
0x5e: {  	_ =	shalt  }
0x5f: {  	_ =	shalt  }
0x60: {  	_ =	shalt  }
0x61: {  	_ =	shalt  }
0x62: {  	_ =	shalt  }
0x63: {  	_ =	shalt  }
0x64: {  	_ =	shalt  }
0x65: {  	_ =	shalt  }
0x66: {  	_ =	shalt  }
0x67: {  	_ =	shalt  }
0x68: {  	_ =	shalt  }
0x69: {  	_ =	shalt  }
0x6a: {  	_ =	shalt  }
0x6b: {  	_ =	shalt  }
0x6c: {  	_ =	shalt  }
0x6d: {  	_ =	shalt  }
0x6e: {  	_ =	shalt  }
0x6f: {  	_ =	shalt  }
0x70: {  	_ =	shalt  }
0x71: {  	_ =	shalt  }
0x72: {  	_ =	shalt  }
0x73: {  	_ =	shalt  }
0x74: {  	_ =	shalt  }
0x75: {  	_ =	shalt  }
0x76: {  	_ =	shalt  }
0x77: {  	_ =	shalt  }
0x78: {  	_ =	shalt  }
0x79: {  	_ =	shalt  }
0x7a: {  	_ =	shalt  }
0x7b: {  	_ =	shalt  }
0x7c: {  	_ =	shalt  }
0x7d: {  	_ =	shalt  }
0x7e: {  	_ =	shalt  }
0x7f: {  	_ =	shalt  }
0x80: {  	_ =	shalt  }
0x81: {  	_ =	shalt  }
0x82: {  	_ =	shalt  }
0x83: {  	_ =	shalt  }
0x84: {  	_ =	shalt  }
0x85: {  	_ =	shalt  }
0x86: {  	_ =	shalt  }
0x87: {  	_ =	shalt  }
.Lfunc_end0:
.L_simem_size_0:
called_computation.1_lowered:
.L_overlay_start_0:
0x88: {  	s2 =	sld [smem:$0x3FD9]  }
0x89: {  	s3 =	sld [smem:$0x3FFE];
	_ =	sdelay $0x1  }
0x8a: {  	s1 =	srdreg.scid  }
0x8b: {  	s0 =	sand.u32 $0x1, s1  }
0x8c: {  	s17 =	sshll.u32 s0, $0xA;
	s2 =	sadd.s32 s3, s2  }
0x8d: {  	s2 =	sadd.s32 s2, s17  }
0x8e: {  	[smem:$0x3FBE] =	sst s2  }
0x8f: {  	_ = 	snop  }
0x90: {  	s2 =	sld [smem:$0x3FD0];
	(tm) =	ssettm $0x1  }
0x91: {  	s18 =	sld [smem:$0x3FFB];
	_ =	sdelay $0x3  }
0x92: {  	_ =	strace s18  }
0x93: {  	s3 =	sld [smem:$0x3FFC];
	_ =	sdelay $0x3  }
0x94: {  	_ =	strace s3  }
0x95: {  	s3 =	sld [smem:$0x3FFD];
	_ =	sdelay $0x3  }
0x96: {  	_ =	strace s3  }
0x97: {  	_ =	strace $0x8FFFFFFF  }
0x98: {  	s19 =	sld [smem:$0x3FDB];
	_ =	sdelay $0x1  }
0x99: {  	s4 =	simm.s32 $_scs_section_size  }
0x9a: {  	s5 =	simm.s32 $_size__tile_overlayer_lowered;
	s6 =	simm.s32 $_tile_overlayer_lowered  }
0x9b: {  	s22 =	simm.s32 $0x1BFF;
	s21 =	sshll.u32 s6, $0x1;
	s3 =	sadd.s32 s4, s19  }
0x9c: {  	s7 =	simm.s32 $0x0;
	s20 =	sshll.u32 s5, $0x1;
	s5 =	sadd.s32 s21, s3  }
0x9d: {  	[timem:s7], [sflag:s22] =	dma.local [hbm:s5], s20  }
0x9e: {  	_ =	swait.ge [sflag:s22], s20  }
0x9f: {  	s4 =	ssub.s32 $0x0, s20;
	[sflag:s22] =	ssyncset.done $0x0  }
0xa0: {  	[sflag:s22] =	ssyncadd.s32 s4;
	_ =	sdelay $0x1  }
0xa1: {  	s23 =	simm.s32 $0x1B8B  }
0xa2: {  	_ =	swait.ge [sflag:s23], $0x1  }
0xa3: {  	[sflag:s23] =	ssyncset.done $0x0  }
0xa4: {  	s25 =	simm.s32 $0x1B8E;
	s24 =	sld [smem:$0x3FFE];
	[sflag:s23] =	ssyncadd.s32 $0xFFFFFFFF  }
0xa5: {  	s26 =	simm.s32 $execute0_lowered;
	[smem:$0x3FD2] =	sst s25  }
0xa6: {  	s5 =	sshll.u32 s26, $0x1;
	_ =	strace $0x80000049;
	[dreg:$0x1] =	wrdreg $0xFFFFFFFF  }
0xa7: {  	s28 =	simm.s32 $_size_execute0_lowered;
	s3 =	sadd.s32 s3, s5;
	[dreg:$0x0] =	wrdreg $0x0  }
0xa8: {  	s5 =	sshll.u32 s28, $0x1;
	[dreg:$0x2] =	wrdreg s3  }
0xa9: {  	[dreg:$0x3] =	wrdreg s5  }
0xaa: {  	[dreg:$0x4] =	wrdreg $0xC0  }
0xab: {  	_ =	task [dreg:s7], $0x5FFFF  }
0xac: {  	[dreg:$0x1] =	wrdreg $0xFFFFFFFF  }
0xad: {  	[dreg:$0x0] =	wrdreg $0x60  }
0xae: {  	[dreg:$0x2] =	wrdreg s24  }
0xaf: {  	[dreg:$0x3] =	wrdreg s2  }
0xb0: {  	[dreg:$0x4] =	wrdreg $0x90000  }
0xb1: {  	[dreg:$0x5] =	wrdreg $0x9  }
0xb2: {  	_ =	task.clear_ibuf [dreg:s7], $0x6FFFF;
	_ =	strace $0x90000049  }
0xb3: {  	s29 =	simm.s32 $0x9;
	_ =	strace $0x8000004B  }
0xb4: {  	_ =	swait.ge [sflag:s29], $0x1  }
0xb5: {  	[sflag:s29] =	ssyncadd.s32 $0xFFFFFFFF  }
0xb6: {  	_ =	strace $0x9000004B  }
0xb7: {  	_ =	sfence  }
0xb8: {  	s30 =	sld [smem:$0x0];
	_ =	sdelay $0x2  }
0xb9: {  	s31 =	sshll.u32 s1, $0xD;
	s1 =	sshrl.u32 s1, $0x2  }
0xba: {  	s3 =	sand.u32 $0x4000, s31;
	s1 =	sadd.s32 s1, s30  }
0xbb: {  	s0 =	sor.u32 s3, s0;
	s1 =	sshll.u32 s1, $0x11  }
0xbc: {  	s0 =	sor.u32 s1, s0  }
0xbd: {  	s0 =	sadd.s32 $0x8F2B, s0  }
0xbe: {  	[sflag:s0] =	ssyncadd.remote.s32 $0x1  }
0xbf: {  	_ =	sfence.sel $0xFFFF  }
0xc0: {  	[dreg:$0x0] =	wrdreg $0xFFFFFFFF;
	(pc) =	sbr.abs _section_cstart, $3  }
0xc1: {  	[dreg:$0x1] =	wrdreg $0xFFFFFFFF  }
0xc2: {  	_ =	task.clear_ibuf [dreg:s7], $0x2FFFF;
	_ =	strace $0x9FFFFFFF  }
0xc3: {  	(tm) =	ssettm $0x7FFFFFFF  }
tec
execute0_lowered:
.L_overlay_start_1:
0x0: {  	(tag) =	ssettag $0x1  }
0x1: {  	s0 =	rddreg [dreg:$0x0];
	s1 =	srdreg.scid  }
0x2: {  	s14 =	stileid.u32;
	s6 =	rddreg [dreg:$0x1]  }
0x3: {  	s2 =	rddreg [dreg:$0x2];
	s15 =	simm.s32 $0x5000;
	s16 =	simm.s32 $0x5800  }
0x4: {  	s18 =	simm.s32 $0x6000;
	s20 =	simm.s32 $0x6800;
	s21 =	simm.s32 $0x40  }
0x5: {  	s22 =	simm.s32 $0x7000;
	s23 =	simm.s32 $0x50;
	s24 =	simm.s32 $0x7800  }
0x6: {  	s28 =	simm.s32 $0x70;
	s29 =	simm.s32 $0x8800;
	s30 =	simm.s32 $0x1  }
0x7: {  	s31 =	simm.s32 $0x0;
	s1 =	sand.u32 $0x1, s1;
	s9 =	smul.u32 $0x2780, s14  }
0x8: {  	s3 =	sshll.u32 s14, $0x1;
	s10 =	sadd.s32 $0x33E00, s0;
	s13 =	smul.u32 $0x4F000, s14  }
0x9: {  	s26 =	sshll.u32 s14, $0x6;
	s14 =	simm.s32 $0x10;
	s4 =	sor.u32 s1, s3  }
0xa: {  	s3 =	simm.s32 $0x0;
	s5 =	smul.u32 $0x27800, s1;
	s11 =	ssub.s32 $0x2, s1  }
0xb: {  	p0 =	seq.s32 s1, $0x1;
	s7 =	smul.u32 $0x500, s4;
	[smem:$0x7FF] =	sst s3  }
0xc: {  	s4 =	sadd.s32 $0xC600, s0;
	s12 =	sshrl.u32 s11, $0x1;
	s25 =	sshrl.u32 s13, $0x2  }
0xd: {  	_ =	strace $0x8000004A;
	s5 =	sadd.s32 s9, s5;
	s11 =	ssub.s32 s11, s12  }
0xe: {  	s12 =	smov.u32 s4;
	s1 =	sadd.s32 s25, s2;
	s25 =	simm.s32 $0x60  }
0xf: {  	s8 =	sadd.s32 s7, s0;
	s0 =	sadd.s32 s5, s0;
	s6 =	sadd.s32 s6, s7  }
0x10: {  	s12 =	smov.u32 @p0 s10;
	s10 =	simm.s32 $0x2;
	s13 =	sshrl.u32 s1, $0x3  }
0x11: {  	s5 =	sadd.s32 $0x2600, s8;
	s7 =	sadd.s32 $0x5B600, s0;
	s8 =	smax.u32 s11, $0x1  }
0x12: {  	s9 =	sadd.s32 s12, s9;
	s12 =	sor.u32 $0x1C02, s26;
	s26 =	simm.s32 $0x8000  }
.LBB2_1:
0x13: {  	[tilespmem:s3], [sflag:$0x2] =	stream.linear.gather [hbm4b:s5+s3], $0x2800, $0x38;
	[tilespmem:$0x1CC00] =	vst v63  }
0x14: {  	_ =	swait.ge [sflag:s10], $0x2800  }
0x15: {  	[sflag:s10] =	ssyncset.done $0x0  }
0x16: {  	s0 =	simm.s32 $0x2800;
	[sflag:s10] =	ssyncadd.s32 $0xFFFFD800  }
0x17: {  	[tilespmem:s0], [sflag:$0x2] =	stream.linear.gather [hbm4b:s6+s3], $0x2800, $0x38;
	[tilespmem:$0x1CC00] =	vst v63  }
0x18: {  	_ =	swait.ge [sflag:s10], $0x2800  }
0x19: {  	[sflag:s10] =	ssyncset.done $0x0  }
0x1a: {  	[sflag:s10] =	ssyncadd.s32 $0xFFFFD800  }
0x1b: {  	[spmem:s13], [sflag:s12] =	dma.local [hbm:s9], $0x2780  }
0x1c: {  	_ =	swait.ge [sflag:s10], $0x2780  }
0x1d: {  	[sflag:s10] =	ssyncset.done $0x0  }
0x1e: {  	[sflag:s10] =	ssyncadd.s32 $0xFFFFD880  }
0x1f: {  	[bflag:$0x0] =	sbarrier.arrive $0xFFFF  }
0x20: {  	[tilespmem:s15], [sflag:$0x1] =	stream.indirect.gather [hbm4b:s4+s14], $0x80, s3, s14, $0xb8;
	[tilespmem:$0x1CC00] =	vst v63  }
0x21: {  	_ = 	snop  }
0x22: {  	[tilespmem:s16], [sflag:$0x1] =	stream.indirect.gather [hbm4b:s4+s14], $0x80, s14, s14, $0xb8;
	[tilespmem:$0x1CC00] =	vst v63  }
0x23: {  	s11 =	simm.s32 $0x20  }
0x24: {  	[tilespmem:s18], [sflag:$0x1] =	stream.indirect.gather [hbm4b:s4+s14], $0x80, s11, s14, $0xb8;
	[tilespmem:$0x1CC00] =	vst v63  }
0x25: {  	s17 =	simm.s32 $0x30  }
0x26: {  	[tilespmem:s20], [sflag:$0x1] =	stream.indirect.gather [hbm4b:s4+s14], $0x80, s17, s14, $0xb8;
	[tilespmem:$0x1CC00] =	vst v63  }
0x27: {  	_ = 	snop  }
0x28: {  	[tilespmem:s22], [sflag:$0x1] =	stream.indirect.gather [hbm4b:s4+s14], $0x80, s21, s14, $0xb8;
	[tilespmem:$0x1CC00] =	vst v63  }
0x29: {  	_ = 	snop  }
0x2a: {  	[tilespmem:s24], [sflag:$0x1] =	stream.indirect.gather [hbm4b:s4+s14], $0x80, s23, s14, $0xb8;
	[tilespmem:$0x1CC00] =	vst v63  }
0x2b: {  	_ = 	snop  }
0x2c: {  	[tilespmem:s26], [sflag:$0x1] =	stream.indirect.gather [hbm4b:s4+s14], $0x80, s25, s14, $0xb8;
	[tilespmem:$0x1CC00] =	vst v63  }
0x2d: {  	_ = 	snop  }
0x2e: {  	[tilespmem:s29], [sflag:$0x1] =	stream.indirect.gather [hbm4b:s4+s14], $0x80, s28, s14, $0xb8;
	[tilespmem:$0x1CC00] =	vst v63  }
0x2f: {  	_ =	swait.ge [sflag:s30], $0x800  }
0x30: {  	[sflag:s30] =	ssyncset.done $0x0  }
0x31: {  	s19 =	simm.s32 $0x2800;
	[sflag:s30] =	ssyncadd.s32 $0xFFFFF800  }
0x32: {  	[spmem:s2] =	stream.indirect.scatter.add.f32 [tilespmem:s15], [sflag:$0x2], $0x80, s19, s14, $0xb8;
	[tilespmem:$0x1CC00] =	vst v63  }
0x33: {  	_ =	swait.ge [sflag:s10], $0x800  }
0x34: {  	s1 =	smin.u32 s30, $0x4F;
	[sflag:s10] =	ssyncset.done $0x0  }
0x35: {  	s0 =	sshll.u32 s1, $0x7;
	[sflag:s10] =	ssyncadd.s32 $0xFFFFF800  }
0x36: {  	[tilespmem:s15], [sflag:$0x1] =	stream.indirect.gather [hbm4b:s4+s14], $0x80, s0, s14, $0xb8;
	[tilespmem:$0x1CC00] =	vst v63  }
0x37: {  	_ =	swait.ge [sflag:s30], $0x800  }
0x38: {  	[sflag:s30] =	ssyncset.done $0x0  }
0x39: {  	s1 =	simm.s32 $0x2810;
	[sflag:s30] =	ssyncadd.s32 $0xFFFFF800  }
0x3a: {  	[spmem:s2] =	stream.indirect.scatter.add.f32 [tilespmem:s16], [sflag:$0x2], $0x80, s1, s14, $0xb8;
	[tilespmem:$0x1CC00] =	vst v63  }
0x3b: {  	_ =	swait.ge [sflag:s10], $0x800  }
0x3c: {  	[sflag:s10] =	ssyncset.done $0x0  }
0x3d: {  	s11 =	sor.u32 $0x10, s0;
	[sflag:s10] =	ssyncadd.s32 $0xFFFFF800  }
0x3e: {  	[tilespmem:s16], [sflag:$0x1] =	stream.indirect.gather [hbm4b:s4+s14], $0x80, s11, s14, $0xb8;
	[tilespmem:$0x1CC00] =	vst v63  }
0x3f: {  	_ =	swait.ge [sflag:s30], $0x800  }
0x40: {  	[sflag:s30] =	ssyncset.done $0x0  }
0x41: {  	s17 =	simm.s32 $0x2820;
	[sflag:s30] =	ssyncadd.s32 $0xFFFFF800  }
0x42: {  	[spmem:s2] =	stream.indirect.scatter.add.f32 [tilespmem:s18], [sflag:$0x2], $0x80, s17, s14, $0xb8;
	[tilespmem:$0x1CC00] =	vst v63  }
0x43: {  	_ =	swait.ge [sflag:s10], $0x800  }
0x44: {  	[sflag:s10] =	ssyncset.done $0x0  }
0x45: {  	s19 =	sor.u32 $0x20, s0;
	[sflag:s10] =	ssyncadd.s32 $0xFFFFF800  }
0x46: {  	[tilespmem:s18], [sflag:$0x1] =	stream.indirect.gather [hbm4b:s4+s14], $0x80, s19, s14, $0xb8;
	[tilespmem:$0x1CC00] =	vst v63  }
0x47: {  	_ =	swait.ge [sflag:s30], $0x800  }
0x48: {  	[sflag:s30] =	ssyncset.done $0x0  }
0x49: {  	s11 =	simm.s32 $0x2830;
	[sflag:s30] =	ssyncadd.s32 $0xFFFFF800  }
0x4a: {  	[spmem:s2] =	stream.indirect.scatter.add.f32 [tilespmem:s20], [sflag:$0x2], $0x80, s11, s14, $0xb8;
	[tilespmem:$0x1CC00] =	vst v63  }
0x4b: {  	_ =	swait.ge [sflag:s10], $0x800  }
0x4c: {  	[sflag:s10] =	ssyncset.done $0x0  }
0x4d: {  	s17 =	sor.u32 $0x30, s0;
	[sflag:s10] =	ssyncadd.s32 $0xFFFFF800  }
0x4e: {  	[tilespmem:s20], [sflag:$0x1] =	stream.indirect.gather [hbm4b:s4+s14], $0x80, s17, s14, $0xb8;
	[tilespmem:$0x1CC00] =	vst v63  }
0x4f: {  	_ =	swait.ge [sflag:s30], $0x800  }
0x50: {  	[sflag:s30] =	ssyncset.done $0x0  }
0x51: {  	s19 =	simm.s32 $0x2840;
	[sflag:s30] =	ssyncadd.s32 $0xFFFFF800  }
0x52: {  	[spmem:s2] =	stream.indirect.scatter.add.f32 [tilespmem:s22], [sflag:$0x2], $0x80, s19, s14, $0xb8;
	[tilespmem:$0x1CC00] =	vst v63  }
0x53: {  	_ =	swait.ge [sflag:s10], $0x800  }
0x54: {  	[sflag:s10] =	ssyncset.done $0x0  }
0x55: {  	s11 =	sor.u32 $0x40, s0;
	[sflag:s10] =	ssyncadd.s32 $0xFFFFF800  }
0x56: {  	[tilespmem:s22], [sflag:$0x1] =	stream.indirect.gather [hbm4b:s4+s14], $0x80, s11, s14, $0xb8;
	[tilespmem:$0x1CC00] =	vst v63  }
0x57: {  	_ =	swait.ge [sflag:s30], $0x800  }
0x58: {  	[sflag:s30] =	ssyncset.done $0x0  }
0x59: {  	s17 =	simm.s32 $0x2850;
	[sflag:s30] =	ssyncadd.s32 $0xFFFFF800  }
0x5a: {  	[spmem:s2] =	stream.indirect.scatter.add.f32 [tilespmem:s24], [sflag:$0x2], $0x80, s17, s14, $0xb8;
	[tilespmem:$0x1CC00] =	vst v63  }
0x5b: {  	_ =	swait.ge [sflag:s10], $0x800  }
0x5c: {  	[sflag:s10] =	ssyncset.done $0x0  }
0x5d: {  	s19 =	sor.u32 $0x50, s0;
	[sflag:s10] =	ssyncadd.s32 $0xFFFFF800  }
0x5e: {  	[tilespmem:s24], [sflag:$0x1] =	stream.indirect.gather [hbm4b:s4+s14], $0x80, s19, s14, $0xb8;
	[tilespmem:$0x1CC00] =	vst v63  }
0x5f: {  	_ =	swait.ge [sflag:s30], $0x800  }
0x60: {  	[sflag:s30] =	ssyncset.done $0x0  }
0x61: {  	s11 =	simm.s32 $0x2860;
	[sflag:s30] =	ssyncadd.s32 $0xFFFFF800  }
0x62: {  	[spmem:s2] =	stream.indirect.scatter.add.f32 [tilespmem:s26], [sflag:$0x2], $0x80, s11, s14, $0xb8;
	[tilespmem:$0x1CC00] =	vst v63  }
0x63: {  	_ =	swait.ge [sflag:s10], $0x800  }
0x64: {  	[sflag:s10] =	ssyncset.done $0x0  }
0x65: {  	s17 =	sor.u32 $0x60, s0;
	[sflag:s10] =	ssyncadd.s32 $0xFFFFF800  }
0x66: {  	[tilespmem:s26], [sflag:$0x1] =	stream.indirect.gather [hbm4b:s4+s14], $0x80, s17, s14, $0xb8;
	[tilespmem:$0x1CC00] =	vst v63  }
0x67: {  	_ =	swait.ge [sflag:s30], $0x800  }
0x68: {  	[sflag:s30] =	ssyncset.done $0x0  }
0x69: {  	s19 =	simm.s32 $0x2870;
	[sflag:s30] =	ssyncadd.s32 $0xFFFFF800  }
0x6a: {  	[spmem:s2] =	stream.indirect.scatter.add.f32 [tilespmem:s29], [sflag:$0x2], $0x80, s19, s14, $0xb8;
	[tilespmem:$0x1CC00] =	vst v63  }
0x6b: {  	_ =	swait.ge [sflag:s10], $0x800  }
0x6c: {  	s1 =	simm.s32 $0x200;
	[sflag:s10] =	ssyncset.done $0x0  }
0x6d: {  	s11 =	sor.u32 $0x70, s0;
	s0 =	simm.s32 $0x2;
	[sflag:s10] =	ssyncadd.s32 $0xFFFFF800  }
.LBB2_2:
0x6e: {  	[tilespmem:s29], [sflag:$0x1] =	stream.indirect.gather [hbm4b:s4+s14], $0x80, s11, s14, $0xb8;
	[tilespmem:$0x1CC00] =	vst v63  }
0x6f: {  	s11 =	smov.u32 s1  }
0x70: {  	p0 =	sne.s32 s1, $0x9E00;
	s1 =	sadd.s32 $0x200, s1;
	_ =	swait.ge [sflag:s30], $0x800  }
0x71: {  	s11 =	sshra.s32 s11, $0x2;
	[sflag:s30] =	ssyncset.done $0x0  }
0x72: {  	s17 =	sadd.s32 $0x2800, s11;
	[sflag:s30] =	ssyncadd.s32 $0xFFFFF800  }
0x73: {  	[spmem:s2] =	stream.indirect.scatter.add.f32 [tilespmem:s15], [sflag:$0x2], $0x80, s17, s14, $0xb8;
	[tilespmem:$0x1CC00] =	vst v63  }
0x74: {  	_ =	swait.ge [sflag:s10], $0x800  }
0x75: {  	s17 =	smin.u32 s0, $0x4F;
	[sflag:s10] =	ssyncset.done $0x0  }
0x76: {  	s17 =	sshll.u32 s17, $0x7;
	[sflag:s10] =	ssyncadd.s32 $0xFFFFF800  }
0x77: {  	[tilespmem:s15], [sflag:$0x1] =	stream.indirect.gather [hbm4b:s4+s14], $0x80, s17, s14, $0xb8;
	[tilespmem:$0x1CC00] =	vst v63  }
0x78: {  	_ =	swait.ge [sflag:s30], $0x800  }
0x79: {  	[sflag:s30] =	ssyncset.done $0x0  }
0x7a: {  	s19 =	sadd.s32 $0x2810, s11;
	[sflag:s30] =	ssyncadd.s32 $0xFFFFF800  }
0x7b: {  	[spmem:s2] =	stream.indirect.scatter.add.f32 [tilespmem:s16], [sflag:$0x2], $0x80, s19, s14, $0xb8;
	[tilespmem:$0x1CC00] =	vst v63  }
0x7c: {  	_ =	swait.ge [sflag:s10], $0x800  }
0x7d: {  	[sflag:s10] =	ssyncset.done $0x0  }
0x7e: {  	s19 =	sor.u32 $0x10, s17;
	[sflag:s10] =	ssyncadd.s32 $0xFFFFF800  }
0x7f: {  	[tilespmem:s16], [sflag:$0x1] =	stream.indirect.gather [hbm4b:s4+s14], $0x80, s19, s14, $0xb8;
	[tilespmem:$0x1CC00] =	vst v63  }
0x80: {  	_ =	swait.ge [sflag:s30], $0x800  }
0x81: {  	[sflag:s30] =	ssyncset.done $0x0  }
0x82: {  	s19 =	sadd.s32 $0x2820, s11;
	[sflag:s30] =	ssyncadd.s32 $0xFFFFF800  }
0x83: {  	[spmem:s2] =	stream.indirect.scatter.add.f32 [tilespmem:s18], [sflag:$0x2], $0x80, s19, s14, $0xb8;
	[tilespmem:$0x1CC00] =	vst v63  }
0x84: {  	_ =	swait.ge [sflag:s10], $0x800  }
0x85: {  	[sflag:s10] =	ssyncset.done $0x0  }
0x86: {  	s19 =	sor.u32 $0x20, s17;
	[sflag:s10] =	ssyncadd.s32 $0xFFFFF800  }
0x87: {  	[tilespmem:s18], [sflag:$0x1] =	stream.indirect.gather [hbm4b:s4+s14], $0x80, s19, s14, $0xb8;
	[tilespmem:$0x1CC00] =	vst v63  }
0x88: {  	_ =	swait.ge [sflag:s30], $0x800  }
0x89: {  	[sflag:s30] =	ssyncset.done $0x0  }
0x8a: {  	s19 =	sadd.s32 $0x2830, s11;
	[sflag:s30] =	ssyncadd.s32 $0xFFFFF800  }
0x8b: {  	[spmem:s2] =	stream.indirect.scatter.add.f32 [tilespmem:s20], [sflag:$0x2], $0x80, s19, s14, $0xb8;
	[tilespmem:$0x1CC00] =	vst v63  }
0x8c: {  	_ =	swait.ge [sflag:s10], $0x800  }
0x8d: {  	[sflag:s10] =	ssyncset.done $0x0  }
0x8e: {  	s19 =	sor.u32 $0x30, s17;
	[sflag:s10] =	ssyncadd.s32 $0xFFFFF800  }
0x8f: {  	[tilespmem:s20], [sflag:$0x1] =	stream.indirect.gather [hbm4b:s4+s14], $0x80, s19, s14, $0xb8;
	[tilespmem:$0x1CC00] =	vst v63  }
0x90: {  	_ =	swait.ge [sflag:s30], $0x800  }
0x91: {  	[sflag:s30] =	ssyncset.done $0x0  }
0x92: {  	s19 =	sadd.s32 $0x2840, s11;
	[sflag:s30] =	ssyncadd.s32 $0xFFFFF800  }
0x93: {  	[spmem:s2] =	stream.indirect.scatter.add.f32 [tilespmem:s22], [sflag:$0x2], $0x80, s19, s14, $0xb8;
	[tilespmem:$0x1CC00] =	vst v63  }
0x94: {  	_ =	swait.ge [sflag:s10], $0x800  }
0x95: {  	[sflag:s10] =	ssyncset.done $0x0  }
0x96: {  	s19 =	sor.u32 $0x40, s17;
	[sflag:s10] =	ssyncadd.s32 $0xFFFFF800  }
0x97: {  	[tilespmem:s22], [sflag:$0x1] =	stream.indirect.gather [hbm4b:s4+s14], $0x80, s19, s14, $0xb8;
	[tilespmem:$0x1CC00] =	vst v63  }
0x98: {  	_ =	swait.ge [sflag:s30], $0x800  }
0x99: {  	[sflag:s30] =	ssyncset.done $0x0  }
0x9a: {  	s19 =	sadd.s32 $0x2850, s11;
	[sflag:s30] =	ssyncadd.s32 $0xFFFFF800  }
0x9b: {  	[spmem:s2] =	stream.indirect.scatter.add.f32 [tilespmem:s24], [sflag:$0x2], $0x80, s19, s14, $0xb8;
	[tilespmem:$0x1CC00] =	vst v63  }
0x9c: {  	_ =	swait.ge [sflag:s10], $0x800  }
0x9d: {  	[sflag:s10] =	ssyncset.done $0x0  }
0x9e: {  	s19 =	sor.u32 $0x50, s17;
	[sflag:s10] =	ssyncadd.s32 $0xFFFFF800  }
0x9f: {  	[tilespmem:s24], [sflag:$0x1] =	stream.indirect.gather [hbm4b:s4+s14], $0x80, s19, s14, $0xb8;
	[tilespmem:$0x1CC00] =	vst v63  }
0xa0: {  	_ =	swait.ge [sflag:s30], $0x800  }
0xa1: {  	[sflag:s30] =	ssyncset.done $0x0  }
0xa2: {  	s19 =	sadd.s32 $0x2860, s11;
	[sflag:s30] =	ssyncadd.s32 $0xFFFFF800  }
0xa3: {  	[spmem:s2] =	stream.indirect.scatter.add.f32 [tilespmem:s26], [sflag:$0x2], $0x80, s19, s14, $0xb8;
	[tilespmem:$0x1CC00] =	vst v63  }
0xa4: {  	_ =	swait.ge [sflag:s10], $0x800  }
0xa5: {  	[sflag:s10] =	ssyncset.done $0x0  }
0xa6: {  	s19 =	sor.u32 $0x60, s17;
	[sflag:s10] =	ssyncadd.s32 $0xFFFFF800  }
0xa7: {  	[tilespmem:s26], [sflag:$0x1] =	stream.indirect.gather [hbm4b:s4+s14], $0x80, s19, s14, $0xb8;
	[tilespmem:$0x1CC00] =	vst v63  }
0xa8: {  	_ =	swait.ge [sflag:s30], $0x800  }
0xa9: {  	[sflag:s30] =	ssyncset.done $0x0  }
.Ltmp0:
0xaa: {  	s11 =	sadd.s32 $0x2870, s11;
	[sflag:s30] =	ssyncadd.s32 $0xFFFFF800;
	(pc) =	sbr.rel @p0 .LBB2_2-.Ltmp0, $4  }
0xab: {  	[spmem:s2] =	stream.indirect.scatter.add.f32 [tilespmem:s29], [sflag:$0x2], $0x80, s11, s14, $0xb8;
	[tilespmem:$0x1CC00] =	vst v63  }
0xac: {  	_ =	swait.ge [sflag:s10], $0x800  }
0xad: {  	[sflag:s10] =	ssyncset.done $0x0  }
0xae: {  	s0 =	sadd.s32 $0x1, s0;
	s11 =	sor.u32 $0x70, s17;
	[sflag:s10] =	ssyncadd.s32 $0xFFFFF800  }
0xaf: {  	[tilespmem:s29], [sflag:$0x1] =	stream.indirect.gather [hbm4b:s4+s14], $0x80, s11, s14, $0xb8;
	[tilespmem:$0x1CC00] =	vst v63  }
0xb0: {  	_ =	swait.ge [sflag:s30], $0x800  }
0xb1: {  	[sflag:s30] =	ssyncset.done $0x0  }
0xb2: {  	[sflag:s30] =	ssyncadd.s32 $0xFFFFF800  }
0xb3: {  	_ =	swait.ge [sflag:s30], $0x800  }
0xb4: {  	[sflag:s30] =	ssyncset.done $0x0  }
0xb5: {  	[sflag:s30] =	ssyncadd.s32 $0xFFFFF800  }
0xb6: {  	_ =	swait.ge [sflag:s30], $0x800  }
0xb7: {  	[sflag:s30] =	ssyncset.done $0x0  }
0xb8: {  	[sflag:s30] =	ssyncadd.s32 $0xFFFFF800  }
0xb9: {  	_ =	swait.ge [sflag:s30], $0x800  }
0xba: {  	[sflag:s30] =	ssyncset.done $0x0  }
0xbb: {  	[sflag:s30] =	ssyncadd.s32 $0xFFFFF800  }
0xbc: {  	_ =	swait.ge [sflag:s30], $0x800  }
0xbd: {  	[sflag:s30] =	ssyncset.done $0x0  }
0xbe: {  	[sflag:s30] =	ssyncadd.s32 $0xFFFFF800  }
0xbf: {  	_ =	swait.ge [sflag:s30], $0x800  }
0xc0: {  	[sflag:s30] =	ssyncset.done $0x0  }
0xc1: {  	[sflag:s30] =	ssyncadd.s32 $0xFFFFF800  }
0xc2: {  	_ =	swait.ge [sflag:s30], $0x800  }
0xc3: {  	[sflag:s30] =	ssyncset.done $0x0  }
0xc4: {  	[sflag:s30] =	ssyncadd.s32 $0xFFFFF800  }
0xc5: {  	_ =	swait.ge [sflag:s30], $0x800  }
0xc6: {  	s31 =	sadd.s32 $0x1, s31;
	[sflag:s30] =	ssyncset.done $0x0  }
0xc7: {  	p0 =	sne.s32 s31, s8;
	[sflag:s30] =	ssyncadd.s32 $0xFFFFF800  }
.Ltmp1:
0xc8: {  	[bflag:$0x0] =	sbarrier.arrive $0xFFFF;
	(pc) =	sbr.rel @p0 .LBB2_1-.Ltmp1, $4  }
0xc9: {  	[hbm:s7], [sflag:s12] =	dma.local [spmem:s13], $0x2780  }
0xca: {  	_ =	swait.ge [sflag:s10], $0x2780  }
0xcb: {  	[sflag:s10] =	ssyncset.done $0x0  }
0xcc: {  	[sflag:s10] =	ssyncadd.s32 $0xFFFFD880  }
0xcd: {  	_ =	sfence.sel $0x180000  }
0xce: {  	[bflag:$0x0] =	sbarrier.arrive $0xFFFF  }
0xcf: {  	_ =	strace $0x9000004A  }
0xd0: {  	s0 =	stileid.u32;
	[bflag:$0x2] =	sbarrier.arrive $0xFFFF  }
0xd1: {  	p0 =	sne.s32 s0, $0x0;
	s0 =	rddreg [dreg:$0x3]  }
0xd2: {  	s0 =	sadd.s32 @!p0 $0x100000, s0  }
0xd3: {  	[sflag:s0] =	ssyncadd.tile.s32 @!p0 $0x1;
	_ =	shalt  }
.Lfunc_end2:
_tile_overlayer_lowered:
.L_overlay_start_2:
0xd4: {  	(tag) =	ssettag $0x2  }
0xd5: {  	s0 =	rddreg [dreg:$0x0];
	s2 =	stileid.u32  }
0xd6: {  	s1 =	rddreg [dreg:$0x1];
	p0 =	sne.s32 s2, $0x0  }
0xd7: {  	s3 =	rddreg [dreg:$0x2];
	[bflag:$0x3] =	sbarrier.arrive $0xFFFF;
	s2 =	simm.s32 @!p0 $0x1C02  }
0xd8: {  	[timem:s3], [sflag:s2] =	dma.local @!p0 [hbm:s0], s1  }
0xd9: {  	s0 =	simm.s32 @!p0 $0x2  }
0xda: {  	_ =	swait.ge @!p0 [sflag:s0], s1  }
0xdb: {  	s1 =	ssub.s32 @!p0 $0x0, s1;
	[sflag:s0] =	ssyncset.done @!p0 $0x0  }
0xdc: {  	[sflag:s0] =	ssyncadd.s32 @!p0 s1  }
0xdd: {  	[bflag:$0x3] =	sbarrier.arrive $0xFFFF  }
0xde: {  	_ =	shalt  }

// kernel: kernel.15.cloned.1.call-start
scs
__scs_entry_jumppad:
0x0: {  	(pc) =	sbr.rel $0x88, $3  }
0x1: {  	(tag) =	ssettag $0x0;
	lr =	simm.s32 $0x1  }
0x2: {  	[smem:$0x3F97] =	sst lr;
	_ =	strace $0xD0000000  }
0x3: {  	_ = 	snop  }
0x4: {  	_ = 	snop  }
0x5: {  	_ = 	snop  }
0x6: {  	_ = 	snop  }
0x7: {  	_ = 	snop  }
__scs_overlays_trampoline_lowered:
0x8: {  	[smem:$0x3FA6] =	sst s0  }
0x9: {  	[smem:$0x3FA7] =	sst s1  }
0xa: {  	[smem:$0x3FA8] =	sst s2  }
0xb: {  	[smem:$0x3FA9] =	sst s3  }
0xc: {  	[smem:$0x3FAA] =	sst s4  }
0xd: {  	[smem:$0x3FAB] =	sst s5  }
0xe: {  	[smem:$0x3FAC] =	sst s6  }
0xf: {  	[smem:$0x3FAD] =	sst s7  }
0x10: {  	[smem:$0x3FAE] =	sst s8  }
0x11: {  	[smem:$0x3FAF] =	sst s9;
	s0 =	simm.s32 @!p0 $0x0  }
0x12: {  	s1 =	sld [smem:$0x3F95];
	s0 =	simm.s32 @p0 $0x1  }
0x13: {  	[smem:$0x3FB0] =	sst s0;
	s0 =	simm.s32 @!p1 $0x0  }
0x14: {  	s2 =	sld [smem:$0x3F94];
	s0 =	simm.s32 @p1 $0x1  }
0x15: {  	[smem:$0x3FB1] =	sst s0;
	s0 =	simm.s32 @!p2 $0x0  }
0x16: {  	s3 =	sld [smem:$0x3FDB];
	s0 =	simm.s32 @p2 $0x1  }
0x17: {  	s4 =	simm.s32 $0x1BF5;
	[smem:$0x3FB3] =	sst s0  }
0x18: {  	s0 =	sld [smem:$0x3F96];
	_ =	swait.ge [sflag:s4], $0x0  }
0x19: {  	s7 =	sld [smem:$0x3F97]  }
0x1a: {  	s8 =	sadd.s32 $0xFFFFE003, lr  }
0x1b: {  	s9 =	sadd.s32 $0xFFFFFEF7, lr;
	s5 =	simm.s32 $0xFFFFFFFF;
	p2 =	slt.u32 s8, $0xFFFFF086  }
0x1c: {  	p1 =	slt.u32 s9, $0xF7A;
	s5 =	simm.s32 @!p2 $0x0  }
0x1d: {  	s5 =	simm.s32 @p1 $0x1;
	p0 =	seq.s32 s7, s2  }
0x1e: {  	s7 =	smul.u32 @!p0 $0xF7A, s2;
	p2 =	seq.s32 @!p0 s5, $0x0  }
0x1f: {  	s9 =	smul.u32 $0xF7A, s1;
	s8 =	simm.s32 @!p0 $0x1BF5;
	p2 =	por !p2, p0  }
0x20: {  	[sflag:s8] =	ssyncset.s32 @!p0 $0xFFFFF086;
	s6 =	sadd.s32 @!p0 s3, s7;
	s7 =	simm.s32 @!p0 $0x108  }
0x21: {  	s3 =	sadd.s32 s3, s9;
	s6 =	sadd.s32 @!p0 $0x88, s6;
	s7 =	simm.s32 @p2 $0x1082  }
0x22: {  	[simem:s7], [sflag:s8] =	dma.local @!p0 [hbm:s6], $0xF7A  }
0x23: {  	s9 =	sor.u32 $0xD0000000, s2;
	s6 =	simm.s32 $0x108;
	_ =	swait.ge @!p0 [sflag:s8], $0x0  }
0x24: {  	s3 =	sadd.s32 $0x88, s3;
	s6 =	simm.s32 @!p1 $0x1082;
	[sflag:s4] =	ssyncset.s32 $0xFFFFF086  }
0x25: {  	[simem:s6], [sflag:s4] =	dma.local [hbm:s3], $0xF7A  }
0x26: {  	[smem:$0x3F97] =	sst s1;
	(tag) =	ssettag s2;
	_ =	strace s9  }
0x27: {  	s1 =	sld [smem:$0x3FA7]  }
0x28: {  	s2 =	sld [smem:$0x3FA8]  }
0x29: {  	s4 =	sld [smem:$0x3FAA]  }
0x2a: {  	p0 =	seq.s32 s5, $0x0;
	s5 =	sld [smem:$0x3FAB]  }
0x2b: {  	s6 =	sld [smem:$0x3FAC]  }
0x2c: {  	s7 =	sld [smem:$0x3FAD]  }
0x2d: {  	s3 =	simm.s32 $0x108;
	s8 =	sld [smem:$0x3FAE]  }
0x2e: {  	s3 =	simm.s32 @!p0 $0x1082;
	s9 =	sld [smem:$0x3FAF]  }
0x2f: {  	lr =	sadd.s32 s0, s3;
	s0 =	sld [smem:$0x3FA6]  }
0x30: {  	s3 =	sld [smem:$0x3FA9]  }
0x31: {  	[smem:$0x3FB2] =	sst s10  }
0x32: {  	s10 =	sld [smem:$0x3FB0];
	_ =	sdelay $0x3  }
0x33: {  	p0 =	seq.s32 s10, $0x1;
	s10 =	sld [smem:$0x3FB2];
	_ =	sdelay $0x3  }
0x34: {  	[smem:$0x3FB2] =	sst s10  }
0x35: {  	s10 =	sld [smem:$0x3FB1];
	_ =	sdelay $0x3  }
0x36: {  	p1 =	seq.s32 s10, $0x1;
	s10 =	sld [smem:$0x3FB2];
	_ =	sdelay $0x3  }
0x37: {  	[smem:$0x3FB2] =	sst s10  }
0x38: {  	s10 =	sld [smem:$0x3FB3]  }
0x39: {  	_ = 	snop;
	(pc) =	sbr.ind lr, $3  }
0x3a: {  	_ = 	snop  }
0x3b: {  	_ = 	snop  }
0x3c: {  	p2 =	seq.s32 s10, $0x1;
	s10 =	sld [smem:$0x3FB2]  }
0x3d: {  	_ =	shalt  }
0x3e: {  	_ =	shalt  }
0x3f: {  	_ =	shalt  }
0x40: {  	_ =	shalt  }
0x41: {  	_ =	shalt  }
0x42: {  	_ =	shalt  }
0x43: {  	_ =	shalt  }
0x44: {  	_ =	shalt  }
0x45: {  	_ =	shalt  }
0x46: {  	_ =	shalt  }
0x47: {  	_ =	shalt  }
0x48: {  	_ =	shalt  }
0x49: {  	_ =	shalt  }
0x4a: {  	_ =	shalt  }
0x4b: {  	_ =	shalt  }
0x4c: {  	_ =	shalt  }
0x4d: {  	_ =	shalt  }
0x4e: {  	_ =	shalt  }
0x4f: {  	_ =	shalt  }
0x50: {  	_ =	shalt  }
0x51: {  	_ =	shalt  }
0x52: {  	_ =	shalt  }
0x53: {  	_ =	shalt  }
0x54: {  	_ =	shalt  }
0x55: {  	_ =	shalt  }
0x56: {  	_ =	shalt  }
0x57: {  	_ =	shalt  }
0x58: {  	_ =	shalt  }
0x59: {  	_ =	shalt  }
0x5a: {  	_ =	shalt  }
0x5b: {  	_ =	shalt  }
0x5c: {  	_ =	shalt  }
0x5d: {  	_ =	shalt  }
0x5e: {  	_ =	shalt  }
0x5f: {  	_ =	shalt  }
0x60: {  	_ =	shalt  }
0x61: {  	_ =	shalt  }
0x62: {  	_ =	shalt  }
0x63: {  	_ =	shalt  }
0x64: {  	_ =	shalt  }
0x65: {  	_ =	shalt  }
0x66: {  	_ =	shalt  }
0x67: {  	_ =	shalt  }
0x68: {  	_ =	shalt  }
0x69: {  	_ =	shalt  }
0x6a: {  	_ =	shalt  }
0x6b: {  	_ =	shalt  }
0x6c: {  	_ =	shalt  }
0x6d: {  	_ =	shalt  }
0x6e: {  	_ =	shalt  }
0x6f: {  	_ =	shalt  }
0x70: {  	_ =	shalt  }
0x71: {  	_ =	shalt  }
0x72: {  	_ =	shalt  }
0x73: {  	_ =	shalt  }
0x74: {  	_ =	shalt  }
0x75: {  	_ =	shalt  }
0x76: {  	_ =	shalt  }
0x77: {  	_ =	shalt  }
0x78: {  	_ =	shalt  }
0x79: {  	_ =	shalt  }
0x7a: {  	_ =	shalt  }
0x7b: {  	_ =	shalt  }
0x7c: {  	_ =	shalt  }
0x7d: {  	_ =	shalt  }
0x7e: {  	_ =	shalt  }
0x7f: {  	_ =	shalt  }
0x80: {  	_ =	shalt  }
0x81: {  	_ =	shalt  }
0x82: {  	_ =	shalt  }
0x83: {  	_ =	shalt  }
0x84: {  	_ =	shalt  }
0x85: {  	_ =	shalt  }
0x86: {  	_ =	shalt  }
0x87: {  	_ =	shalt  }
.Lfunc_end0:
.L_simem_size_0:
called_computation.2_lowered:
.L_overlay_start_0:
0x88: {  	s2 =	sld [smem:$0x3FD9]  }
0x89: {  	s3 =	sld [smem:$0x3FFE];
	_ =	sdelay $0x1  }
0x8a: {  	s1 =	srdreg.scid  }
0x8b: {  	s0 =	sand.u32 $0x1, s1  }
0x8c: {  	s17 =	sshll.u32 s0, $0xA;
	s2 =	sadd.s32 s3, s2  }
0x8d: {  	s2 =	sadd.s32 s2, s17  }
0x8e: {  	[smem:$0x3FBE] =	sst s2  }
0x8f: {  	_ = 	snop  }
0x90: {  	s2 =	sld [smem:$0x3FD0];
	(tm) =	ssettm $0x1  }
0x91: {  	s18 =	sld [smem:$0x3FFB];
	_ =	sdelay $0x3  }
0x92: {  	_ =	strace s18  }
0x93: {  	s3 =	sld [smem:$0x3FFC];
	_ =	sdelay $0x3  }
0x94: {  	_ =	strace s3  }
0x95: {  	s3 =	sld [smem:$0x3FFD];
	_ =	sdelay $0x3  }
0x96: {  	_ =	strace s3  }
0x97: {  	_ =	strace $0x8FFFFFFF  }
0x98: {  	s19 =	sld [smem:$0x3FDB];
	_ =	sdelay $0x1  }
0x99: {  	s4 =	simm.s32 $_scs_section_size  }
0x9a: {  	s5 =	simm.s32 $_size__tile_overlayer_lowered;
	s6 =	simm.s32 $_tile_overlayer_lowered  }
0x9b: {  	s22 =	simm.s32 $0x1BFF;
	s21 =	sshll.u32 s6, $0x1;
	s3 =	sadd.s32 s4, s19  }
0x9c: {  	s7 =	simm.s32 $0x0;
	s20 =	sshll.u32 s5, $0x1;
	s5 =	sadd.s32 s21, s3  }
0x9d: {  	[timem:s7], [sflag:s22] =	dma.local [hbm:s5], s20  }
0x9e: {  	_ =	swait.ge [sflag:s22], s20  }
0x9f: {  	s4 =	ssub.s32 $0x0, s20;
	[sflag:s22] =	ssyncset.done $0x0  }
0xa0: {  	[sflag:s22] =	ssyncadd.s32 s4;
	_ =	sdelay $0x1  }
0xa1: {  	s23 =	simm.s32 $0x1B8B  }
0xa2: {  	_ =	swait.ge [sflag:s23], $0x1  }
0xa3: {  	[sflag:s23] =	ssyncset.done $0x0  }
0xa4: {  	s25 =	simm.s32 $0x1B8E;
	s24 =	sld [smem:$0x3FFE];
	[sflag:s23] =	ssyncadd.s32 $0xFFFFFFFF  }
0xa5: {  	s26 =	simm.s32 $execute0_lowered;
	[smem:$0x3FD2] =	sst s25  }
0xa6: {  	s5 =	sshll.u32 s26, $0x1;
	_ =	strace $0x8000004C;
	[dreg:$0x1] =	wrdreg $0xFFFFFFFF  }
0xa7: {  	s28 =	simm.s32 $_size_execute0_lowered;
	s3 =	sadd.s32 s3, s5;
	[dreg:$0x0] =	wrdreg $0x0  }
0xa8: {  	s5 =	sshll.u32 s28, $0x1;
	[dreg:$0x2] =	wrdreg s3  }
0xa9: {  	[dreg:$0x3] =	wrdreg s5  }
0xaa: {  	[dreg:$0x4] =	wrdreg $0xC0  }
0xab: {  	_ =	task [dreg:s7], $0x5FFFF  }
0xac: {  	[dreg:$0x1] =	wrdreg $0xFFFFFFFF  }
0xad: {  	[dreg:$0x0] =	wrdreg $0x60  }
0xae: {  	[dreg:$0x2] =	wrdreg s24  }
0xaf: {  	[dreg:$0x3] =	wrdreg s2  }
0xb0: {  	[dreg:$0x4] =	wrdreg $0x90000  }
0xb1: {  	[dreg:$0x5] =	wrdreg $0x9  }
0xb2: {  	_ =	task.clear_ibuf [dreg:s7], $0x6FFFF;
	_ =	strace $0x9000004C  }
0xb3: {  	s29 =	simm.s32 $0x9;
	_ =	strace $0x8000004E  }
0xb4: {  	_ =	swait.ge [sflag:s29], $0x1  }
0xb5: {  	[sflag:s29] =	ssyncadd.s32 $0xFFFFFFFF  }
0xb6: {  	_ =	strace $0x9000004E  }
0xb7: {  	_ =	sfence  }
0xb8: {  	s30 =	sld [smem:$0x0];
	_ =	sdelay $0x2  }
0xb9: {  	s31 =	sshll.u32 s1, $0xD;
	s1 =	sshrl.u32 s1, $0x2  }
0xba: {  	s3 =	sand.u32 $0x4000, s31;
	s1 =	sadd.s32 s1, s30  }
0xbb: {  	s0 =	sor.u32 s3, s0;
	s1 =	sshll.u32 s1, $0x11  }
0xbc: {  	s0 =	sor.u32 s1, s0  }
0xbd: {  	s0 =	sadd.s32 $0x8F2B, s0  }
0xbe: {  	[sflag:s0] =	ssyncadd.remote.s32 $0x1  }
0xbf: {  	_ =	sfence.sel $0xFFFF  }
0xc0: {  	[dreg:$0x0] =	wrdreg $0xFFFFFFFF;
	(pc) =	sbr.abs _section_cstart, $3  }
0xc1: {  	[dreg:$0x1] =	wrdreg $0xFFFFFFFF  }
0xc2: {  	_ =	task.clear_ibuf [dreg:s7], $0x2FFFF;
	_ =	strace $0x9FFFFFFF  }
0xc3: {  	(tm) =	ssettm $0x7FFFFFFF  }
tec
execute0_lowered:
.L_overlay_start_1:
0x0: {  	(tag) =	ssettag $0x1  }
0x1: {  	s0 =	rddreg [dreg:$0x0];
	s1 =	srdreg.scid  }
0x2: {  	s14 =	stileid.u32;
	s6 =	rddreg [dreg:$0x1]  }
0x3: {  	s2 =	rddreg [dreg:$0x2];
	s15 =	simm.s32 $0x5000;
	s16 =	simm.s32 $0x5800  }
0x4: {  	s18 =	simm.s32 $0x6000;
	s20 =	simm.s32 $0x6800;
	s21 =	simm.s32 $0x40  }
0x5: {  	s22 =	simm.s32 $0x7000;
	s23 =	simm.s32 $0x50;
	s24 =	simm.s32 $0x7800  }
0x6: {  	s28 =	simm.s32 $0x70;
	s29 =	simm.s32 $0x8800;
	s30 =	simm.s32 $0x1  }
0x7: {  	s31 =	simm.s32 $0x0;
	s1 =	sand.u32 $0x1, s1;
	s9 =	smul.u32 $0x2780, s14  }
0x8: {  	s3 =	sshll.u32 s14, $0x1;
	s10 =	sadd.s32 $0x33E00, s0;
	s13 =	smul.u32 $0x4F000, s14  }
0x9: {  	s26 =	sshll.u32 s14, $0x6;
	s14 =	simm.s32 $0x10;
	s4 =	sor.u32 s1, s3  }
0xa: {  	s3 =	simm.s32 $0x0;
	s5 =	smul.u32 $0x27800, s1;
	s11 =	ssub.s32 $0x2, s1  }
0xb: {  	p0 =	seq.s32 s1, $0x1;
	s7 =	smul.u32 $0x500, s4;
	[smem:$0x7FF] =	sst s3  }
0xc: {  	s4 =	sadd.s32 $0xC600, s0;
	s12 =	sshrl.u32 s11, $0x1;
	s25 =	sshrl.u32 s13, $0x2  }
0xd: {  	_ =	strace $0x8000004D;
	s5 =	sadd.s32 s9, s5;
	s11 =	ssub.s32 s11, s12  }
0xe: {  	s12 =	smov.u32 s4;
	s1 =	sadd.s32 s25, s2;
	s25 =	simm.s32 $0x60  }
0xf: {  	s8 =	sadd.s32 s7, s0;
	s0 =	sadd.s32 s5, s0;
	s6 =	sadd.s32 s6, s7  }
0x10: {  	s12 =	smov.u32 @p0 s10;
	s10 =	simm.s32 $0x2;
	s13 =	sshrl.u32 s1, $0x3  }
0x11: {  	s5 =	sadd.s32 $0x2600, s8;
	s7 =	sadd.s32 $0x5B600, s0;
	s8 =	smax.u32 s11, $0x1  }
0x12: {  	s9 =	sadd.s32 s12, s9;
	s12 =	sor.u32 $0x1C02, s26;
	s26 =	simm.s32 $0x8000  }
.LBB2_1:
0x13: {  	[tilespmem:s3], [sflag:$0x2] =	stream.linear.gather [hbm4b:s5+s3], $0x2800, $0x38;
	[tilespmem:$0x1CC00] =	vst v63  }
0x14: {  	_ =	swait.ge [sflag:s10], $0x2800  }
0x15: {  	[sflag:s10] =	ssyncset.done $0x0  }
0x16: {  	s0 =	simm.s32 $0x2800;
	[sflag:s10] =	ssyncadd.s32 $0xFFFFD800  }
0x17: {  	[tilespmem:s0], [sflag:$0x2] =	stream.linear.gather [hbm4b:s6+s3], $0x2800, $0x38;
	[tilespmem:$0x1CC00] =	vst v63  }
0x18: {  	_ =	swait.ge [sflag:s10], $0x2800  }
0x19: {  	[sflag:s10] =	ssyncset.done $0x0  }
0x1a: {  	[sflag:s10] =	ssyncadd.s32 $0xFFFFD800  }
0x1b: {  	[spmem:s13], [sflag:s12] =	dma.local [hbm:s9], $0x2780  }
0x1c: {  	_ =	swait.ge [sflag:s10], $0x2780  }
0x1d: {  	[sflag:s10] =	ssyncset.done $0x0  }
0x1e: {  	[sflag:s10] =	ssyncadd.s32 $0xFFFFD880  }
0x1f: {  	[bflag:$0x0] =	sbarrier.arrive $0xFFFF  }
0x20: {  	[tilespmem:s15], [sflag:$0x1] =	stream.indirect.gather [hbm4b:s4+s14], $0x80, s3, s14, $0xb8;
	[tilespmem:$0x1CC00] =	vst v63  }
0x21: {  	_ = 	snop  }
0x22: {  	[tilespmem:s16], [sflag:$0x1] =	stream.indirect.gather [hbm4b:s4+s14], $0x80, s14, s14, $0xb8;
	[tilespmem:$0x1CC00] =	vst v63  }
0x23: {  	s11 =	simm.s32 $0x20  }
0x24: {  	[tilespmem:s18], [sflag:$0x1] =	stream.indirect.gather [hbm4b:s4+s14], $0x80, s11, s14, $0xb8;
	[tilespmem:$0x1CC00] =	vst v63  }
0x25: {  	s17 =	simm.s32 $0x30  }
0x26: {  	[tilespmem:s20], [sflag:$0x1] =	stream.indirect.gather [hbm4b:s4+s14], $0x80, s17, s14, $0xb8;
	[tilespmem:$0x1CC00] =	vst v63  }
0x27: {  	_ = 	snop  }
0x28: {  	[tilespmem:s22], [sflag:$0x1] =	stream.indirect.gather [hbm4b:s4+s14], $0x80, s21, s14, $0xb8;
	[tilespmem:$0x1CC00] =	vst v63  }
0x29: {  	_ = 	snop  }
0x2a: {  	[tilespmem:s24], [sflag:$0x1] =	stream.indirect.gather [hbm4b:s4+s14], $0x80, s23, s14, $0xb8;
	[tilespmem:$0x1CC00] =	vst v63  }
0x2b: {  	_ = 	snop  }
0x2c: {  	[tilespmem:s26], [sflag:$0x1] =	stream.indirect.gather [hbm4b:s4+s14], $0x80, s25, s14, $0xb8;
	[tilespmem:$0x1CC00] =	vst v63  }
0x2d: {  	_ = 	snop  }
0x2e: {  	[tilespmem:s29], [sflag:$0x1] =	stream.indirect.gather [hbm4b:s4+s14], $0x80, s28, s14, $0xb8;
	[tilespmem:$0x1CC00] =	vst v63  }
0x2f: {  	_ =	swait.ge [sflag:s30], $0x800  }
0x30: {  	[sflag:s30] =	ssyncset.done $0x0  }
0x31: {  	s19 =	simm.s32 $0x2800;
	[sflag:s30] =	ssyncadd.s32 $0xFFFFF800  }
0x32: {  	[spmem:s2] =	stream.indirect.scatter.add.f32 [tilespmem:s15], [sflag:$0x2], $0x80, s19, s14, $0xb8;
	[tilespmem:$0x1CC00] =	vst v63  }
0x33: {  	_ =	swait.ge [sflag:s10], $0x800  }
0x34: {  	s1 =	smin.u32 s30, $0x4F;
	[sflag:s10] =	ssyncset.done $0x0  }
0x35: {  	s0 =	sshll.u32 s1, $0x7;
	[sflag:s10] =	ssyncadd.s32 $0xFFFFF800  }
0x36: {  	[tilespmem:s15], [sflag:$0x1] =	stream.indirect.gather [hbm4b:s4+s14], $0x80, s0, s14, $0xb8;
	[tilespmem:$0x1CC00] =	vst v63  }
0x37: {  	_ =	swait.ge [sflag:s30], $0x800  }
0x38: {  	[sflag:s30] =	ssyncset.done $0x0  }
0x39: {  	s1 =	simm.s32 $0x2810;
	[sflag:s30] =	ssyncadd.s32 $0xFFFFF800  }
0x3a: {  	[spmem:s2] =	stream.indirect.scatter.add.f32 [tilespmem:s16], [sflag:$0x2], $0x80, s1, s14, $0xb8;
	[tilespmem:$0x1CC00] =	vst v63  }
0x3b: {  	_ =	swait.ge [sflag:s10], $0x800  }
0x3c: {  	[sflag:s10] =	ssyncset.done $0x0  }
0x3d: {  	s11 =	sor.u32 $0x10, s0;
	[sflag:s10] =	ssyncadd.s32 $0xFFFFF800  }
0x3e: {  	[tilespmem:s16], [sflag:$0x1] =	stream.indirect.gather [hbm4b:s4+s14], $0x80, s11, s14, $0xb8;
	[tilespmem:$0x1CC00] =	vst v63  }
0x3f: {  	_ =	swait.ge [sflag:s30], $0x800  }
0x40: {  	[sflag:s30] =	ssyncset.done $0x0  }
0x41: {  	s17 =	simm.s32 $0x2820;
	[sflag:s30] =	ssyncadd.s32 $0xFFFFF800  }
0x42: {  	[spmem:s2] =	stream.indirect.scatter.add.f32 [tilespmem:s18], [sflag:$0x2], $0x80, s17, s14, $0xb8;
	[tilespmem:$0x1CC00] =	vst v63  }
0x43: {  	_ =	swait.ge [sflag:s10], $0x800  }
0x44: {  	[sflag:s10] =	ssyncset.done $0x0  }
0x45: {  	s19 =	sor.u32 $0x20, s0;
	[sflag:s10] =	ssyncadd.s32 $0xFFFFF800  }
0x46: {  	[tilespmem:s18], [sflag:$0x1] =	stream.indirect.gather [hbm4b:s4+s14], $0x80, s19, s14, $0xb8;
	[tilespmem:$0x1CC00] =	vst v63  }
0x47: {  	_ =	swait.ge [sflag:s30], $0x800  }
0x48: {  	[sflag:s30] =	ssyncset.done $0x0  }
0x49: {  	s11 =	simm.s32 $0x2830;
	[sflag:s30] =	ssyncadd.s32 $0xFFFFF800  }
0x4a: {  	[spmem:s2] =	stream.indirect.scatter.add.f32 [tilespmem:s20], [sflag:$0x2], $0x80, s11, s14, $0xb8;
	[tilespmem:$0x1CC00] =	vst v63  }
0x4b: {  	_ =	swait.ge [sflag:s10], $0x800  }
0x4c: {  	[sflag:s10] =	ssyncset.done $0x0  }
0x4d: {  	s17 =	sor.u32 $0x30, s0;
	[sflag:s10] =	ssyncadd.s32 $0xFFFFF800  }
0x4e: {  	[tilespmem:s20], [sflag:$0x1] =	stream.indirect.gather [hbm4b:s4+s14], $0x80, s17, s14, $0xb8;
	[tilespmem:$0x1CC00] =	vst v63  }
0x4f: {  	_ =	swait.ge [sflag:s30], $0x800  }
0x50: {  	[sflag:s30] =	ssyncset.done $0x0  }
0x51: {  	s19 =	simm.s32 $0x2840;
	[sflag:s30] =	ssyncadd.s32 $0xFFFFF800  }
0x52: {  	[spmem:s2] =	stream.indirect.scatter.add.f32 [tilespmem:s22], [sflag:$0x2], $0x80, s19, s14, $0xb8;
	[tilespmem:$0x1CC00] =	vst v63  }
0x53: {  	_ =	swait.ge [sflag:s10], $0x800  }
0x54: {  	[sflag:s10] =	ssyncset.done $0x0  }
0x55: {  	s11 =	sor.u32 $0x40, s0;
	[sflag:s10] =	ssyncadd.s32 $0xFFFFF800  }
0x56: {  	[tilespmem:s22], [sflag:$0x1] =	stream.indirect.gather [hbm4b:s4+s14], $0x80, s11, s14, $0xb8;
	[tilespmem:$0x1CC00] =	vst v63  }
0x57: {  	_ =	swait.ge [sflag:s30], $0x800  }
0x58: {  	[sflag:s30] =	ssyncset.done $0x0  }
0x59: {  	s17 =	simm.s32 $0x2850;
	[sflag:s30] =	ssyncadd.s32 $0xFFFFF800  }
0x5a: {  	[spmem:s2] =	stream.indirect.scatter.add.f32 [tilespmem:s24], [sflag:$0x2], $0x80, s17, s14, $0xb8;
	[tilespmem:$0x1CC00] =	vst v63  }
0x5b: {  	_ =	swait.ge [sflag:s10], $0x800  }
0x5c: {  	[sflag:s10] =	ssyncset.done $0x0  }
0x5d: {  	s19 =	sor.u32 $0x50, s0;
	[sflag:s10] =	ssyncadd.s32 $0xFFFFF800  }
0x5e: {  	[tilespmem:s24], [sflag:$0x1] =	stream.indirect.gather [hbm4b:s4+s14], $0x80, s19, s14, $0xb8;
	[tilespmem:$0x1CC00] =	vst v63  }
0x5f: {  	_ =	swait.ge [sflag:s30], $0x800  }
0x60: {  	[sflag:s30] =	ssyncset.done $0x0  }
0x61: {  	s11 =	simm.s32 $0x2860;
	[sflag:s30] =	ssyncadd.s32 $0xFFFFF800  }
0x62: {  	[spmem:s2] =	stream.indirect.scatter.add.f32 [tilespmem:s26], [sflag:$0x2], $0x80, s11, s14, $0xb8;
	[tilespmem:$0x1CC00] =	vst v63  }
0x63: {  	_ =	swait.ge [sflag:s10], $0x800  }
0x64: {  	[sflag:s10] =	ssyncset.done $0x0  }
0x65: {  	s17 =	sor.u32 $0x60, s0;
	[sflag:s10] =	ssyncadd.s32 $0xFFFFF800  }
0x66: {  	[tilespmem:s26], [sflag:$0x1] =	stream.indirect.gather [hbm4b:s4+s14], $0x80, s17, s14, $0xb8;
	[tilespmem:$0x1CC00] =	vst v63  }
0x67: {  	_ =	swait.ge [sflag:s30], $0x800  }
0x68: {  	[sflag:s30] =	ssyncset.done $0x0  }
0x69: {  	s19 =	simm.s32 $0x2870;
	[sflag:s30] =	ssyncadd.s32 $0xFFFFF800  }
0x6a: {  	[spmem:s2] =	stream.indirect.scatter.add.f32 [tilespmem:s29], [sflag:$0x2], $0x80, s19, s14, $0xb8;
	[tilespmem:$0x1CC00] =	vst v63  }
0x6b: {  	_ =	swait.ge [sflag:s10], $0x800  }
0x6c: {  	s1 =	simm.s32 $0x200;
	[sflag:s10] =	ssyncset.done $0x0  }
0x6d: {  	s11 =	sor.u32 $0x70, s0;
	s0 =	simm.s32 $0x2;
	[sflag:s10] =	ssyncadd.s32 $0xFFFFF800  }
.LBB2_2:
0x6e: {  	[tilespmem:s29], [sflag:$0x1] =	stream.indirect.gather [hbm4b:s4+s14], $0x80, s11, s14, $0xb8;
	[tilespmem:$0x1CC00] =	vst v63  }
0x6f: {  	s11 =	smov.u32 s1  }
0x70: {  	p0 =	sne.s32 s1, $0x9E00;
	s1 =	sadd.s32 $0x200, s1;
	_ =	swait.ge [sflag:s30], $0x800  }
0x71: {  	s11 =	sshra.s32 s11, $0x2;
	[sflag:s30] =	ssyncset.done $0x0  }
0x72: {  	s17 =	sadd.s32 $0x2800, s11;
	[sflag:s30] =	ssyncadd.s32 $0xFFFFF800  }
0x73: {  	[spmem:s2] =	stream.indirect.scatter.add.f32 [tilespmem:s15], [sflag:$0x2], $0x80, s17, s14, $0xb8;
	[tilespmem:$0x1CC00] =	vst v63  }
0x74: {  	_ =	swait.ge [sflag:s10], $0x800  }
0x75: {  	s17 =	smin.u32 s0, $0x4F;
	[sflag:s10] =	ssyncset.done $0x0  }
0x76: {  	s17 =	sshll.u32 s17, $0x7;
	[sflag:s10] =	ssyncadd.s32 $0xFFFFF800  }
0x77: {  	[tilespmem:s15], [sflag:$0x1] =	stream.indirect.gather [hbm4b:s4+s14], $0x80, s17, s14, $0xb8;
	[tilespmem:$0x1CC00] =	vst v63  }
0x78: {  	_ =	swait.ge [sflag:s30], $0x800  }
0x79: {  	[sflag:s30] =	ssyncset.done $0x0  }
0x7a: {  	s19 =	sadd.s32 $0x2810, s11;
	[sflag:s30] =	ssyncadd.s32 $0xFFFFF800  }
0x7b: {  	[spmem:s2] =	stream.indirect.scatter.add.f32 [tilespmem:s16], [sflag:$0x2], $0x80, s19, s14, $0xb8;
	[tilespmem:$0x1CC00] =	vst v63  }
0x7c: {  	_ =	swait.ge [sflag:s10], $0x800  }
0x7d: {  	[sflag:s10] =	ssyncset.done $0x0  }
0x7e: {  	s19 =	sor.u32 $0x10, s17;
	[sflag:s10] =	ssyncadd.s32 $0xFFFFF800  }
0x7f: {  	[tilespmem:s16], [sflag:$0x1] =	stream.indirect.gather [hbm4b:s4+s14], $0x80, s19, s14, $0xb8;
	[tilespmem:$0x1CC00] =	vst v63  }
0x80: {  	_ =	swait.ge [sflag:s30], $0x800  }
0x81: {  	[sflag:s30] =	ssyncset.done $0x0  }
0x82: {  	s19 =	sadd.s32 $0x2820, s11;
	[sflag:s30] =	ssyncadd.s32 $0xFFFFF800  }
0x83: {  	[spmem:s2] =	stream.indirect.scatter.add.f32 [tilespmem:s18], [sflag:$0x2], $0x80, s19, s14, $0xb8;
	[tilespmem:$0x1CC00] =	vst v63  }
0x84: {  	_ =	swait.ge [sflag:s10], $0x800  }
0x85: {  	[sflag:s10] =	ssyncset.done $0x0  }
0x86: {  	s19 =	sor.u32 $0x20, s17;
	[sflag:s10] =	ssyncadd.s32 $0xFFFFF800  }
0x87: {  	[tilespmem:s18], [sflag:$0x1] =	stream.indirect.gather [hbm4b:s4+s14], $0x80, s19, s14, $0xb8;
	[tilespmem:$0x1CC00] =	vst v63  }
0x88: {  	_ =	swait.ge [sflag:s30], $0x800  }
0x89: {  	[sflag:s30] =	ssyncset.done $0x0  }
0x8a: {  	s19 =	sadd.s32 $0x2830, s11;
	[sflag:s30] =	ssyncadd.s32 $0xFFFFF800  }
0x8b: {  	[spmem:s2] =	stream.indirect.scatter.add.f32 [tilespmem:s20], [sflag:$0x2], $0x80, s19, s14, $0xb8;
	[tilespmem:$0x1CC00] =	vst v63  }
0x8c: {  	_ =	swait.ge [sflag:s10], $0x800  }
0x8d: {  	[sflag:s10] =	ssyncset.done $0x0  }
0x8e: {  	s19 =	sor.u32 $0x30, s17;
	[sflag:s10] =	ssyncadd.s32 $0xFFFFF800  }
0x8f: {  	[tilespmem:s20], [sflag:$0x1] =	stream.indirect.gather [hbm4b:s4+s14], $0x80, s19, s14, $0xb8;
	[tilespmem:$0x1CC00] =	vst v63  }
0x90: {  	_ =	swait.ge [sflag:s30], $0x800  }
0x91: {  	[sflag:s30] =	ssyncset.done $0x0  }
0x92: {  	s19 =	sadd.s32 $0x2840, s11;
	[sflag:s30] =	ssyncadd.s32 $0xFFFFF800  }
0x93: {  	[spmem:s2] =	stream.indirect.scatter.add.f32 [tilespmem:s22], [sflag:$0x2], $0x80, s19, s14, $0xb8;
	[tilespmem:$0x1CC00] =	vst v63  }
0x94: {  	_ =	swait.ge [sflag:s10], $0x800  }
0x95: {  	[sflag:s10] =	ssyncset.done $0x0  }
0x96: {  	s19 =	sor.u32 $0x40, s17;
	[sflag:s10] =	ssyncadd.s32 $0xFFFFF800  }
0x97: {  	[tilespmem:s22], [sflag:$0x1] =	stream.indirect.gather [hbm4b:s4+s14], $0x80, s19, s14, $0xb8;
	[tilespmem:$0x1CC00] =	vst v63  }
0x98: {  	_ =	swait.ge [sflag:s30], $0x800  }
0x99: {  	[sflag:s30] =	ssyncset.done $0x0  }
0x9a: {  	s19 =	sadd.s32 $0x2850, s11;
	[sflag:s30] =	ssyncadd.s32 $0xFFFFF800  }
0x9b: {  	[spmem:s2] =	stream.indirect.scatter.add.f32 [tilespmem:s24], [sflag:$0x2], $0x80, s19, s14, $0xb8;
	[tilespmem:$0x1CC00] =	vst v63  }
0x9c: {  	_ =	swait.ge [sflag:s10], $0x800  }
0x9d: {  	[sflag:s10] =	ssyncset.done $0x0  }
0x9e: {  	s19 =	sor.u32 $0x50, s17;
	[sflag:s10] =	ssyncadd.s32 $0xFFFFF800  }
0x9f: {  	[tilespmem:s24], [sflag:$0x1] =	stream.indirect.gather [hbm4b:s4+s14], $0x80, s19, s14, $0xb8;
	[tilespmem:$0x1CC00] =	vst v63  }
0xa0: {  	_ =	swait.ge [sflag:s30], $0x800  }
0xa1: {  	[sflag:s30] =	ssyncset.done $0x0  }
0xa2: {  	s19 =	sadd.s32 $0x2860, s11;
	[sflag:s30] =	ssyncadd.s32 $0xFFFFF800  }
0xa3: {  	[spmem:s2] =	stream.indirect.scatter.add.f32 [tilespmem:s26], [sflag:$0x2], $0x80, s19, s14, $0xb8;
	[tilespmem:$0x1CC00] =	vst v63  }
0xa4: {  	_ =	swait.ge [sflag:s10], $0x800  }
0xa5: {  	[sflag:s10] =	ssyncset.done $0x0  }
0xa6: {  	s19 =	sor.u32 $0x60, s17;
	[sflag:s10] =	ssyncadd.s32 $0xFFFFF800  }
0xa7: {  	[tilespmem:s26], [sflag:$0x1] =	stream.indirect.gather [hbm4b:s4+s14], $0x80, s19, s14, $0xb8;
	[tilespmem:$0x1CC00] =	vst v63  }
0xa8: {  	_ =	swait.ge [sflag:s30], $0x800  }
0xa9: {  	[sflag:s30] =	ssyncset.done $0x0  }
.Ltmp0:
0xaa: {  	s11 =	sadd.s32 $0x2870, s11;
	[sflag:s30] =	ssyncadd.s32 $0xFFFFF800;
	(pc) =	sbr.rel @p0 .LBB2_2-.Ltmp0, $4  }
0xab: {  	[spmem:s2] =	stream.indirect.scatter.add.f32 [tilespmem:s29], [sflag:$0x2], $0x80, s11, s14, $0xb8;
	[tilespmem:$0x1CC00] =	vst v63  }
0xac: {  	_ =	swait.ge [sflag:s10], $0x800  }
0xad: {  	[sflag:s10] =	ssyncset.done $0x0  }
0xae: {  	s0 =	sadd.s32 $0x1, s0;
	s11 =	sor.u32 $0x70, s17;
	[sflag:s10] =	ssyncadd.s32 $0xFFFFF800  }
0xaf: {  	[tilespmem:s29], [sflag:$0x1] =	stream.indirect.gather [hbm4b:s4+s14], $0x80, s11, s14, $0xb8;
	[tilespmem:$0x1CC00] =	vst v63  }
0xb0: {  	_ =	swait.ge [sflag:s30], $0x800  }
0xb1: {  	[sflag:s30] =	ssyncset.done $0x0  }
0xb2: {  	[sflag:s30] =	ssyncadd.s32 $0xFFFFF800  }
0xb3: {  	_ =	swait.ge [sflag:s30], $0x800  }
0xb4: {  	[sflag:s30] =	ssyncset.done $0x0  }
0xb5: {  	[sflag:s30] =	ssyncadd.s32 $0xFFFFF800  }
0xb6: {  	_ =	swait.ge [sflag:s30], $0x800  }
0xb7: {  	[sflag:s30] =	ssyncset.done $0x0  }
0xb8: {  	[sflag:s30] =	ssyncadd.s32 $0xFFFFF800  }
0xb9: {  	_ =	swait.ge [sflag:s30], $0x800  }
0xba: {  	[sflag:s30] =	ssyncset.done $0x0  }
0xbb: {  	[sflag:s30] =	ssyncadd.s32 $0xFFFFF800  }
0xbc: {  	_ =	swait.ge [sflag:s30], $0x800  }
0xbd: {  	[sflag:s30] =	ssyncset.done $0x0  }
0xbe: {  	[sflag:s30] =	ssyncadd.s32 $0xFFFFF800  }
0xbf: {  	_ =	swait.ge [sflag:s30], $0x800  }
0xc0: {  	[sflag:s30] =	ssyncset.done $0x0  }
0xc1: {  	[sflag:s30] =	ssyncadd.s32 $0xFFFFF800  }
0xc2: {  	_ =	swait.ge [sflag:s30], $0x800  }
0xc3: {  	[sflag:s30] =	ssyncset.done $0x0  }
0xc4: {  	[sflag:s30] =	ssyncadd.s32 $0xFFFFF800  }
0xc5: {  	_ =	swait.ge [sflag:s30], $0x800  }
0xc6: {  	s31 =	sadd.s32 $0x1, s31;
	[sflag:s30] =	ssyncset.done $0x0  }
0xc7: {  	p0 =	sne.s32 s31, s8;
	[sflag:s30] =	ssyncadd.s32 $0xFFFFF800  }
.Ltmp1:
0xc8: {  	[bflag:$0x0] =	sbarrier.arrive $0xFFFF;
	(pc) =	sbr.rel @p0 .LBB2_1-.Ltmp1, $4  }
0xc9: {  	[hbm:s7], [sflag:s12] =	dma.local [spmem:s13], $0x2780  }
0xca: {  	_ =	swait.ge [sflag:s10], $0x2780  }
0xcb: {  	[sflag:s10] =	ssyncset.done $0x0  }
0xcc: {  	[sflag:s10] =	ssyncadd.s32 $0xFFFFD880  }
0xcd: {  	_ =	sfence.sel $0x180000  }
0xce: {  	[bflag:$0x0] =	sbarrier.arrive $0xFFFF  }
0xcf: {  	_ =	strace $0x9000004D  }
0xd0: {  	s0 =	stileid.u32;
	[bflag:$0x2] =	sbarrier.arrive $0xFFFF  }
0xd1: {  	p0 =	sne.s32 s0, $0x0;
	s0 =	rddreg [dreg:$0x3]  }
0xd2: {  	s0 =	sadd.s32 @!p0 $0x100000, s0  }
0xd3: {  	[sflag:s0] =	ssyncadd.tile.s32 @!p0 $0x1;
	_ =	shalt  }
.Lfunc_end2:
_tile_overlayer_lowered:
.L_overlay_start_2:
0xd4: {  	(tag) =	ssettag $0x2  }
0xd5: {  	s0 =	rddreg [dreg:$0x0];
	s2 =	stileid.u32  }
0xd6: {  	s1 =	rddreg [dreg:$0x1];
	p0 =	sne.s32 s2, $0x0  }
0xd7: {  	s3 =	rddreg [dreg:$0x2];
	[bflag:$0x3] =	sbarrier.arrive $0xFFFF;
	s2 =	simm.s32 @!p0 $0x1C02  }
0xd8: {  	[timem:s3], [sflag:s2] =	dma.local @!p0 [hbm:s0], s1  }
0xd9: {  	s0 =	simm.s32 @!p0 $0x2  }
0xda: {  	_ =	swait.ge @!p0 [sflag:s0], s1  }
0xdb: {  	s1 =	ssub.s32 @!p0 $0x0, s1;
	[sflag:s0] =	ssyncset.done @!p0 $0x0  }
0xdc: {  	[sflag:s0] =	ssyncadd.s32 @!p0 s1  }
0xdd: {  	[bflag:$0x3] =	sbarrier.arrive $0xFFFF  }
0xde: {  	_ =	shalt  }

// kernel: kernel.9.cloned.1.call-start
scs
__scs_entry_jumppad:
0x0: {  	(pc) =	sbr.rel $0x88, $3  }
0x1: {  	(tag) =	ssettag $0x0;
	lr =	simm.s32 $0x1  }
0x2: {  	[smem:$0x3F97] =	sst lr;
	_ =	strace $0xD0000000  }
0x3: {  	_ = 	snop  }
0x4: {  	_ = 	snop  }
0x5: {  	_ = 	snop  }
0x6: {  	_ = 	snop  }
0x7: {  	_ = 	snop  }
__scs_overlays_trampoline_lowered:
0x8: {  	[smem:$0x3FA6] =	sst s0  }
0x9: {  	[smem:$0x3FA7] =	sst s1  }
0xa: {  	[smem:$0x3FA8] =	sst s2  }
0xb: {  	[smem:$0x3FA9] =	sst s3  }
0xc: {  	[smem:$0x3FAA] =	sst s4  }
0xd: {  	[smem:$0x3FAB] =	sst s5  }
0xe: {  	[smem:$0x3FAC] =	sst s6  }
0xf: {  	[smem:$0x3FAD] =	sst s7  }
0x10: {  	[smem:$0x3FAE] =	sst s8  }
0x11: {  	[smem:$0x3FAF] =	sst s9;
	s0 =	simm.s32 @!p0 $0x0  }
0x12: {  	s1 =	sld [smem:$0x3F95];
	s0 =	simm.s32 @p0 $0x1  }
0x13: {  	[smem:$0x3FB0] =	sst s0;
	s0 =	simm.s32 @!p1 $0x0  }
0x14: {  	s2 =	sld [smem:$0x3F94];
	s0 =	simm.s32 @p1 $0x1  }
0x15: {  	[smem:$0x3FB1] =	sst s0;
	s0 =	simm.s32 @!p2 $0x0  }
0x16: {  	s3 =	sld [smem:$0x3FDB];
	s0 =	simm.s32 @p2 $0x1  }
0x17: {  	s4 =	simm.s32 $0x1BF5;
	[smem:$0x3FB3] =	sst s0  }
0x18: {  	s0 =	sld [smem:$0x3F96];
	_ =	swait.ge [sflag:s4], $0x0  }
0x19: {  	s7 =	sld [smem:$0x3F97]  }
0x1a: {  	s8 =	sadd.s32 $0xFFFFE003, lr  }
0x1b: {  	s9 =	sadd.s32 $0xFFFFFEF7, lr;
	s5 =	simm.s32 $0xFFFFFFFF;
	p2 =	slt.u32 s8, $0xFFFFF086  }
0x1c: {  	p1 =	slt.u32 s9, $0xF7A;
	s5 =	simm.s32 @!p2 $0x0  }
0x1d: {  	s5 =	simm.s32 @p1 $0x1;
	p0 =	seq.s32 s7, s2  }
0x1e: {  	s7 =	smul.u32 @!p0 $0xF7A, s2;
	p2 =	seq.s32 @!p0 s5, $0x0  }
0x1f: {  	s9 =	smul.u32 $0xF7A, s1;
	s8 =	simm.s32 @!p0 $0x1BF5;
	p2 =	por !p2, p0  }
0x20: {  	[sflag:s8] =	ssyncset.s32 @!p0 $0xFFFFF086;
	s6 =	sadd.s32 @!p0 s3, s7;
	s7 =	simm.s32 @!p0 $0x108  }
0x21: {  	s3 =	sadd.s32 s3, s9;
	s6 =	sadd.s32 @!p0 $0x88, s6;
	s7 =	simm.s32 @p2 $0x1082  }
0x22: {  	[simem:s7], [sflag:s8] =	dma.local @!p0 [hbm:s6], $0xF7A  }
0x23: {  	s9 =	sor.u32 $0xD0000000, s2;
	s6 =	simm.s32 $0x108;
	_ =	swait.ge @!p0 [sflag:s8], $0x0  }
0x24: {  	s3 =	sadd.s32 $0x88, s3;
	s6 =	simm.s32 @!p1 $0x1082;
	[sflag:s4] =	ssyncset.s32 $0xFFFFF086  }
0x25: {  	[simem:s6], [sflag:s4] =	dma.local [hbm:s3], $0xF7A  }
0x26: {  	[smem:$0x3F97] =	sst s1;
	(tag) =	ssettag s2;
	_ =	strace s9  }
0x27: {  	s1 =	sld [smem:$0x3FA7]  }
0x28: {  	s2 =	sld [smem:$0x3FA8]  }
0x29: {  	s4 =	sld [smem:$0x3FAA]  }
0x2a: {  	p0 =	seq.s32 s5, $0x0;
	s5 =	sld [smem:$0x3FAB]  }
0x2b: {  	s6 =	sld [smem:$0x3FAC]  }
0x2c: {  	s7 =	sld [smem:$0x3FAD]  }
0x2d: {  	s3 =	simm.s32 $0x108;
	s8 =	sld [smem:$0x3FAE]  }
0x2e: {  	s3 =	simm.s32 @!p0 $0x1082;
	s9 =	sld [smem:$0x3FAF]  }
0x2f: {  	lr =	sadd.s32 s0, s3;
	s0 =	sld [smem:$0x3FA6]  }
0x30: {  	s3 =	sld [smem:$0x3FA9]  }
0x31: {  	[smem:$0x3FB2] =	sst s10  }
0x32: {  	s10 =	sld [smem:$0x3FB0];
	_ =	sdelay $0x3  }
0x33: {  	p0 =	seq.s32 s10, $0x1;
	s10 =	sld [smem:$0x3FB2];
	_ =	sdelay $0x3  }
0x34: {  	[smem:$0x3FB2] =	sst s10  }
0x35: {  	s10 =	sld [smem:$0x3FB1];
	_ =	sdelay $0x3  }
0x36: {  	p1 =	seq.s32 s10, $0x1;
	s10 =	sld [smem:$0x3FB2];
	_ =	sdelay $0x3  }
0x37: {  	[smem:$0x3FB2] =	sst s10  }
0x38: {  	s10 =	sld [smem:$0x3FB3]  }
0x39: {  	_ = 	snop;
	(pc) =	sbr.ind lr, $3  }
0x3a: {  	_ = 	snop  }
0x3b: {  	_ = 	snop  }
0x3c: {  	p2 =	seq.s32 s10, $0x1;
	s10 =	sld [smem:$0x3FB2]  }
0x3d: {  	_ =	shalt  }
0x3e: {  	_ =	shalt  }
0x3f: {  	_ =	shalt  }
0x40: {  	_ =	shalt  }
0x41: {  	_ =	shalt  }
0x42: {  	_ =	shalt  }
0x43: {  	_ =	shalt  }
0x44: {  	_ =	shalt  }
0x45: {  	_ =	shalt  }
0x46: {  	_ =	shalt  }
0x47: {  	_ =	shalt  }
0x48: {  	_ =	shalt  }
0x49: {  	_ =	shalt  }
0x4a: {  	_ =	shalt  }
0x4b: {  	_ =	shalt  }
0x4c: {  	_ =	shalt  }
0x4d: {  	_ =	shalt  }
0x4e: {  	_ =	shalt  }
0x4f: {  	_ =	shalt  }
0x50: {  	_ =	shalt  }
0x51: {  	_ =	shalt  }
0x52: {  	_ =	shalt  }
0x53: {  	_ =	shalt  }
0x54: {  	_ =	shalt  }
0x55: {  	_ =	shalt  }
0x56: {  	_ =	shalt  }
0x57: {  	_ =	shalt  }
0x58: {  	_ =	shalt  }
0x59: {  	_ =	shalt  }
0x5a: {  	_ =	shalt  }
0x5b: {  	_ =	shalt  }
0x5c: {  	_ =	shalt  }
0x5d: {  	_ =	shalt  }
0x5e: {  	_ =	shalt  }
0x5f: {  	_ =	shalt  }
0x60: {  	_ =	shalt  }
0x61: {  	_ =	shalt  }
0x62: {  	_ =	shalt  }
0x63: {  	_ =	shalt  }
0x64: {  	_ =	shalt  }
0x65: {  	_ =	shalt  }
0x66: {  	_ =	shalt  }
0x67: {  	_ =	shalt  }
0x68: {  	_ =	shalt  }
0x69: {  	_ =	shalt  }
0x6a: {  	_ =	shalt  }
0x6b: {  	_ =	shalt  }
0x6c: {  	_ =	shalt  }
0x6d: {  	_ =	shalt  }
0x6e: {  	_ =	shalt  }
0x6f: {  	_ =	shalt  }
0x70: {  	_ =	shalt  }
0x71: {  	_ =	shalt  }
0x72: {  	_ =	shalt  }
0x73: {  	_ =	shalt  }
0x74: {  	_ =	shalt  }
0x75: {  	_ =	shalt  }
0x76: {  	_ =	shalt  }
0x77: {  	_ =	shalt  }
0x78: {  	_ =	shalt  }
0x79: {  	_ =	shalt  }
0x7a: {  	_ =	shalt  }
0x7b: {  	_ =	shalt  }
0x7c: {  	_ =	shalt  }
0x7d: {  	_ =	shalt  }
0x7e: {  	_ =	shalt  }
0x7f: {  	_ =	shalt  }
0x80: {  	_ =	shalt  }
0x81: {  	_ =	shalt  }
0x82: {  	_ =	shalt  }
0x83: {  	_ =	shalt  }
0x84: {  	_ =	shalt  }
0x85: {  	_ =	shalt  }
0x86: {  	_ =	shalt  }
0x87: {  	_ =	shalt  }
.Lfunc_end0:
.L_simem_size_0:
called_computation_lowered:
.L_overlay_start_0:
0x88: {  	s2 =	sld [smem:$0x3FD9]  }
0x89: {  	s3 =	sld [smem:$0x3FFE];
	_ =	sdelay $0x1  }
0x8a: {  	s1 =	srdreg.scid  }
0x8b: {  	s0 =	sand.u32 $0x1, s1  }
0x8c: {  	s17 =	sshll.u32 s0, $0xA;
	s2 =	sadd.s32 s3, s2  }
0x8d: {  	s2 =	sadd.s32 s2, s17  }
0x8e: {  	[smem:$0x3FBE] =	sst s2  }
0x8f: {  	_ = 	snop  }
0x90: {  	s2 =	sld [smem:$0x3FD0];
	(tm) =	ssettm $0x1  }
0x91: {  	s18 =	sld [smem:$0x3FFB];
	_ =	sdelay $0x3  }
0x92: {  	_ =	strace s18  }
0x93: {  	s3 =	sld [smem:$0x3FFC];
	_ =	sdelay $0x3  }
0x94: {  	_ =	strace s3  }
0x95: {  	s3 =	sld [smem:$0x3FFD];
	_ =	sdelay $0x3  }
0x96: {  	_ =	strace s3  }
0x97: {  	_ =	strace $0x8FFFFFFF  }
0x98: {  	s19 =	sld [smem:$0x3FDB];
	_ =	sdelay $0x1  }
0x99: {  	s4 =	simm.s32 $_scs_section_size  }
0x9a: {  	s5 =	simm.s32 $_size__tile_overlayer_lowered;
	s6 =	simm.s32 $_tile_overlayer_lowered  }
0x9b: {  	s22 =	simm.s32 $0x1BFF;
	s21 =	sshll.u32 s6, $0x1;
	s3 =	sadd.s32 s4, s19  }
0x9c: {  	s7 =	simm.s32 $0x0;
	s20 =	sshll.u32 s5, $0x1;
	s5 =	sadd.s32 s21, s3  }
0x9d: {  	[timem:s7], [sflag:s22] =	dma.local [hbm:s5], s20  }
0x9e: {  	_ =	swait.ge [sflag:s22], s20  }
0x9f: {  	s4 =	ssub.s32 $0x0, s20;
	[sflag:s22] =	ssyncset.done $0x0  }
0xa0: {  	[sflag:s22] =	ssyncadd.s32 s4;
	_ =	sdelay $0x1  }
0xa1: {  	s23 =	simm.s32 $0x1B8B  }
0xa2: {  	_ =	swait.ge [sflag:s23], $0x1  }
0xa3: {  	[sflag:s23] =	ssyncset.done $0x0  }
0xa4: {  	s25 =	simm.s32 $0x1B8E;
	s24 =	sld [smem:$0x3FFE];
	[sflag:s23] =	ssyncadd.s32 $0xFFFFFFFF  }
0xa5: {  	s26 =	simm.s32 $execute0_lowered;
	[smem:$0x3FD2] =	sst s25  }
0xa6: {  	s5 =	sshll.u32 s26, $0x1;
	_ =	strace $0x80000046;
	[dreg:$0x1] =	wrdreg $0xFFFFFFFF  }
0xa7: {  	s28 =	simm.s32 $_size_execute0_lowered;
	s3 =	sadd.s32 s3, s5;
	[dreg:$0x0] =	wrdreg $0x0  }
0xa8: {  	s5 =	sshll.u32 s28, $0x1;
	[dreg:$0x2] =	wrdreg s3  }
0xa9: {  	[dreg:$0x3] =	wrdreg s5  }
0xaa: {  	[dreg:$0x4] =	wrdreg $0xC0  }
0xab: {  	_ =	task [dreg:s7], $0x5FFFF  }
0xac: {  	[dreg:$0x1] =	wrdreg $0xFFFFFFFF  }
0xad: {  	[dreg:$0x0] =	wrdreg $0x60  }
0xae: {  	[dreg:$0x2] =	wrdreg s2  }
0xaf: {  	[dreg:$0x3] =	wrdreg s24  }
0xb0: {  	[dreg:$0x4] =	wrdreg $0x2B000  }
0xb1: {  	[dreg:$0x5] =	wrdreg $0x9  }
0xb2: {  	_ =	task.clear_ibuf [dreg:s7], $0x6FFFF;
	_ =	strace $0x90000046  }
0xb3: {  	s29 =	simm.s32 $0x9;
	_ =	strace $0x80000048  }
0xb4: {  	_ =	swait.ge [sflag:s29], $0x1  }
0xb5: {  	[sflag:s29] =	ssyncadd.s32 $0xFFFFFFFF  }
0xb6: {  	_ =	strace $0x90000048  }
0xb7: {  	_ =	sfence  }
0xb8: {  	s30 =	sld [smem:$0x0];
	_ =	sdelay $0x2  }
0xb9: {  	s31 =	sshll.u32 s1, $0xD;
	s1 =	sshrl.u32 s1, $0x2  }
0xba: {  	s3 =	sand.u32 $0x4000, s31;
	s1 =	sadd.s32 s1, s30  }
0xbb: {  	s0 =	sor.u32 s3, s0;
	s1 =	sshll.u32 s1, $0x11  }
0xbc: {  	s0 =	sor.u32 s1, s0  }
0xbd: {  	s0 =	sadd.s32 $0x8F2B, s0  }
0xbe: {  	[sflag:s0] =	ssyncadd.remote.s32 $0x1  }
0xbf: {  	_ =	sfence.sel $0xFFFF  }
0xc0: {  	[dreg:$0x0] =	wrdreg $0xFFFFFFFF;
	(pc) =	sbr.abs _section_cstart, $3  }
0xc1: {  	[dreg:$0x1] =	wrdreg $0xFFFFFFFF  }
0xc2: {  	_ =	task.clear_ibuf [dreg:s7], $0x2FFFF;
	_ =	strace $0x9FFFFFFF  }
0xc3: {  	(tm) =	ssettm $0x7FFFFFFF  }
tec
execute0_lowered:
.L_overlay_start_1:
0x0: {  	(tag) =	ssettag $0x1  }
0x1: {  	s5 =	rddreg [dreg:$0x0]  }
0x2: {  	s4 =	rddreg [dreg:$0x1];
	s1 =	srdreg.scid  }
0x3: {  	s0 =	stileid.u32;
	s2 =	rddreg [dreg:$0x2];
	s3 =	simm.s32 $0x0  }
0x4: {  	s11 =	simm.s32 $0x2800;
	s6 =	sand.u32 $0x1, s1;
	s1 =	rddreg [dreg:$0x3]  }
0x5: {  	s14 =	simm.s32 $0x0;
	s7 =	smul.u32 $0x280, s0;
	[smem:$0x7FF] =	sst s3  }
0x6: {  	s9 =	sshll.u32 s0, $0x1;
	s12 =	sshll.u32 s0, $0x6;
	s8 =	smul.u32 $0x2800, s6  }
0x7: {  	s10 =	ssub.s32 $0x2, s6;
	s6 =	sor.u32 s6, s9;
	_ =	strace $0x80000047  }
0x8: {  	s31 =	sshrl.u32 s10, $0x1;
	s6 =	smul.u32 $0x500, s6;
	s8 =	sadd.s32 s7, s8  }
0x9: {  	s12 =	sor.u32 $0x1C01, s12;
	s9 =	ssub.s32 s10, s31;
	s8 =	sshrl.u32 s8, $0x3  }
0xa: {  	s10 =	simm.s32 $0x80;
	s5 =	sadd.s32 s5, s6;
	s8 =	sadd.s32 s8, s4  }
0xb: {  	s4 =	sadd.s32 s7, s2;
	s7 =	smax.u32 s9, $0x1;
	s9 =	simm.s32 $0x1  }
0xc: {  	v0 =	vimm.f32 $1.000000000e+00;
	v1 =	vimm.f32 $0.0e+00;
	s6 =	sadd.s32 $0xC600, s8;
	s8 =	simm.s32 $0x2880;
	s13 =	sshrl.u32 s4, $0x3  }
.LBB2_1:
0xd: {  	[tilespmem:$0x2800] =	vst v0  }
0xe: {  	[tilespmem:$0x2810] =	vst v0  }
0xf: {  	[tilespmem:$0x2820] =	vst v0  }
0x10: {  	[tilespmem:$0x2830] =	vst v0  }
0x11: {  	[tilespmem:$0x2840] =	vst v0  }
0x12: {  	[tilespmem:$0x2850] =	vst v0  }
0x13: {  	[tilespmem:$0x2860] =	vst v0  }
0x14: {  	[tilespmem:$0x2870] =	vst v0  }
0x15: {  	[tilespmem:$0x2880] =	vst v1  }
0x16: {  	[tilespmem:$0x2890] =	vst v1  }
0x17: {  	[tilespmem:$0x28A0] =	vst v1  }
0x18: {  	[tilespmem:$0x28B0] =	vst v1  }
0x19: {  	[tilespmem:$0x28C0] =	vst v1  }
0x1a: {  	[tilespmem:$0x28D0] =	vst v1  }
0x1b: {  	[tilespmem:$0x28E0] =	vst v1  }
0x1c: {  	[tilespmem:$0x28F0] =	vst v1  }
0x1d: {  	[tilespmem:$0x2900] =	vst v1  }
0x1e: {  	[tilespmem:$0x2910] =	vst v1  }
0x1f: {  	[tilespmem:$0x2920] =	vst v1  }
0x20: {  	[tilespmem:$0x2930] =	vst v1  }
0x21: {  	[tilespmem:$0x2940] =	vst v1  }
0x22: {  	[tilespmem:$0x2950] =	vst v1  }
0x23: {  	[tilespmem:$0x2960] =	vst v1  }
0x24: {  	[tilespmem:$0x2970] =	vst v1  }
0x25: {  	[tilespmem:$0x2980] =	vst v1  }
0x26: {  	[tilespmem:$0x2990] =	vst v1  }
0x27: {  	[tilespmem:$0x29A0] =	vst v1  }
0x28: {  	[tilespmem:$0x29B0] =	vst v1  }
0x29: {  	[tilespmem:$0x29C0] =	vst v1  }
0x2a: {  	[tilespmem:$0x29D0] =	vst v1  }
0x2b: {  	[tilespmem:$0x29E0] =	vst v1  }
0x2c: {  	[tilespmem:$0x29F0] =	vst v1  }
0x2d: {  	[tilespmem:$0x2A00] =	vst v1  }
0x2e: {  	[tilespmem:$0x2A10] =	vst v1  }
0x2f: {  	[tilespmem:$0x2A20] =	vst v1  }
0x30: {  	[tilespmem:$0x2A30] =	vst v1  }
0x31: {  	[tilespmem:$0x2A40] =	vst v1  }
0x32: {  	[tilespmem:$0x2A50] =	vst v1  }
0x33: {  	[tilespmem:$0x2A60] =	vst v1  }
0x34: {  	[tilespmem:$0x2A70] =	vst v1  }
0x35: {  	[tilespmem:$0x2A80] =	vst v1  }
0x36: {  	[tilespmem:$0x2A90] =	vst v1  }
0x37: {  	[tilespmem:$0x2AA0] =	vst v1  }
0x38: {  	[tilespmem:$0x2AB0] =	vst v1  }
0x39: {  	[tilespmem:$0x2AC0] =	vst v1  }
0x3a: {  	[tilespmem:$0x2AD0] =	vst v1  }
0x3b: {  	[tilespmem:$0x2AE0] =	vst v1  }
0x3c: {  	[tilespmem:$0x2AF0] =	vst v1  }
0x3d: {  	[spmem:s4] =	stream.linear.scatter [tilespmem:s8], [sflag:$0x1], $0x280, $0x38;
	[tilespmem:$0x2D80] =	vst v63  }
0x3e: {  	_ =	swait.ge [sflag:s9], $0x280  }
0x3f: {  	[sflag:s9] =	ssyncset.done $0x0  }
0x40: {  	[sflag:s9] =	ssyncadd.s32 $0xFFFFFD80  }
0x41: {  	[tilespmem:s3], [sflag:$0x1] =	stream.linear.gather [hbm4b:s5+s3], $0x2800, $0x38;
	[tilespmem:$0x2D80] =	vst v63  }
0x42: {  	_ =	swait.ge [sflag:s9], $0x2800  }
0x43: {  	[sflag:s9] =	ssyncset.done $0x0  }
0x44: {  	[sflag:s9] =	ssyncadd.s32 $0xFFFFD800  }
0x45: {  	s15 =	simm.s32 $0x0;
	[bflag:$0x0] =	sbarrier.arrive $0xFFFF  }
0x46: {  	[spmem:s2] =	stream.indirect.scatter.add.f32 [tilespmem:s11], [sflag:$0x1], $0x1, s15, s10, $0xb8;
	[tilespmem:$0x2D80] =	vst v63  }
0x47: {  	_ =	swait.ge [sflag:s9], $0x80  }
0x48: {  	s15 =	simm.s32 $0x200;
	[sflag:s9] =	ssyncset.done $0x0  }
.LBB2_2:
0x49: {  	s16 =	sshra.s32 s15, $0x2;
	[sflag:s9] =	ssyncadd.s32 $0xFFFFFF80;
	p0 =	sne.s32 s15, $0x9E00  }
0x4a: {  	[spmem:s2] =	stream.indirect.scatter.add.f32 [tilespmem:s11], [sflag:$0x1], $0x1, s16, s10, $0xb8;
	[tilespmem:$0x2D80] =	vst v63  }
.Ltmp0:
0x4b: {  	_ = 	snop;
	(pc) =	sbr.rel @p0 .LBB2_2-.Ltmp0, $4  }
0x4c: {  	_ = 	snop  }
0x4d: {  	s15 =	sadd.s32 $0x200, s15  }
0x4e: {  	_ =	swait.ge [sflag:s9], $0x80  }
0x4f: {  	[sflag:s9] =	ssyncset.done $0x0  }
0x50: {  	s14 =	sadd.s32 $0x1, s14  }
0x51: {  	[sflag:s9] =	ssyncadd.s32 $0xFFFFFF80;
	p0 =	sne.s32 s14, s7  }
.Ltmp1:
0x52: {  	[bflag:$0x0] =	sbarrier.arrive $0xFFFF;
	(pc) =	sbr.rel @p0 .LBB2_1-.Ltmp1, $4  }
0x53: {  	[hbm:s6], [sflag:s12] =	dma.local [spmem:s13], $0x50  }
0x54: {  	_ =	swait.ge [sflag:s9], $0x50  }
0x55: {  	[sflag:s9] =	ssyncset.done $0x0  }
0x56: {  	[sflag:s9] =	ssyncadd.s32 $0xFFFFFFB0  }
0x57: {  	_ =	sfence.sel $0x180000  }
0x58: {  	[bflag:$0x0] =	sbarrier.arrive $0xFFFF  }
0x59: {  	p0 =	sne.s32 s0, $0x0;
	_ =	strace $0x90000047  }
0x5a: {  	s0 =	sadd.s32 @!p0 $0x100000, s1;
	[bflag:$0x2] =	sbarrier.arrive $0xFFFF  }
0x5b: {  	[sflag:s0] =	ssyncadd.tile.s32 @!p0 $0x1;
	_ =	shalt  }
.Lfunc_end2:
_tile_overlayer_lowered:
.L_overlay_start_2:
0x5c: {  	(tag) =	ssettag $0x2  }
0x5d: {  	s0 =	rddreg [dreg:$0x0];
	s2 =	stileid.u32  }
0x5e: {  	s1 =	rddreg [dreg:$0x1];
	p0 =	sne.s32 s2, $0x0  }
0x5f: {  	s3 =	rddreg [dreg:$0x2];
	[bflag:$0x3] =	sbarrier.arrive $0xFFFF;
	s2 =	simm.s32 @!p0 $0x1C01  }
0x60: {  	[timem:s3], [sflag:s2] =	dma.local @!p0 [hbm:s0], s1  }
0x61: {  	s0 =	simm.s32 @!p0 $0x1  }
0x62: {  	_ =	swait.ge @!p0 [sflag:s0], s1  }
0x63: {  	s1 =	ssub.s32 @!p0 $0x0, s1;
	[sflag:s0] =	ssyncset.done @!p0 $0x0  }
0x64: {  	[sflag:s0] =	ssyncadd.s32 @!p0 s1  }
0x65: {  	[bflag:$0x3] =	sbarrier.arrive $0xFFFF  }
0x66: {  	_ =	shalt  }

</sc_bundles>
